<compile_context>
chip_gen: v7x
topology: tpu7x:2x2x1
jax: 0.10.2.dev20260603
libtpu: 0.0.44.dev20260713+nightly
codegen_flags: <defaults>
</compile_context>

<pallas_src>
import functools
import jax
import jax.numpy as jnp
from jax import lax
from jax.experimental import pallas as pl
from jax.experimental.pallas import tpu as pltpu
from jax.experimental.pallas import tpu_sc as plsc

D = 64
DP = 128
SCALE = 8.0
HALVES = ((0, 104), (104, 96))
NC, NS = 2, 16
NW = NC * NS
NBUF = 3


def kernel(token, embeddings):
    BATCH, SEQ = token.shape
    rows_per_w = BATCH // NW
    tok2d = token.astype(jnp.int32)
    tblp = jnp.pad(embeddings, ((0, 0), (0, DP - D)))

    mesh = plsc.VectorSubcoreMesh(
        core_axis_name="c", subcore_axis_name="s",
        num_cores=NC, num_subcores=NS)

    @functools.partial(
        pl.kernel,
        out_type=jax.ShapeDtypeStruct((BATCH, SEQ, DP), jnp.float32),
        mesh=mesh,
        compiler_params=pltpu.CompilerParams(
            use_tc_tiling_on_sc=False, skip_device_barrier=True),
        scratch_types=[
            pltpu.VMEM((rows_per_w, SEQ), jnp.int32),
            pltpu.VMEM((NBUF, SEQ, DP), jnp.float32),
            pltpu.SemaphoreType.DMA,
            pltpu.SemaphoreType.DMA,
            pltpu.SemaphoreType.DMA,
            pltpu.SemaphoreType.DMA,
            pltpu.SemaphoreType.DMA,
            pltpu.SemaphoreType.DMA,
        ],
    )
    def emb(tok_hbm, table_hbm, out_hbm, idx_v, raw_v,
            gsem0, gsem1, gsem2, ssem0, ssem1, ssem2):
        gsems = (gsem0, gsem1, gsem2)
        ssems = (ssem0, ssem1, ssem2)
        wid = lax.axis_index("s") * NC + lax.axis_index("c")
        brow = wid * rows_per_w

        pltpu.sync_copy(tok_hbm.at[pl.ds(brow, rows_per_w)], idx_v)

        def start_gathers(r, s):
            for off, ln in HALVES:
                pltpu.async_copy(
                    table_hbm.at[idx_v.at[r, pl.ds(off, ln)]],
                    raw_v.at[s, pl.ds(off, ln)],
                    gsems[s])

        def wait_gathers(s):
            for off, ln in HALVES:
                pltpu.make_async_copy(
                    table_hbm.at[pl.ds(0, ln)],
                    raw_v.at[s, pl.ds(off, ln)],
                    gsems[s]).wait()

        def start_store(r, s):
            pltpu.async_copy(raw_v.at[s], out_hbm.at[brow + r], ssems[s])

        def wait_store(s):
            pltpu.make_async_copy(raw_v.at[s], out_hbm.at[brow],
                                  ssems[s]).wait()

        def scale(s):
            def row_body(i, c):
                for k in range(D // 16):
                    sl = pl.ds(k * 16, 16)
                    raw_v[s, i, sl] = raw_v[s, i, sl] * SCALE
                return c
            lax.fori_loop(0, SEQ, row_body, 0)

        def step(r, s, do_issue):
            wait_gathers(s)
            scale(s)
            start_store(r, s)
            if do_issue:
                wait_store(s)
                start_gathers(r + NBUF, s)

        for s in range(NBUF):
            start_gathers(s, s)
        for r in range(NBUF):
            step(r, r % NBUF, True)

        n_main = (rows_per_w - 2 * NBUF) // NBUF
        def main_body(g, carry):
            for b in range(NBUF):
                step(g * NBUF + b, b, True)
            return carry
        lax.fori_loop(1, 1 + n_main, main_body, 0)

        done = NBUF + n_main * NBUF
        for r in range(done, rows_per_w):
            step(r, r % NBUF, r + NBUF < rows_per_w)

        for s in range(NBUF):
            wait_store(s)

    out3 = emb(tok2d, tblp)
    return out3[:, :, :D]

# --- scband reference (transcript-rebuilt; emitter-appended) ---
"""Pipeline reference for scband-embedding-37855841747245 (READ-ONLY COPY).

The authoritative reference and input builder live on the scoring server;
editing this copy changes nothing except your own understanding.
"""

import jax, jax.numpy as jnp
import numpy as np

MODEL_DIM = 64
VOCAB_SIZE = 1000000

def setup_inputs(seed: int = 0) -> dict:
    key = jax.random.key(seed)
    k1, k2 = jax.random.split(key)
    token = jax.random.randint(k1, (4096, 200), 0, VOCAB_SIZE, dtype=jnp.int64 if jax.config.jax_enable_x64 else jnp.int32)
    # glorot_uniform init for embeddings table
    limit = np.sqrt(6.0 / (VOCAB_SIZE + MODEL_DIM))
    embeddings = jax.random.uniform(k2, (VOCAB_SIZE, MODEL_DIM), dtype=jnp.float32, minval=-limit, maxval=limit)
    return {"token": token, "embeddings": embeddings}

def reference(token, embeddings):
    # cast to int32 as in the original layer
    token = token.astype(jnp.int32)
    embedding = jnp.take(embeddings, token, axis=0)
    embedding = embedding * (MODEL_DIM ** 0.5)
    return embedding

if __name__ == "__main__":
    import jax
    _d = setup_inputs()
    print(jax.jit(kernel)(*tuple(_d.values())))

</pallas_src>

<mosaic_0001>
#map = affine_map<(d0, d1) -> (0, 0)>
#map1 = affine_map<(d0, d1) -> (0, 0, 0)>
module attributes {stable_mosaic.version = 14 : i64} {
  func.func @emb(%arg0: i32, %arg1: i32, %arg2: memref<4096x200xi32, #tpu.memory_space<hbm>>, %arg3: memref<1000000x128xf32, #tpu.memory_space<hbm>>, %arg4: memref<4096x200x128xf32, #tpu.memory_space<hbm>>, %arg5: memref<128x200xi32, #tpu.memory_space<vmem>>, %arg6: memref<3x200x128xf32, #tpu.memory_space<vmem>>, %arg7: memref<!tpu.dma_semaphore, #tpu.memory_space<semaphore_mem>>, %arg8: memref<!tpu.dma_semaphore, #tpu.memory_space<semaphore_mem>>, %arg9: memref<!tpu.dma_semaphore, #tpu.memory_space<semaphore_mem>>, %arg10: memref<!tpu.dma_semaphore, #tpu.memory_space<semaphore_mem>>, %arg11: memref<!tpu.dma_semaphore, #tpu.memory_space<semaphore_mem>>, %arg12: memref<!tpu.dma_semaphore, #tpu.memory_space<semaphore_mem>>) attributes {dimension_semantics = [#tpu.dimension_semantics<core_parallel>, #tpu.dimension_semantics<subcore_parallel>], iteration_bounds = array<i64: 2, 16>, scalar_prefetch = 0 : i64, scratch_operands = 8 : i64, tpu.core_type = #tpu.core_type<sc_vector_subcore>, window_params = [{transform_indices = #map}, {transform_indices = #map}, {transform_indices = #map1}]} {
    %mul3A = arith.constant 2 : i32
    %mul3A_0 = arith.muli %arg1, %mul3A : i32
    %add3A = arith.addi %mul3A_0, %arg0 : i32
    %mul3A_1 = arith.constant 128 : i32
    %mul3A_2 = arith.muli %add3A, %mul3A_1 : i32
    "tpu.region"() ({
      %run_scoped3A = tpu.sem_alloc : memref<!tpu.dma_semaphore, #tpu.memory_space<semaphore_mem>>
      %dma_start3A_774 = arith.constant 0 : i32
      %dma_start3A_775 = tpu.memref_slice %arg2[%mul3A_2, %dma_start3A_774] : memref<4096x200xi32, #tpu.memory_space<hbm>> -> memref<128x200xi32, #tpu.memory_space<hbm>>
      %dma_start3A_776 = arith.constant 0 : i32
      %dma_start3A_777 = tpu.memref_slice %arg2[%mul3A_2, %dma_start3A_776] : memref<4096x200xi32, #tpu.memory_space<hbm>> -> memref<128x200xi32, #tpu.memory_space<hbm>>
      tpu.enqueue_dma source(%dma_start3A_777 : memref<128x200xi32, #tpu.memory_space<hbm>>) target(%arg5 : memref<128x200xi32, #tpu.memory_space<vmem>>) target_semaphore(%run_scoped3A : memref<!tpu.dma_semaphore, #tpu.memory_space<semaphore_mem>>)
      %dma_wait3A_778 = arith.constant 0 : i32
      %dma_wait3A_779 = tpu.memref_slice %arg2[%mul3A_2, %dma_wait3A_778] : memref<4096x200xi32, #tpu.memory_space<hbm>> -> memref<128x200xi32, #tpu.memory_space<hbm>>
      %dma_wait3A_780 = arith.constant 0 : i32
      %dma_wait3A_781 = tpu.memref_slice %arg2[%mul3A_2, %dma_wait3A_780] : memref<4096x200xi32, #tpu.memory_space<hbm>> -> memref<128x200xi32, #tpu.memory_space<hbm>>
      tpu.wait_dma2 semaphore(%run_scoped3A : memref<!tpu.dma_semaphore, #tpu.memory_space<semaphore_mem>>) src(%dma_wait3A_781 : memref<128x200xi32, #tpu.memory_space<hbm>>) dst(%arg5 : memref<128x200xi32, #tpu.memory_space<vmem>>)
      tpu.yield
    }) : () -> ()
    %dma_start3A = arith.constant 0 : i32
    %dma_start3A_3 = arith.constant 0 : i32
    %dma_start3A_4 = arith.constant 0 : i32
    %dma_start3A_5 = arith.constant 0 : i32
    %dma_start3A_6 = tpu.memref_slice %arg6[%dma_start3A_3, %dma_start3A_4, %dma_start3A_5] : memref<3x200x128xf32, #tpu.memory_space<vmem>> -> memref<1x104x128xf32, #tpu.memory_space<vmem>>
    %dma_start3A_7 = tpu.memref_squeeze %dma_start3A_6 : memref<1x104x128xf32, #tpu.memory_space<vmem>> -> memref<104x128xf32, #tpu.memory_space<vmem>>
    %dma_start3A_8 = arith.constant 0 : i32
    %dma_start3A_9 = tpu.memref_slice %arg5[%dma_start3A, %dma_start3A_8] : memref<128x200xi32, #tpu.memory_space<vmem>> -> memref<1x104xi32, #tpu.memory_space<vmem>>
    %dma_start3A_10 = tpu.memref_squeeze %dma_start3A_9 : memref<1x104xi32, #tpu.memory_space<vmem>> -> memref<104xi32, #tpu.memory_space<vmem>>
    %dma_start3A_11 = arith.constant 0 : i32
    %dma_start3A_12 = arith.constant 0 : i32
    %dma_start3A_13 = tpu.memref_slice %arg3[%dma_start3A_11, %dma_start3A_12] : memref<1000000x128xf32, #tpu.memory_space<hbm>> -> memref<1000000x128xf32, #tpu.memory_space<hbm>>
    tpu.enqueue_indirect_dma source(%dma_start3A_13 : memref<1000000x128xf32, #tpu.memory_space<hbm>>) target(%dma_start3A_7 : memref<104x128xf32, #tpu.memory_space<vmem>>) offsets(%dma_start3A_10 : memref<104xi32, #tpu.memory_space<vmem>>) semaphore(%arg7 : memref<!tpu.dma_semaphore, #tpu.memory_space<semaphore_mem>>)
    %dma_start3A_14 = arith.constant 0 : i32
    %dma_start3A_15 = arith.constant 0 : i32
    %dma_start3A_16 = arith.constant 104 : i32
    %dma_start3A_17 = arith.constant 0 : i32
    %dma_start3A_18 = tpu.memref_slice %arg6[%dma_start3A_15, %dma_start3A_16, %dma_start3A_17] : memref<3x200x128xf32, #tpu.memory_space<vmem>> -> memref<1x96x128xf32, #tpu.memory_space<vmem>>
    %dma_start3A_19 = tpu.memref_squeeze %dma_start3A_18 : memref<1x96x128xf32, #tpu.memory_space<vmem>> -> memref<96x128xf32, #tpu.memory_space<vmem>>
    %dma_start3A_20 = arith.constant 104 : i32
    %dma_start3A_21 = tpu.memref_slice %arg5[%dma_start3A_14, %dma_start3A_20] : memref<128x200xi32, #tpu.memory_space<vmem>> -> memref<1x96xi32, #tpu.memory_space<vmem>>
    %dma_start3A_22 = tpu.memref_squeeze %dma_start3A_21 : memref<1x96xi32, #tpu.memory_space<vmem>> -> memref<96xi32, #tpu.memory_space<vmem>>
    %dma_start3A_23 = arith.constant 0 : i32
    %dma_start3A_24 = arith.constant 0 : i32
    %dma_start3A_25 = tpu.memref_slice %arg3[%dma_start3A_23, %dma_start3A_24] : memref<1000000x128xf32, #tpu.memory_space<hbm>> -> memref<1000000x128xf32, #tpu.memory_space<hbm>>
    tpu.enqueue_indirect_dma source(%dma_start3A_25 : memref<1000000x128xf32, #tpu.memory_space<hbm>>) target(%dma_start3A_19 : memref<96x128xf32, #tpu.memory_space<vmem>>) offsets(%dma_start3A_22 : memref<96xi32, #tpu.memory_space<vmem>>) semaphore(%arg7 : memref<!tpu.dma_semaphore, #tpu.memory_space<semaphore_mem>>)
    %dma_start3A_26 = arith.constant 1 : i32
    %dma_start3A_27 = arith.constant 1 : i32
    %dma_start3A_28 = arith.constant 0 : i32
    %dma_start3A_29 = arith.constant 0 : i32
    %dma_start3A_30 = tpu.memref_slice %arg6[%dma_start3A_27, %dma_start3A_28, %dma_start3A_29] : memref<3x200x128xf32, #tpu.memory_space<vmem>> -> memref<1x104x128xf32, #tpu.memory_space<vmem>>
    %dma_start3A_31 = tpu.memref_squeeze %dma_start3A_30 : memref<1x104x128xf32, #tpu.memory_space<vmem>> -> memref<104x128xf32, #tpu.memory_space<vmem>>
    %dma_start3A_32 = arith.constant 0 : i32
    %dma_start3A_33 = tpu.memref_slice %arg5[%dma_start3A_26, %dma_start3A_32] : memref<128x200xi32, #tpu.memory_space<vmem>> -> memref<1x104xi32, #tpu.memory_space<vmem>>
    %dma_start3A_34 = tpu.memref_squeeze %dma_start3A_33 : memref<1x104xi32, #tpu.memory_space<vmem>> -> memref<104xi32, #tpu.memory_space<vmem>>
    %dma_start3A_35 = arith.constant 0 : i32
    %dma_start3A_36 = arith.constant 0 : i32
    %dma_start3A_37 = tpu.memref_slice %arg3[%dma_start3A_35, %dma_start3A_36] : memref<1000000x128xf32, #tpu.memory_space<hbm>> -> memref<1000000x128xf32, #tpu.memory_space<hbm>>
    tpu.enqueue_indirect_dma source(%dma_start3A_37 : memref<1000000x128xf32, #tpu.memory_space<hbm>>) target(%dma_start3A_31 : memref<104x128xf32, #tpu.memory_space<vmem>>) offsets(%dma_start3A_34 : memref<104xi32, #tpu.memory_space<vmem>>) semaphore(%arg8 : memref<!tpu.dma_semaphore, #tpu.memory_space<semaphore_mem>>)
    %dma_start3A_38 = arith.constant 1 : i32
    %dma_start3A_39 = arith.constant 1 : i32
    %dma_start3A_40 = arith.constant 104 : i32
    %dma_start3A_41 = arith.constant 0 : i32
    %dma_start3A_42 = tpu.memref_slice %arg6[%dma_start3A_39, %dma_start3A_40, %dma_start3A_41] : memref<3x200x128xf32, #tpu.memory_space<vmem>> -> memref<1x96x128xf32, #tpu.memory_space<vmem>>
    %dma_start3A_43 = tpu.memref_squeeze %dma_start3A_42 : memref<1x96x128xf32, #tpu.memory_space<vmem>> -> memref<96x128xf32, #tpu.memory_space<vmem>>
    %dma_start3A_44 = arith.constant 104 : i32
    %dma_start3A_45 = tpu.memref_slice %arg5[%dma_start3A_38, %dma_start3A_44] : memref<128x200xi32, #tpu.memory_space<vmem>> -> memref<1x96xi32, #tpu.memory_space<vmem>>
    %dma_start3A_46 = tpu.memref_squeeze %dma_start3A_45 : memref<1x96xi32, #tpu.memory_space<vmem>> -> memref<96xi32, #tpu.memory_space<vmem>>
    %dma_start3A_47 = arith.constant 0 : i32
    %dma_start3A_48 = arith.constant 0 : i32
    %dma_start3A_49 = tpu.memref_slice %arg3[%dma_start3A_47, %dma_start3A_48] : memref<1000000x128xf32, #tpu.memory_space<hbm>> -> memref<1000000x128xf32, #tpu.memory_space<hbm>>
    tpu.enqueue_indirect_dma source(%dma_start3A_49 : memref<1000000x128xf32, #tpu.memory_space<hbm>>) target(%dma_start3A_43 : memref<96x128xf32, #tpu.memory_space<vmem>>) offsets(%dma_start3A_46 : memref<96xi32, #tpu.memory_space<vmem>>) semaphore(%arg8 : memref<!tpu.dma_semaphore, #tpu.memory_space<semaphore_mem>>)
    %dma_start3A_50 = arith.constant 2 : i32
    %dma_start3A_51 = arith.constant 2 : i32
    %dma_start3A_52 = arith.constant 0 : i32
    %dma_start3A_53 = arith.constant 0 : i32
    %dma_start3A_54 = tpu.memref_slice %arg6[%dma_start3A_51, %dma_start3A_52, %dma_start3A_53] : memref<3x200x128xf32, #tpu.memory_space<vmem>> -> memref<1x104x128xf32, #tpu.memory_space<vmem>>
    %dma_start3A_55 = tpu.memref_squeeze %dma_start3A_54 : memref<1x104x128xf32, #tpu.memory_space<vmem>> -> memref<104x128xf32, #tpu.memory_space<vmem>>
    %dma_start3A_56 = arith.constant 0 : i32
    %dma_start3A_57 = tpu.memref_slice %arg5[%dma_start3A_50, %dma_start3A_56] : memref<128x200xi32, #tpu.memory_space<vmem>> -> memref<1x104xi32, #tpu.memory_space<vmem>>
    %dma_start3A_58 = tpu.memref_squeeze %dma_start3A_57 : memref<1x104xi32, #tpu.memory_space<vmem>> -> memref<104xi32, #tpu.memory_space<vmem>>
    %dma_start3A_59 = arith.constant 0 : i32
    %dma_start3A_60 = arith.constant 0 : i32
    %dma_start3A_61 = tpu.memref_slice %arg3[%dma_start3A_59, %dma_start3A_60] : memref<1000000x128xf32, #tpu.memory_space<hbm>> -> memref<1000000x128xf32, #tpu.memory_space<hbm>>
    tpu.enqueue_indirect_dma source(%dma_start3A_61 : memref<1000000x128xf32, #tpu.memory_space<hbm>>) target(%dma_start3A_55 : memref<104x128xf32, #tpu.memory_space<vmem>>) offsets(%dma_start3A_58 : memref<104xi32, #tpu.memory_space<vmem>>) semaphore(%arg9 : memref<!tpu.dma_semaphore, #tpu.memory_space<semaphore_mem>>)
    %dma_start3A_62 = arith.constant 2 : i32
    %dma_start3A_63 = arith.constant 2 : i32
    %dma_start3A_64 = arith.constant 104 : i32
    %dma_start3A_65 = arith.constant 0 : i32
    %dma_start3A_66 = tpu.memref_slice %arg6[%dma_start3A_63, %dma_start3A_64, %dma_start3A_65] : memref<3x200x128xf32, #tpu.memory_space<vmem>> -> memref<1x96x128xf32, #tpu.memory_space<vmem>>
    %dma_start3A_67 = tpu.memref_squeeze %dma_start3A_66 : memref<1x96x128xf32, #tpu.memory_space<vmem>> -> memref<96x128xf32, #tpu.memory_space<vmem>>
    %dma_start3A_68 = arith.constant 104 : i32
    %dma_start3A_69 = tpu.memref_slice %arg5[%dma_start3A_62, %dma_start3A_68] : memref<128x200xi32, #tpu.memory_space<vmem>> -> memref<1x96xi32, #tpu.memory_space<vmem>>
    %dma_start3A_70 = tpu.memref_squeeze %dma_start3A_69 : memref<1x96xi32, #tpu.memory_space<vmem>> -> memref<96xi32, #tpu.memory_space<vmem>>
    %dma_start3A_71 = arith.constant 0 : i32
    %dma_start3A_72 = arith.constant 0 : i32
    %dma_start3A_73 = tpu.memref_slice %arg3[%dma_start3A_71, %dma_start3A_72] : memref<1000000x128xf32, #tpu.memory_space<hbm>> -> memref<1000000x128xf32, #tpu.memory_space<hbm>>
    tpu.enqueue_indirect_dma source(%dma_start3A_73 : memref<1000000x128xf32, #tpu.memory_space<hbm>>) target(%dma_start3A_67 : memref<96x128xf32, #tpu.memory_space<vmem>>) offsets(%dma_start3A_70 : memref<96xi32, #tpu.memory_space<vmem>>) semaphore(%arg9 : memref<!tpu.dma_semaphore, #tpu.memory_space<semaphore_mem>>)
    %dma_wait3A = arith.constant 0 : i32
    %dma_wait3A_74 = arith.constant 0 : i32
    %dma_wait3A_75 = arith.constant 0 : i32
    %dma_wait3A_76 = tpu.memref_slice %arg6[%dma_wait3A, %dma_wait3A_74, %dma_wait3A_75] : memref<3x200x128xf32, #tpu.memory_space<vmem>> -> memref<1x104x128xf32, #tpu.memory_space<vmem>>
    %dma_wait3A_77 = tpu.memref_squeeze %dma_wait3A_76 : memref<1x104x128xf32, #tpu.memory_space<vmem>> -> memref<104x128xf32, #tpu.memory_space<vmem>>
    %dma_wait3A_78 = arith.constant 0 : i32
    %dma_wait3A_79 = arith.constant 0 : i32
    %dma_wait3A_80 = tpu.memref_slice %arg3[%dma_wait3A_78, %dma_wait3A_79] : memref<1000000x128xf32, #tpu.memory_space<hbm>> -> memref<104x128xf32, #tpu.memory_space<hbm>>
    %dma_wait3A_81 = arith.constant 0 : i32
    %dma_wait3A_82 = arith.constant 0 : i32
    %dma_wait3A_83 = tpu.memref_slice %arg6[%dma_wait3A, %dma_wait3A_81, %dma_wait3A_82] : memref<3x200x128xf32, #tpu.memory_space<vmem>> -> memref<1x104x128xf32, #tpu.memory_space<vmem>>
    %dma_wait3A_84 = tpu.memref_squeeze %dma_wait3A_83 : memref<1x104x128xf32, #tpu.memory_space<vmem>> -> memref<104x128xf32, #tpu.memory_space<vmem>>
    %dma_wait3A_85 = arith.constant 0 : i32
    %dma_wait3A_86 = arith.constant 0 : i32
    %dma_wait3A_87 = tpu.memref_slice %arg3[%dma_wait3A_85, %dma_wait3A_86] : memref<1000000x128xf32, #tpu.memory_space<hbm>> -> memref<104x128xf32, #tpu.memory_space<hbm>>
    tpu.wait_dma2 semaphore(%arg7 : memref<!tpu.dma_semaphore, #tpu.memory_space<semaphore_mem>>) src(%dma_wait3A_87 : memref<104x128xf32, #tpu.memory_space<hbm>>) dst(%dma_wait3A_84 : memref<104x128xf32, #tpu.memory_space<vmem>>)
    %dma_wait3A_88 = arith.constant 0 : i32
    %dma_wait3A_89 = arith.constant 104 : i32
    %dma_wait3A_90 = arith.constant 0 : i32
    %dma_wait3A_91 = tpu.memref_slice %arg6[%dma_wait3A_88, %dma_wait3A_89, %dma_wait3A_90] : memref<3x200x128xf32, #tpu.memory_space<vmem>> -> memref<1x96x128xf32, #tpu.memory_space<vmem>>
    %dma_wait3A_92 = tpu.memref_squeeze %dma_wait3A_91 : memref<1x96x128xf32, #tpu.memory_space<vmem>> -> memref<96x128xf32, #tpu.memory_space<vmem>>
    %dma_wait3A_93 = arith.constant 0 : i32
    %dma_wait3A_94 = arith.constant 0 : i32
    %dma_wait3A_95 = tpu.memref_slice %arg3[%dma_wait3A_93, %dma_wait3A_94] : memref<1000000x128xf32, #tpu.memory_space<hbm>> -> memref<96x128xf32, #tpu.memory_space<hbm>>
    %dma_wait3A_96 = arith.constant 104 : i32
    %dma_wait3A_97 = arith.constant 0 : i32
    %dma_wait3A_98 = tpu.memref_slice %arg6[%dma_wait3A_88, %dma_wait3A_96, %dma_wait3A_97] : memref<3x200x128xf32, #tpu.memory_space<vmem>> -> memref<1x96x128xf32, #tpu.memory_space<vmem>>
    %dma_wait3A_99 = tpu.memref_squeeze %dma_wait3A_98 : memref<1x96x128xf32, #tpu.memory_space<vmem>> -> memref<96x128xf32, #tpu.memory_space<vmem>>
    %dma_wait3A_100 = arith.constant 0 : i32
    %dma_wait3A_101 = arith.constant 0 : i32
    %dma_wait3A_102 = tpu.memref_slice %arg3[%dma_wait3A_100, %dma_wait3A_101] : memref<1000000x128xf32, #tpu.memory_space<hbm>> -> memref<96x128xf32, #tpu.memory_space<hbm>>
    tpu.wait_dma2 semaphore(%arg7 : memref<!tpu.dma_semaphore, #tpu.memory_space<semaphore_mem>>) src(%dma_wait3A_102 : memref<96x128xf32, #tpu.memory_space<hbm>>) dst(%dma_wait3A_99 : memref<96x128xf32, #tpu.memory_space<vmem>>)
    %scan3A = arith.constant 0 : i32
    %scan3A_103 = arith.constant 0 : i32
    %scan3A_104 = arith.constant 200 : i32
    %scan3A_105 = arith.addi %scan3A_103, %scan3A_104 : i32
    %scan3A_106 = arith.constant 1 : i32
    scf.for %scan3A_774 = %scan3A_103 to %scan3A_105 step %scan3A_106  : i32 {
      %get3A = arith.constant 0 : i32
      %get3A_775 = arith.index_cast %get3A : i32 to index
      %get3A_776 = arith.index_cast %scan3A_774 : i32 to index
      %get3A_777 = arith.constant 0 : index
      %get3A_778 = tpu.vector_load %arg6[%get3A_775, %get3A_776, %get3A_777] {strides = array<i32>} : memref<3x200x128xf32, #tpu.memory_space<vmem>>, vector<1x1x16xf32>,
      %get3A_779 = vector.shape_cast %get3A_778 : vector<1x1x16xf32> to vector<16xf32>
      %mul3A_780 = arith.constant 8.000000e+00 : f32
      %mul3A_781 = vector.broadcast %mul3A_780 : f32 to vector<16xf32>
      %mul3A_782 = arith.mulf %get3A_779, %mul3A_781 : vector<16xf32>
      %swap3A = arith.constant 0 : i32
      %swap3A_783 = arith.index_cast %swap3A : i32 to index
      %swap3A_784 = arith.index_cast %scan3A_774 : i32 to index
      %swap3A_785 = arith.constant 0 : index
      %swap3A_786 = tpu.vector_load %arg6[%swap3A_783, %swap3A_784, %swap3A_785] {strides = array<i32>} : memref<3x200x128xf32, #tpu.memory_space<vmem>>, vector<1x1x16xf32>,
      %swap3A_787 = vector.shape_cast %swap3A_786 : vector<1x1x16xf32> to vector<16xf32>
      %swap3A_788 = vector.shape_cast %mul3A_782 : vector<16xf32> to vector<1x1x16xf32>
      tpu.vector_store %arg6[%swap3A_783, %swap3A_784, %swap3A_785], %swap3A_788 {strides = array<i32>} : memref<3x200x128xf32, #tpu.memory_space<vmem>>, vector<1x1x16xf32>,
      %get3A_789 = arith.constant 0 : i32
      %get3A_790 = arith.index_cast %get3A_789 : i32 to index
      %get3A_791 = arith.index_cast %scan3A_774 : i32 to index
      %get3A_792 = arith.constant 16 : index
      %get3A_793 = tpu.vector_load %arg6[%get3A_790, %get3A_791, %get3A_792] {strides = array<i32>} : memref<3x200x128xf32, #tpu.memory_space<vmem>>, vector<1x1x16xf32>,
      %get3A_794 = vector.shape_cast %get3A_793 : vector<1x1x16xf32> to vector<16xf32>
      %mul3A_795 = arith.constant 8.000000e+00 : f32
      %mul3A_796 = vector.broadcast %mul3A_795 : f32 to vector<16xf32>
      %mul3A_797 = arith.mulf %get3A_794, %mul3A_796 : vector<16xf32>
      %swap3A_798 = arith.constant 0 : i32
      %swap3A_799 = arith.index_cast %swap3A_798 : i32 to index
      %swap3A_800 = arith.index_cast %scan3A_774 : i32 to index
      %swap3A_801 = arith.constant 16 : index
      %swap3A_802 = tpu.vector_load %arg6[%swap3A_799, %swap3A_800, %swap3A_801] {strides = array<i32>} : memref<3x200x128xf32, #tpu.memory_space<vmem>>, vector<1x1x16xf32>,
      %swap3A_803 = vector.shape_cast %swap3A_802 : vector<1x1x16xf32> to vector<16xf32>
      %swap3A_804 = vector.shape_cast %mul3A_797 : vector<16xf32> to vector<1x1x16xf32>
      tpu.vector_store %arg6[%swap3A_799, %swap3A_800, %swap3A_801], %swap3A_804 {strides = array<i32>} : memref<3x200x128xf32, #tpu.memory_space<vmem>>, vector<1x1x16xf32>,
      %get3A_805 = arith.constant 0 : i32
      %get3A_806 = arith.index_cast %get3A_805 : i32 to index
      %get3A_807 = arith.index_cast %scan3A_774 : i32 to index
      %get3A_808 = arith.constant 32 : index
      %get3A_809 = tpu.vector_load %arg6[%get3A_806, %get3A_807, %get3A_808] {strides = array<i32>} : memref<3x200x128xf32, #tpu.memory_space<vmem>>, vector<1x1x16xf32>,
      %get3A_810 = vector.shape_cast %get3A_809 : vector<1x1x16xf32> to vector<16xf32>
      %mul3A_811 = arith.constant 8.000000e+00 : f32
      %mul3A_812 = vector.broadcast %mul3A_811 : f32 to vector<16xf32>
      %mul3A_813 = arith.mulf %get3A_810, %mul3A_812 : vector<16xf32>
      %swap3A_814 = arith.constant 0 : i32
      %swap3A_815 = arith.index_cast %swap3A_814 : i32 to index
      %swap3A_816 = arith.index_cast %scan3A_774 : i32 to index
      %swap3A_817 = arith.constant 32 : index
      %swap3A_818 = tpu.vector_load %arg6[%swap3A_815, %swap3A_816, %swap3A_817] {strides = array<i32>} : memref<3x200x128xf32, #tpu.memory_space<vmem>>, vector<1x1x16xf32>,
      %swap3A_819 = vector.shape_cast %swap3A_818 : vector<1x1x16xf32> to vector<16xf32>
      %swap3A_820 = vector.shape_cast %mul3A_813 : vector<16xf32> to vector<1x1x16xf32>
      tpu.vector_store %arg6[%swap3A_815, %swap3A_816, %swap3A_817], %swap3A_820 {strides = array<i32>} : memref<3x200x128xf32, #tpu.memory_space<vmem>>, vector<1x1x16xf32>,
      %get3A_821 = arith.constant 0 : i32
      %get3A_822 = arith.index_cast %get3A_821 : i32 to index
      %get3A_823 = arith.index_cast %scan3A_774 : i32 to index
      %get3A_824 = arith.constant 48 : index
      %get3A_825 = tpu.vector_load %arg6[%get3A_822, %get3A_823, %get3A_824] {strides = array<i32>} : memref<3x200x128xf32, #tpu.memory_space<vmem>>, vector<1x1x16xf32>,
      %get3A_826 = vector.shape_cast %get3A_825 : vector<1x1x16xf32> to vector<16xf32>
      %mul3A_827 = arith.constant 8.000000e+00 : f32
      %mul3A_828 = vector.broadcast %mul3A_827 : f32 to vector<16xf32>
      %mul3A_829 = arith.mulf %get3A_826, %mul3A_828 : vector<16xf32>
      %swap3A_830 = arith.constant 0 : i32
      %swap3A_831 = arith.index_cast %swap3A_830 : i32 to index
      %swap3A_832 = arith.index_cast %scan3A_774 : i32 to index
      %swap3A_833 = arith.constant 48 : index
      %swap3A_834 = tpu.vector_load %arg6[%swap3A_831, %swap3A_832, %swap3A_833] {strides = array<i32>} : memref<3x200x128xf32, #tpu.memory_space<vmem>>, vector<1x1x16xf32>,
      %swap3A_835 = vector.shape_cast %swap3A_834 : vector<1x1x16xf32> to vector<16xf32>
      %swap3A_836 = vector.shape_cast %mul3A_829 : vector<16xf32> to vector<1x1x16xf32>
      tpu.vector_store %arg6[%swap3A_831, %swap3A_832, %swap3A_833], %swap3A_836 {strides = array<i32>} : memref<3x200x128xf32, #tpu.memory_space<vmem>>, vector<1x1x16xf32>,
    }
    %scan3A_107 = arith.constant 200 : i32
    %add3A_108 = arith.constant 0 : i32
    %add3A_109 = arith.addi %mul3A_2, %add3A_108 : i32
    %dma_start3A_110 = arith.constant 0 : i32
    %dma_start3A_111 = arith.constant 0 : i32
    %dma_start3A_112 = arith.constant 0 : i32
    %dma_start3A_113 = tpu.memref_slice %arg6[%dma_start3A_110, %dma_start3A_111, %dma_start3A_112] : memref<3x200x128xf32, #tpu.memory_space<vmem>> -> memref<1x200x128xf32, #tpu.memory_space<vmem>>
    %dma_start3A_114 = tpu.memref_squeeze %dma_start3A_113 : memref<1x200x128xf32, #tpu.memory_space<vmem>> -> memref<200x128xf32, #tpu.memory_space<vmem>>
    %dma_start3A_115 = arith.constant 0 : i32
    %dma_start3A_116 = arith.constant 0 : i32
    %dma_start3A_117 = tpu.memref_slice %arg4[%add3A_109, %dma_start3A_115, %dma_start3A_116] : memref<4096x200x128xf32, #tpu.memory_space<hbm>> -> memref<1x200x128xf32, #tpu.memory_space<hbm>>
    %dma_start3A_118 = tpu.memref_squeeze %dma_start3A_117 : memref<1x200x128xf32, #tpu.memory_space<hbm>> -> memref<200x128xf32, #tpu.memory_space<hbm>>
    %dma_start3A_119 = arith.constant 0 : i32
    %dma_start3A_120 = arith.constant 0 : i32
    %dma_start3A_121 = tpu.memref_slice %arg4[%add3A_109, %dma_start3A_119, %dma_start3A_120] : memref<4096x200x128xf32, #tpu.memory_space<hbm>> -> memref<1x200x128xf32, #tpu.memory_space<hbm>>
    %dma_start3A_122 = tpu.memref_squeeze %dma_start3A_121 : memref<1x200x128xf32, #tpu.memory_space<hbm>> -> memref<200x128xf32, #tpu.memory_space<hbm>>
    %dma_start3A_123 = arith.constant 0 : i32
    %dma_start3A_124 = arith.constant 0 : i32
    %dma_start3A_125 = tpu.memref_slice %arg6[%dma_start3A_110, %dma_start3A_123, %dma_start3A_124] : memref<3x200x128xf32, #tpu.memory_space<vmem>> -> memref<1x200x128xf32, #tpu.memory_space<vmem>>
    %dma_start3A_126 = tpu.memref_squeeze %dma_start3A_125 : memref<1x200x128xf32, #tpu.memory_space<vmem>> -> memref<200x128xf32, #tpu.memory_space<vmem>>
    tpu.enqueue_dma source(%dma_start3A_126 : memref<200x128xf32, #tpu.memory_space<vmem>>) target(%dma_start3A_122 : memref<200x128xf32, #tpu.memory_space<hbm>>) target_semaphore(%arg10 : memref<!tpu.dma_semaphore, #tpu.memory_space<semaphore_mem>>)
    %dma_wait3A_127 = arith.constant 0 : i32
    %dma_wait3A_128 = arith.constant 0 : i32
    %dma_wait3A_129 = arith.constant 0 : i32
    %dma_wait3A_130 = tpu.memref_slice %arg6[%dma_wait3A_127, %dma_wait3A_128, %dma_wait3A_129] : memref<3x200x128xf32, #tpu.memory_space<vmem>> -> memref<1x200x128xf32, #tpu.memory_space<vmem>>
    %dma_wait3A_131 = tpu.memref_squeeze %dma_wait3A_130 : memref<1x200x128xf32, #tpu.memory_space<vmem>> -> memref<200x128xf32, #tpu.memory_space<vmem>>
    %dma_wait3A_132 = arith.constant 0 : i32
    %dma_wait3A_133 = arith.constant 0 : i32
    %dma_wait3A_134 = tpu.memref_slice %arg4[%mul3A_2, %dma_wait3A_132, %dma_wait3A_133] : memref<4096x200x128xf32, #tpu.memory_space<hbm>> -> memref<1x200x128xf32, #tpu.memory_space<hbm>>
    %dma_wait3A_135 = tpu.memref_squeeze %dma_wait3A_134 : memref<1x200x128xf32, #tpu.memory_space<hbm>> -> memref<200x128xf32, #tpu.memory_space<hbm>>
    %dma_wait3A_136 = arith.constant 0 : i32
    %dma_wait3A_137 = arith.constant 0 : i32
    %dma_wait3A_138 = tpu.memref_slice %arg4[%mul3A_2, %dma_wait3A_136, %dma_wait3A_137] : memref<4096x200x128xf32, #tpu.memory_space<hbm>> -> memref<1x200x128xf32, #tpu.memory_space<hbm>>
    %dma_wait3A_139 = tpu.memref_squeeze %dma_wait3A_138 : memref<1x200x128xf32, #tpu.memory_space<hbm>> -> memref<200x128xf32, #tpu.memory_space<hbm>>
    %dma_wait3A_140 = arith.constant 0 : i32
    %dma_wait3A_141 = arith.constant 0 : i32
    %dma_wait3A_142 = tpu.memref_slice %arg6[%dma_wait3A_127, %dma_wait3A_140, %dma_wait3A_141] : memref<3x200x128xf32, #tpu.memory_space<vmem>> -> memref<1x200x128xf32, #tpu.memory_space<vmem>>
    %dma_wait3A_143 = tpu.memref_squeeze %dma_wait3A_142 : memref<1x200x128xf32, #tpu.memory_space<vmem>> -> memref<200x128xf32, #tpu.memory_space<vmem>>
    tpu.wait_dma2 semaphore(%arg10 : memref<!tpu.dma_semaphore, #tpu.memory_space<semaphore_mem>>) src(%dma_wait3A_143 : memref<200x128xf32, #tpu.memory_space<vmem>>) dst(%dma_wait3A_139 : memref<200x128xf32, #tpu.memory_space<hbm>>)
    %dma_start3A_144 = arith.constant 3 : i32
    %dma_start3A_145 = arith.constant 0 : i32
    %dma_start3A_146 = arith.constant 0 : i32
    %dma_start3A_147 = arith.constant 0 : i32
    %dma_start3A_148 = tpu.memref_slice %arg6[%dma_start3A_145, %dma_start3A_146, %dma_start3A_147] : memref<3x200x128xf32, #tpu.memory_space<vmem>> -> memref<1x104x128xf32, #tpu.memory_space<vmem>>
    %dma_start3A_149 = tpu.memref_squeeze %dma_start3A_148 : memref<1x104x128xf32, #tpu.memory_space<vmem>> -> memref<104x128xf32, #tpu.memory_space<vmem>>
    %dma_start3A_150 = arith.constant 0 : i32
    %dma_start3A_151 = tpu.memref_slice %arg5[%dma_start3A_144, %dma_start3A_150] : memref<128x200xi32, #tpu.memory_space<vmem>> -> memref<1x104xi32, #tpu.memory_space<vmem>>
    %dma_start3A_152 = tpu.memref_squeeze %dma_start3A_151 : memref<1x104xi32, #tpu.memory_space<vmem>> -> memref<104xi32, #tpu.memory_space<vmem>>
    %dma_start3A_153 = arith.constant 0 : i32
    %dma_start3A_154 = arith.constant 0 : i32
    %dma_start3A_155 = tpu.memref_slice %arg3[%dma_start3A_153, %dma_start3A_154] : memref<1000000x128xf32, #tpu.memory_space<hbm>> -> memref<1000000x128xf32, #tpu.memory_space<hbm>>
    tpu.enqueue_indirect_dma source(%dma_start3A_155 : memref<1000000x128xf32, #tpu.memory_space<hbm>>) target(%dma_start3A_149 : memref<104x128xf32, #tpu.memory_space<vmem>>) offsets(%dma_start3A_152 : memref<104xi32, #tpu.memory_space<vmem>>) semaphore(%arg7 : memref<!tpu.dma_semaphore, #tpu.memory_space<semaphore_mem>>)
    %dma_start3A_156 = arith.constant 3 : i32
    %dma_start3A_157 = arith.constant 0 : i32
    %dma_start3A_158 = arith.constant 104 : i32
    %dma_start3A_159 = arith.constant 0 : i32
    %dma_start3A_160 = tpu.memref_slice %arg6[%dma_start3A_157, %dma_start3A_158, %dma_start3A_159] : memref<3x200x128xf32, #tpu.memory_space<vmem>> -> memref<1x96x128xf32, #tpu.memory_space<vmem>>
    %dma_start3A_161 = tpu.memref_squeeze %dma_start3A_160 : memref<1x96x128xf32, #tpu.memory_space<vmem>> -> memref<96x128xf32, #tpu.memory_space<vmem>>
    %dma_start3A_162 = arith.constant 104 : i32
    %dma_start3A_163 = tpu.memref_slice %arg5[%dma_start3A_156, %dma_start3A_162] : memref<128x200xi32, #tpu.memory_space<vmem>> -> memref<1x96xi32, #tpu.memory_space<vmem>>
    %dma_start3A_164 = tpu.memref_squeeze %dma_start3A_163 : memref<1x96xi32, #tpu.memory_space<vmem>> -> memref<96xi32, #tpu.memory_space<vmem>>
    %dma_start3A_165 = arith.constant 0 : i32
    %dma_start3A_166 = arith.constant 0 : i32
    %dma_start3A_167 = tpu.memref_slice %arg3[%dma_start3A_165, %dma_start3A_166] : memref<1000000x128xf32, #tpu.memory_space<hbm>> -> memref<1000000x128xf32, #tpu.memory_space<hbm>>
    tpu.enqueue_indirect_dma source(%dma_start3A_167 : memref<1000000x128xf32, #tpu.memory_space<hbm>>) target(%dma_start3A_161 : memref<96x128xf32, #tpu.memory_space<vmem>>) offsets(%dma_start3A_164 : memref<96xi32, #tpu.memory_space<vmem>>) semaphore(%arg7 : memref<!tpu.dma_semaphore, #tpu.memory_space<semaphore_mem>>)
    %dma_wait3A_168 = arith.constant 1 : i32
    %dma_wait3A_169 = arith.constant 0 : i32
    %dma_wait3A_170 = arith.constant 0 : i32
    %dma_wait3A_171 = tpu.memref_slice %arg6[%dma_wait3A_168, %dma_wait3A_169, %dma_wait3A_170] : memref<3x200x128xf32, #tpu.memory_space<vmem>> -> memref<1x104x128xf32, #tpu.memory_space<vmem>>
    %dma_wait3A_172 = tpu.memref_squeeze %dma_wait3A_171 : memref<1x104x128xf32, #tpu.memory_space<vmem>> -> memref<104x128xf32, #tpu.memory_space<vmem>>
    %dma_wait3A_173 = arith.constant 0 : i32
    %dma_wait3A_174 = arith.constant 0 : i32
    %dma_wait3A_175 = tpu.memref_slice %arg3[%dma_wait3A_173, %dma_wait3A_174] : memref<1000000x128xf32, #tpu.memory_space<hbm>> -> memref<104x128xf32, #tpu.memory_space<hbm>>
    %dma_wait3A_176 = arith.constant 0 : i32
    %dma_wait3A_177 = arith.constant 0 : i32
    %dma_wait3A_178 = tpu.memref_slice %arg6[%dma_wait3A_168, %dma_wait3A_176, %dma_wait3A_177] : memref<3x200x128xf32, #tpu.memory_space<vmem>> -> memref<1x104x128xf32, #tpu.memory_space<vmem>>
    %dma_wait3A_179 = tpu.memref_squeeze %dma_wait3A_178 : memref<1x104x128xf32, #tpu.memory_space<vmem>> -> memref<104x128xf32, #tpu.memory_space<vmem>>
    %dma_wait3A_180 = arith.constant 0 : i32
    %dma_wait3A_181 = arith.constant 0 : i32
    %dma_wait3A_182 = tpu.memref_slice %arg3[%dma_wait3A_180, %dma_wait3A_181] : memref<1000000x128xf32, #tpu.memory_space<hbm>> -> memref<104x128xf32, #tpu.memory_space<hbm>>
    tpu.wait_dma2 semaphore(%arg8 : memref<!tpu.dma_semaphore, #tpu.memory_space<semaphore_mem>>) src(%dma_wait3A_182 : memref<104x128xf32, #tpu.memory_space<hbm>>) dst(%dma_wait3A_179 : memref<104x128xf32, #tpu.memory_space<vmem>>)
    %dma_wait3A_183 = arith.constant 1 : i32
    %dma_wait3A_184 = arith.constant 104 : i32
    %dma_wait3A_185 = arith.constant 0 : i32
    %dma_wait3A_186 = tpu.memref_slice %arg6[%dma_wait3A_183, %dma_wait3A_184, %dma_wait3A_185] : memref<3x200x128xf32, #tpu.memory_space<vmem>> -> memref<1x96x128xf32, #tpu.memory_space<vmem>>
    %dma_wait3A_187 = tpu.memref_squeeze %dma_wait3A_186 : memref<1x96x128xf32, #tpu.memory_space<vmem>> -> memref<96x128xf32, #tpu.memory_space<vmem>>
    %dma_wait3A_188 = arith.constant 0 : i32
    %dma_wait3A_189 = arith.constant 0 : i32
    %dma_wait3A_190 = tpu.memref_slice %arg3[%dma_wait3A_188, %dma_wait3A_189] : memref<1000000x128xf32, #tpu.memory_space<hbm>> -> memref<96x128xf32, #tpu.memory_space<hbm>>
    %dma_wait3A_191 = arith.constant 104 : i32
    %dma_wait3A_192 = arith.constant 0 : i32
    %dma_wait3A_193 = tpu.memref_slice %arg6[%dma_wait3A_183, %dma_wait3A_191, %dma_wait3A_192] : memref<3x200x128xf32, #tpu.memory_space<vmem>> -> memref<1x96x128xf32, #tpu.memory_space<vmem>>
    %dma_wait3A_194 = tpu.memref_squeeze %dma_wait3A_193 : memref<1x96x128xf32, #tpu.memory_space<vmem>> -> memref<96x128xf32, #tpu.memory_space<vmem>>
    %dma_wait3A_195 = arith.constant 0 : i32
    %dma_wait3A_196 = arith.constant 0 : i32
    %dma_wait3A_197 = tpu.memref_slice %arg3[%dma_wait3A_195, %dma_wait3A_196] : memref<1000000x128xf32, #tpu.memory_space<hbm>> -> memref<96x128xf32, #tpu.memory_space<hbm>>
    tpu.wait_dma2 semaphore(%arg8 : memref<!tpu.dma_semaphore, #tpu.memory_space<semaphore_mem>>) src(%dma_wait3A_197 : memref<96x128xf32, #tpu.memory_space<hbm>>) dst(%dma_wait3A_194 : memref<96x128xf32, #tpu.memory_space<vmem>>)
    %scan3A_198 = arith.constant 0 : i32
    %scan3A_199 = arith.constant 0 : i32
    %scan3A_200 = arith.constant 200 : i32
    %scan3A_201 = arith.addi %scan3A_199, %scan3A_200 : i32
    %scan3A_202 = arith.constant 1 : i32
    scf.for %scan3A_774 = %scan3A_199 to %scan3A_201 step %scan3A_202  : i32 {
      %get3A = arith.constant 1 : i32
      %get3A_775 = arith.index_cast %get3A : i32 to index
      %get3A_776 = arith.index_cast %scan3A_774 : i32 to index
      %get3A_777 = arith.constant 0 : index
      %get3A_778 = tpu.vector_load %arg6[%get3A_775, %get3A_776, %get3A_777] {strides = array<i32>} : memref<3x200x128xf32, #tpu.memory_space<vmem>>, vector<1x1x16xf32>,
      %get3A_779 = vector.shape_cast %get3A_778 : vector<1x1x16xf32> to vector<16xf32>
      %mul3A_780 = arith.constant 8.000000e+00 : f32
      %mul3A_781 = vector.broadcast %mul3A_780 : f32 to vector<16xf32>
      %mul3A_782 = arith.mulf %get3A_779, %mul3A_781 : vector<16xf32>
      %swap3A = arith.constant 1 : i32
      %swap3A_783 = arith.index_cast %swap3A : i32 to index
      %swap3A_784 = arith.index_cast %scan3A_774 : i32 to index
      %swap3A_785 = arith.constant 0 : index
      %swap3A_786 = tpu.vector_load %arg6[%swap3A_783, %swap3A_784, %swap3A_785] {strides = array<i32>} : memref<3x200x128xf32, #tpu.memory_space<vmem>>, vector<1x1x16xf32>,
      %swap3A_787 = vector.shape_cast %swap3A_786 : vector<1x1x16xf32> to vector<16xf32>
      %swap3A_788 = vector.shape_cast %mul3A_782 : vector<16xf32> to vector<1x1x16xf32>
      tpu.vector_store %arg6[%swap3A_783, %swap3A_784, %swap3A_785], %swap3A_788 {strides = array<i32>} : memref<3x200x128xf32, #tpu.memory_space<vmem>>, vector<1x1x16xf32>,
      %get3A_789 = arith.constant 1 : i32
      %get3A_790 = arith.index_cast %get3A_789 : i32 to index
      %get3A_791 = arith.index_cast %scan3A_774 : i32 to index
      %get3A_792 = arith.constant 16 : index
      %get3A_793 = tpu.vector_load %arg6[%get3A_790, %get3A_791, %get3A_792] {strides = array<i32>} : memref<3x200x128xf32, #tpu.memory_space<vmem>>, vector<1x1x16xf32>,
      %get3A_794 = vector.shape_cast %get3A_793 : vector<1x1x16xf32> to vector<16xf32>
      %mul3A_795 = arith.constant 8.000000e+00 : f32
      %mul3A_796 = vector.broadcast %mul3A_795 : f32 to vector<16xf32>
      %mul3A_797 = arith.mulf %get3A_794, %mul3A_796 : vector<16xf32>
      %swap3A_798 = arith.constant 1 : i32
      %swap3A_799 = arith.index_cast %swap3A_798 : i32 to index
      %swap3A_800 = arith.index_cast %scan3A_774 : i32 to index
      %swap3A_801 = arith.constant 16 : index
      %swap3A_802 = tpu.vector_load %arg6[%swap3A_799, %swap3A_800, %swap3A_801] {strides = array<i32>} : memref<3x200x128xf32, #tpu.memory_space<vmem>>, vector<1x1x16xf32>,
      %swap3A_803 = vector.shape_cast %swap3A_802 : vector<1x1x16xf32> to vector<16xf32>
      %swap3A_804 = vector.shape_cast %mul3A_797 : vector<16xf32> to vector<1x1x16xf32>
      tpu.vector_store %arg6[%swap3A_799, %swap3A_800, %swap3A_801], %swap3A_804 {strides = array<i32>} : memref<3x200x128xf32, #tpu.memory_space<vmem>>, vector<1x1x16xf32>,
      %get3A_805 = arith.constant 1 : i32
      %get3A_806 = arith.index_cast %get3A_805 : i32 to index
      %get3A_807 = arith.index_cast %scan3A_774 : i32 to index
      %get3A_808 = arith.constant 32 : index
      %get3A_809 = tpu.vector_load %arg6[%get3A_806, %get3A_807, %get3A_808] {strides = array<i32>} : memref<3x200x128xf32, #tpu.memory_space<vmem>>, vector<1x1x16xf32>,
      %get3A_810 = vector.shape_cast %get3A_809 : vector<1x1x16xf32> to vector<16xf32>
      %mul3A_811 = arith.constant 8.000000e+00 : f32
      %mul3A_812 = vector.broadcast %mul3A_811 : f32 to vector<16xf32>
      %mul3A_813 = arith.mulf %get3A_810, %mul3A_812 : vector<16xf32>
      %swap3A_814 = arith.constant 1 : i32
      %swap3A_815 = arith.index_cast %swap3A_814 : i32 to index
      %swap3A_816 = arith.index_cast %scan3A_774 : i32 to index
      %swap3A_817 = arith.constant 32 : index
      %swap3A_818 = tpu.vector_load %arg6[%swap3A_815, %swap3A_816, %swap3A_817] {strides = array<i32>} : memref<3x200x128xf32, #tpu.memory_space<vmem>>, vector<1x1x16xf32>,
      %swap3A_819 = vector.shape_cast %swap3A_818 : vector<1x1x16xf32> to vector<16xf32>
      %swap3A_820 = vector.shape_cast %mul3A_813 : vector<16xf32> to vector<1x1x16xf32>
      tpu.vector_store %arg6[%swap3A_815, %swap3A_816, %swap3A_817], %swap3A_820 {strides = array<i32>} : memref<3x200x128xf32, #tpu.memory_space<vmem>>, vector<1x1x16xf32>,
      %get3A_821 = arith.constant 1 : i32
      %get3A_822 = arith.index_cast %get3A_821 : i32 to index
      %get3A_823 = arith.index_cast %scan3A_774 : i32 to index
      %get3A_824 = arith.constant 48 : index
      %get3A_825 = tpu.vector_load %arg6[%get3A_822, %get3A_823, %get3A_824] {strides = array<i32>} : memref<3x200x128xf32, #tpu.memory_space<vmem>>, vector<1x1x16xf32>,
      %get3A_826 = vector.shape_cast %get3A_825 : vector<1x1x16xf32> to vector<16xf32>
      %mul3A_827 = arith.constant 8.000000e+00 : f32
      %mul3A_828 = vector.broadcast %mul3A_827 : f32 to vector<16xf32>
      %mul3A_829 = arith.mulf %get3A_826, %mul3A_828 : vector<16xf32>
      %swap3A_830 = arith.constant 1 : i32
      %swap3A_831 = arith.index_cast %swap3A_830 : i32 to index
      %swap3A_832 = arith.index_cast %scan3A_774 : i32 to index
      %swap3A_833 = arith.constant 48 : index
      %swap3A_834 = tpu.vector_load %arg6[%swap3A_831, %swap3A_832, %swap3A_833] {strides = array<i32>} : memref<3x200x128xf32, #tpu.memory_space<vmem>>, vector<1x1x16xf32>,
      %swap3A_835 = vector.shape_cast %swap3A_834 : vector<1x1x16xf32> to vector<16xf32>
      %swap3A_836 = vector.shape_cast %mul3A_829 : vector<16xf32> to vector<1x1x16xf32>
      tpu.vector_store %arg6[%swap3A_831, %swap3A_832, %swap3A_833], %swap3A_836 {strides = array<i32>} : memref<3x200x128xf32, #tpu.memory_space<vmem>>, vector<1x1x16xf32>,
    }
    %scan3A_203 = arith.constant 200 : i32
    %add3A_204 = arith.constant 1 : i32
    %add3A_205 = arith.addi %mul3A_2, %add3A_204 : i32
    %dma_start3A_206 = arith.constant 1 : i32
    %dma_start3A_207 = arith.constant 0 : i32
    %dma_start3A_208 = arith.constant 0 : i32
    %dma_start3A_209 = tpu.memref_slice %arg6[%dma_start3A_206, %dma_start3A_207, %dma_start3A_208] : memref<3x200x128xf32, #tpu.memory_space<vmem>> -> memref<1x200x128xf32, #tpu.memory_space<vmem>>
    %dma_start3A_210 = tpu.memref_squeeze %dma_start3A_209 : memref<1x200x128xf32, #tpu.memory_space<vmem>> -> memref<200x128xf32, #tpu.memory_space<vmem>>
    %dma_start3A_211 = arith.constant 0 : i32
    %dma_start3A_212 = arith.constant 0 : i32
    %dma_start3A_213 = tpu.memref_slice %arg4[%add3A_205, %dma_start3A_211, %dma_start3A_212] : memref<4096x200x128xf32, #tpu.memory_space<hbm>> -> memref<1x200x128xf32, #tpu.memory_space<hbm>>
    %dma_start3A_214 = tpu.memref_squeeze %dma_start3A_213 : memref<1x200x128xf32, #tpu.memory_space<hbm>> -> memref<200x128xf32, #tpu.memory_space<hbm>>
    %dma_start3A_215 = arith.constant 0 : i32
    %dma_start3A_216 = arith.constant 0 : i32
    %dma_start3A_217 = tpu.memref_slice %arg4[%add3A_205, %dma_start3A_215, %dma_start3A_216] : memref<4096x200x128xf32, #tpu.memory_space<hbm>> -> memref<1x200x128xf32, #tpu.memory_space<hbm>>
    %dma_start3A_218 = tpu.memref_squeeze %dma_start3A_217 : memref<1x200x128xf32, #tpu.memory_space<hbm>> -> memref<200x128xf32, #tpu.memory_space<hbm>>
    %dma_start3A_219 = arith.constant 0 : i32
    %dma_start3A_220 = arith.constant 0 : i32
    %dma_start3A_221 = tpu.memref_slice %arg6[%dma_start3A_206, %dma_start3A_219, %dma_start3A_220] : memref<3x200x128xf32, #tpu.memory_space<vmem>> -> memref<1x200x128xf32, #tpu.memory_space<vmem>>
    %dma_start3A_222 = tpu.memref_squeeze %dma_start3A_221 : memref<1x200x128xf32, #tpu.memory_space<vmem>> -> memref<200x128xf32, #tpu.memory_space<vmem>>
    tpu.enqueue_dma source(%dma_start3A_222 : memref<200x128xf32, #tpu.memory_space<vmem>>) target(%dma_start3A_218 : memref<200x128xf32, #tpu.memory_space<hbm>>) target_semaphore(%arg11 : memref<!tpu.dma_semaphore, #tpu.memory_space<semaphore_mem>>)
    %dma_wait3A_223 = arith.constant 1 : i32
    %dma_wait3A_224 = arith.constant 0 : i32
    %dma_wait3A_225 = arith.constant 0 : i32
    %dma_wait3A_226 = tpu.memref_slice %arg6[%dma_wait3A_223, %dma_wait3A_224, %dma_wait3A_225] : memref<3x200x128xf32, #tpu.memory_space<vmem>> -> memref<1x200x128xf32, #tpu.memory_space<vmem>>
    %dma_wait3A_227 = tpu.memref_squeeze %dma_wait3A_226 : memref<1x200x128xf32, #tpu.memory_space<vmem>> -> memref<200x128xf32, #tpu.memory_space<vmem>>
    %dma_wait3A_228 = arith.constant 0 : i32
    %dma_wait3A_229 = arith.constant 0 : i32
    %dma_wait3A_230 = tpu.memref_slice %arg4[%mul3A_2, %dma_wait3A_228, %dma_wait3A_229] : memref<4096x200x128xf32, #tpu.memory_space<hbm>> -> memref<1x200x128xf32, #tpu.memory_space<hbm>>
    %dma_wait3A_231 = tpu.memref_squeeze %dma_wait3A_230 : memref<1x200x128xf32, #tpu.memory_space<hbm>> -> memref<200x128xf32, #tpu.memory_space<hbm>>
    %dma_wait3A_232 = arith.constant 0 : i32
    %dma_wait3A_233 = arith.constant 0 : i32
    %dma_wait3A_234 = tpu.memref_slice %arg4[%mul3A_2, %dma_wait3A_232, %dma_wait3A_233] : memref<4096x200x128xf32, #tpu.memory_space<hbm>> -> memref<1x200x128xf32, #tpu.memory_space<hbm>>
    %dma_wait3A_235 = tpu.memref_squeeze %dma_wait3A_234 : memref<1x200x128xf32, #tpu.memory_space<hbm>> -> memref<200x128xf32, #tpu.memory_space<hbm>>
    %dma_wait3A_236 = arith.constant 0 : i32
    %dma_wait3A_237 = arith.constant 0 : i32
    %dma_wait3A_238 = tpu.memref_slice %arg6[%dma_wait3A_223, %dma_wait3A_236, %dma_wait3A_237] : memref<3x200x128xf32, #tpu.memory_space<vmem>> -> memref<1x200x128xf32, #tpu.memory_space<vmem>>
    %dma_wait3A_239 = tpu.memref_squeeze %dma_wait3A_238 : memref<1x200x128xf32, #tpu.memory_space<vmem>> -> memref<200x128xf32, #tpu.memory_space<vmem>>
    tpu.wait_dma2 semaphore(%arg11 : memref<!tpu.dma_semaphore, #tpu.memory_space<semaphore_mem>>) src(%dma_wait3A_239 : memref<200x128xf32, #tpu.memory_space<vmem>>) dst(%dma_wait3A_235 : memref<200x128xf32, #tpu.memory_space<hbm>>)
    %dma_start3A_240 = arith.constant 4 : i32
    %dma_start3A_241 = arith.constant 1 : i32
    %dma_start3A_242 = arith.constant 0 : i32
    %dma_start3A_243 = arith.constant 0 : i32
    %dma_start3A_244 = tpu.memref_slice %arg6[%dma_start3A_241, %dma_start3A_242, %dma_start3A_243] : memref<3x200x128xf32, #tpu.memory_space<vmem>> -> memref<1x104x128xf32, #tpu.memory_space<vmem>>
    %dma_start3A_245 = tpu.memref_squeeze %dma_start3A_244 : memref<1x104x128xf32, #tpu.memory_space<vmem>> -> memref<104x128xf32, #tpu.memory_space<vmem>>
    %dma_start3A_246 = arith.constant 0 : i32
    %dma_start3A_247 = tpu.memref_slice %arg5[%dma_start3A_240, %dma_start3A_246] : memref<128x200xi32, #tpu.memory_space<vmem>> -> memref<1x104xi32, #tpu.memory_space<vmem>>
    %dma_start3A_248 = tpu.memref_squeeze %dma_start3A_247 : memref<1x104xi32, #tpu.memory_space<vmem>> -> memref<104xi32, #tpu.memory_space<vmem>>
    %dma_start3A_249 = arith.constant 0 : i32
    %dma_start3A_250 = arith.constant 0 : i32
    %dma_start3A_251 = tpu.memref_slice %arg3[%dma_start3A_249, %dma_start3A_250] : memref<1000000x128xf32, #tpu.memory_space<hbm>> -> memref<1000000x128xf32, #tpu.memory_space<hbm>>
    tpu.enqueue_indirect_dma source(%dma_start3A_251 : memref<1000000x128xf32, #tpu.memory_space<hbm>>) target(%dma_start3A_245 : memref<104x128xf32, #tpu.memory_space<vmem>>) offsets(%dma_start3A_248 : memref<104xi32, #tpu.memory_space<vmem>>) semaphore(%arg8 : memref<!tpu.dma_semaphore, #tpu.memory_space<semaphore_mem>>)
    %dma_start3A_252 = arith.constant 4 : i32
    %dma_start3A_253 = arith.constant 1 : i32
    %dma_start3A_254 = arith.constant 104 : i32
    %dma_start3A_255 = arith.constant 0 : i32
    %dma_start3A_256 = tpu.memref_slice %arg6[%dma_start3A_253, %dma_start3A_254, %dma_start3A_255] : memref<3x200x128xf32, #tpu.memory_space<vmem>> -> memref<1x96x128xf32, #tpu.memory_space<vmem>>
    %dma_start3A_257 = tpu.memref_squeeze %dma_start3A_256 : memref<1x96x128xf32, #tpu.memory_space<vmem>> -> memref<96x128xf32, #tpu.memory_space<vmem>>
    %dma_start3A_258 = arith.constant 104 : i32
    %dma_start3A_259 = tpu.memref_slice %arg5[%dma_start3A_252, %dma_start3A_258] : memref<128x200xi32, #tpu.memory_space<vmem>> -> memref<1x96xi32, #tpu.memory_space<vmem>>
    %dma_start3A_260 = tpu.memref_squeeze %dma_start3A_259 : memref<1x96xi32, #tpu.memory_space<vmem>> -> memref<96xi32, #tpu.memory_space<vmem>>
    %dma_start3A_261 = arith.constant 0 : i32
    %dma_start3A_262 = arith.constant 0 : i32
    %dma_start3A_263 = tpu.memref_slice %arg3[%dma_start3A_261, %dma_start3A_262] : memref<1000000x128xf32, #tpu.memory_space<hbm>> -> memref<1000000x128xf32, #tpu.memory_space<hbm>>
    tpu.enqueue_indirect_dma source(%dma_start3A_263 : memref<1000000x128xf32, #tpu.memory_space<hbm>>) target(%dma_start3A_257 : memref<96x128xf32, #tpu.memory_space<vmem>>) offsets(%dma_start3A_260 : memref<96xi32, #tpu.memory_space<vmem>>) semaphore(%arg8 : memref<!tpu.dma_semaphore, #tpu.memory_space<semaphore_mem>>)
    %dma_wait3A_264 = arith.constant 2 : i32
    %dma_wait3A_265 = arith.constant 0 : i32
    %dma_wait3A_266 = arith.constant 0 : i32
    %dma_wait3A_267 = tpu.memref_slice %arg6[%dma_wait3A_264, %dma_wait3A_265, %dma_wait3A_266] : memref<3x200x128xf32, #tpu.memory_space<vmem>> -> memref<1x104x128xf32, #tpu.memory_space<vmem>>
    %dma_wait3A_268 = tpu.memref_squeeze %dma_wait3A_267 : memref<1x104x128xf32, #tpu.memory_space<vmem>> -> memref<104x128xf32, #tpu.memory_space<vmem>>
    %dma_wait3A_269 = arith.constant 0 : i32
    %dma_wait3A_270 = arith.constant 0 : i32
    %dma_wait3A_271 = tpu.memref_slice %arg3[%dma_wait3A_269, %dma_wait3A_270] : memref<1000000x128xf32, #tpu.memory_space<hbm>> -> memref<104x128xf32, #tpu.memory_space<hbm>>
    %dma_wait3A_272 = arith.constant 0 : i32
    %dma_wait3A_273 = arith.constant 0 : i32
    %dma_wait3A_274 = tpu.memref_slice %arg6[%dma_wait3A_264, %dma_wait3A_272, %dma_wait3A_273] : memref<3x200x128xf32, #tpu.memory_space<vmem>> -> memref<1x104x128xf32, #tpu.memory_space<vmem>>
    %dma_wait3A_275 = tpu.memref_squeeze %dma_wait3A_274 : memref<1x104x128xf32, #tpu.memory_space<vmem>> -> memref<104x128xf32, #tpu.memory_space<vmem>>
    %dma_wait3A_276 = arith.constant 0 : i32
    %dma_wait3A_277 = arith.constant 0 : i32
    %dma_wait3A_278 = tpu.memref_slice %arg3[%dma_wait3A_276, %dma_wait3A_277] : memref<1000000x128xf32, #tpu.memory_space<hbm>> -> memref<104x128xf32, #tpu.memory_space<hbm>>
    tpu.wait_dma2 semaphore(%arg9 : memref<!tpu.dma_semaphore, #tpu.memory_space<semaphore_mem>>) src(%dma_wait3A_278 : memref<104x128xf32, #tpu.memory_space<hbm>>) dst(%dma_wait3A_275 : memref<104x128xf32, #tpu.memory_space<vmem>>)
    %dma_wait3A_279 = arith.constant 2 : i32
    %dma_wait3A_280 = arith.constant 104 : i32
    %dma_wait3A_281 = arith.constant 0 : i32
    %dma_wait3A_282 = tpu.memref_slice %arg6[%dma_wait3A_279, %dma_wait3A_280, %dma_wait3A_281] : memref<3x200x128xf32, #tpu.memory_space<vmem>> -> memref<1x96x128xf32, #tpu.memory_space<vmem>>
    %dma_wait3A_283 = tpu.memref_squeeze %dma_wait3A_282 : memref<1x96x128xf32, #tpu.memory_space<vmem>> -> memref<96x128xf32, #tpu.memory_space<vmem>>
    %dma_wait3A_284 = arith.constant 0 : i32
    %dma_wait3A_285 = arith.constant 0 : i32
    %dma_wait3A_286 = tpu.memref_slice %arg3[%dma_wait3A_284, %dma_wait3A_285] : memref<1000000x128xf32, #tpu.memory_space<hbm>> -> memref<96x128xf32, #tpu.memory_space<hbm>>
    %dma_wait3A_287 = arith.constant 104 : i32
    %dma_wait3A_288 = arith.constant 0 : i32
    %dma_wait3A_289 = tpu.memref_slice %arg6[%dma_wait3A_279, %dma_wait3A_287, %dma_wait3A_288] : memref<3x200x128xf32, #tpu.memory_space<vmem>> -> memref<1x96x128xf32, #tpu.memory_space<vmem>>
    %dma_wait3A_290 = tpu.memref_squeeze %dma_wait3A_289 : memref<1x96x128xf32, #tpu.memory_space<vmem>> -> memref<96x128xf32, #tpu.memory_space<vmem>>
    %dma_wait3A_291 = arith.constant 0 : i32
    %dma_wait3A_292 = arith.constant 0 : i32
    %dma_wait3A_293 = tpu.memref_slice %arg3[%dma_wait3A_291, %dma_wait3A_292] : memref<1000000x128xf32, #tpu.memory_space<hbm>> -> memref<96x128xf32, #tpu.memory_space<hbm>>
    tpu.wait_dma2 semaphore(%arg9 : memref<!tpu.dma_semaphore, #tpu.memory_space<semaphore_mem>>) src(%dma_wait3A_293 : memref<96x128xf32, #tpu.memory_space<hbm>>) dst(%dma_wait3A_290 : memref<96x128xf32, #tpu.memory_space<vmem>>)
    %scan3A_294 = arith.constant 0 : i32
    %scan3A_295 = arith.constant 0 : i32
    %scan3A_296 = arith.constant 200 : i32
    %scan3A_297 = arith.addi %scan3A_295, %scan3A_296 : i32
    %scan3A_298 = arith.constant 1 : i32
    scf.for %scan3A_774 = %scan3A_295 to %scan3A_297 step %scan3A_298  : i32 {
      %get3A = arith.constant 2 : i32
      %get3A_775 = arith.index_cast %get3A : i32 to index
      %get3A_776 = arith.index_cast %scan3A_774 : i32 to index
      %get3A_777 = arith.constant 0 : index
      %get3A_778 = tpu.vector_load %arg6[%get3A_775, %get3A_776, %get3A_777] {strides = array<i32>} : memref<3x200x128xf32, #tpu.memory_space<vmem>>, vector<1x1x16xf32>,
      %get3A_779 = vector.shape_cast %get3A_778 : vector<1x1x16xf32> to vector<16xf32>
      %mul3A_780 = arith.constant 8.000000e+00 : f32
      %mul3A_781 = vector.broadcast %mul3A_780 : f32 to vector<16xf32>
      %mul3A_782 = arith.mulf %get3A_779, %mul3A_781 : vector<16xf32>
      %swap3A = arith.constant 2 : i32
      %swap3A_783 = arith.index_cast %swap3A : i32 to index
      %swap3A_784 = arith.index_cast %scan3A_774 : i32 to index
      %swap3A_785 = arith.constant 0 : index
      %swap3A_786 = tpu.vector_load %arg6[%swap3A_783, %swap3A_784, %swap3A_785] {strides = array<i32>} : memref<3x200x128xf32, #tpu.memory_space<vmem>>, vector<1x1x16xf32>,
      %swap3A_787 = vector.shape_cast %swap3A_786 : vector<1x1x16xf32> to vector<16xf32>
      %swap3A_788 = vector.shape_cast %mul3A_782 : vector<16xf32> to vector<1x1x16xf32>
      tpu.vector_store %arg6[%swap3A_783, %swap3A_784, %swap3A_785], %swap3A_788 {strides = array<i32>} : memref<3x200x128xf32, #tpu.memory_space<vmem>>, vector<1x1x16xf32>,
      %get3A_789 = arith.constant 2 : i32
      %get3A_790 = arith.index_cast %get3A_789 : i32 to index
      %get3A_791 = arith.index_cast %scan3A_774 : i32 to index
      %get3A_792 = arith.constant 16 : index
      %get3A_793 = tpu.vector_load %arg6[%get3A_790, %get3A_791, %get3A_792] {strides = array<i32>} : memref<3x200x128xf32, #tpu.memory_space<vmem>>, vector<1x1x16xf32>,
      %get3A_794 = vector.shape_cast %get3A_793 : vector<1x1x16xf32> to vector<16xf32>
      %mul3A_795 = arith.constant 8.000000e+00 : f32
      %mul3A_796 = vector.broadcast %mul3A_795 : f32 to vector<16xf32>
      %mul3A_797 = arith.mulf %get3A_794, %mul3A_796 : vector<16xf32>
      %swap3A_798 = arith.constant 2 : i32
      %swap3A_799 = arith.index_cast %swap3A_798 : i32 to index
      %swap3A_800 = arith.index_cast %scan3A_774 : i32 to index
      %swap3A_801 = arith.constant 16 : index
      %swap3A_802 = tpu.vector_load %arg6[%swap3A_799, %swap3A_800, %swap3A_801] {strides = array<i32>} : memref<3x200x128xf32, #tpu.memory_space<vmem>>, vector<1x1x16xf32>,
      %swap3A_803 = vector.shape_cast %swap3A_802 : vector<1x1x16xf32> to vector<16xf32>
      %swap3A_804 = vector.shape_cast %mul3A_797 : vector<16xf32> to vector<1x1x16xf32>
      tpu.vector_store %arg6[%swap3A_799, %swap3A_800, %swap3A_801], %swap3A_804 {strides = array<i32>} : memref<3x200x128xf32, #tpu.memory_space<vmem>>, vector<1x1x16xf32>,
      %get3A_805 = arith.constant 2 : i32
      %get3A_806 = arith.index_cast %get3A_805 : i32 to index
      %get3A_807 = arith.index_cast %scan3A_774 : i32 to index
      %get3A_808 = arith.constant 32 : index
      %get3A_809 = tpu.vector_load %arg6[%get3A_806, %get3A_807, %get3A_808] {strides = array<i32>} : memref<3x200x128xf32, #tpu.memory_space<vmem>>, vector<1x1x16xf32>,
      %get3A_810 = vector.shape_cast %get3A_809 : vector<1x1x16xf32> to vector<16xf32>
      %mul3A_811 = arith.constant 8.000000e+00 : f32
      %mul3A_812 = vector.broadcast %mul3A_811 : f32 to vector<16xf32>
      %mul3A_813 = arith.mulf %get3A_810, %mul3A_812 : vector<16xf32>
      %swap3A_814 = arith.constant 2 : i32
      %swap3A_815 = arith.index_cast %swap3A_814 : i32 to index
      %swap3A_816 = arith.index_cast %scan3A_774 : i32 to index
      %swap3A_817 = arith.constant 32 : index
      %swap3A_818 = tpu.vector_load %arg6[%swap3A_815, %swap3A_816, %swap3A_817] {strides = array<i32>} : memref<3x200x128xf32, #tpu.memory_space<vmem>>, vector<1x1x16xf32>,
      %swap3A_819 = vector.shape_cast %swap3A_818 : vector<1x1x16xf32> to vector<16xf32>
      %swap3A_820 = vector.shape_cast %mul3A_813 : vector<16xf32> to vector<1x1x16xf32>
      tpu.vector_store %arg6[%swap3A_815, %swap3A_816, %swap3A_817], %swap3A_820 {strides = array<i32>} : memref<3x200x128xf32, #tpu.memory_space<vmem>>, vector<1x1x16xf32>,
      %get3A_821 = arith.constant 2 : i32
      %get3A_822 = arith.index_cast %get3A_821 : i32 to index
      %get3A_823 = arith.index_cast %scan3A_774 : i32 to index
      %get3A_824 = arith.constant 48 : index
      %get3A_825 = tpu.vector_load %arg6[%get3A_822, %get3A_823, %get3A_824] {strides = array<i32>} : memref<3x200x128xf32, #tpu.memory_space<vmem>>, vector<1x1x16xf32>,
      %get3A_826 = vector.shape_cast %get3A_825 : vector<1x1x16xf32> to vector<16xf32>
      %mul3A_827 = arith.constant 8.000000e+00 : f32
      %mul3A_828 = vector.broadcast %mul3A_827 : f32 to vector<16xf32>
      %mul3A_829 = arith.mulf %get3A_826, %mul3A_828 : vector<16xf32>
      %swap3A_830 = arith.constant 2 : i32
      %swap3A_831 = arith.index_cast %swap3A_830 : i32 to index
      %swap3A_832 = arith.index_cast %scan3A_774 : i32 to index
      %swap3A_833 = arith.constant 48 : index
      %swap3A_834 = tpu.vector_load %arg6[%swap3A_831, %swap3A_832, %swap3A_833] {strides = array<i32>} : memref<3x200x128xf32, #tpu.memory_space<vmem>>, vector<1x1x16xf32>,
      %swap3A_835 = vector.shape_cast %swap3A_834 : vector<1x1x16xf32> to vector<16xf32>
      %swap3A_836 = vector.shape_cast %mul3A_829 : vector<16xf32> to vector<1x1x16xf32>
      tpu.vector_store %arg6[%swap3A_831, %swap3A_832, %swap3A_833], %swap3A_836 {strides = array<i32>} : memref<3x200x128xf32, #tpu.memory_space<vmem>>, vector<1x1x16xf32>,
    }
    %scan3A_299 = arith.constant 200 : i32
    %add3A_300 = arith.constant 2 : i32
    %add3A_301 = arith.addi %mul3A_2, %add3A_300 : i32
    %dma_start3A_302 = arith.constant 2 : i32
    %dma_start3A_303 = arith.constant 0 : i32
    %dma_start3A_304 = arith.constant 0 : i32
    %dma_start3A_305 = tpu.memref_slice %arg6[%dma_start3A_302, %dma_start3A_303, %dma_start3A_304] : memref<3x200x128xf32, #tpu.memory_space<vmem>> -> memref<1x200x128xf32, #tpu.memory_space<vmem>>
    %dma_start3A_306 = tpu.memref_squeeze %dma_start3A_305 : memref<1x200x128xf32, #tpu.memory_space<vmem>> -> memref<200x128xf32, #tpu.memory_space<vmem>>
    %dma_start3A_307 = arith.constant 0 : i32
    %dma_start3A_308 = arith.constant 0 : i32
    %dma_start3A_309 = tpu.memref_slice %arg4[%add3A_301, %dma_start3A_307, %dma_start3A_308] : memref<4096x200x128xf32, #tpu.memory_space<hbm>> -> memref<1x200x128xf32, #tpu.memory_space<hbm>>
    %dma_start3A_310 = tpu.memref_squeeze %dma_start3A_309 : memref<1x200x128xf32, #tpu.memory_space<hbm>> -> memref<200x128xf32, #tpu.memory_space<hbm>>
    %dma_start3A_311 = arith.constant 0 : i32
    %dma_start3A_312 = arith.constant 0 : i32
    %dma_start3A_313 = tpu.memref_slice %arg4[%add3A_301, %dma_start3A_311, %dma_start3A_312] : memref<4096x200x128xf32, #tpu.memory_space<hbm>> -> memref<1x200x128xf32, #tpu.memory_space<hbm>>
    %dma_start3A_314 = tpu.memref_squeeze %dma_start3A_313 : memref<1x200x128xf32, #tpu.memory_space<hbm>> -> memref<200x128xf32, #tpu.memory_space<hbm>>
    %dma_start3A_315 = arith.constant 0 : i32
    %dma_start3A_316 = arith.constant 0 : i32
    %dma_start3A_317 = tpu.memref_slice %arg6[%dma_start3A_302, %dma_start3A_315, %dma_start3A_316] : memref<3x200x128xf32, #tpu.memory_space<vmem>> -> memref<1x200x128xf32, #tpu.memory_space<vmem>>
    %dma_start3A_318 = tpu.memref_squeeze %dma_start3A_317 : memref<1x200x128xf32, #tpu.memory_space<vmem>> -> memref<200x128xf32, #tpu.memory_space<vmem>>
    tpu.enqueue_dma source(%dma_start3A_318 : memref<200x128xf32, #tpu.memory_space<vmem>>) target(%dma_start3A_314 : memref<200x128xf32, #tpu.memory_space<hbm>>) target_semaphore(%arg12 : memref<!tpu.dma_semaphore, #tpu.memory_space<semaphore_mem>>)
    %dma_wait3A_319 = arith.constant 2 : i32
    %dma_wait3A_320 = arith.constant 0 : i32
    %dma_wait3A_321 = arith.constant 0 : i32
    %dma_wait3A_322 = tpu.memref_slice %arg6[%dma_wait3A_319, %dma_wait3A_320, %dma_wait3A_321] : memref<3x200x128xf32, #tpu.memory_space<vmem>> -> memref<1x200x128xf32, #tpu.memory_space<vmem>>
    %dma_wait3A_323 = tpu.memref_squeeze %dma_wait3A_322 : memref<1x200x128xf32, #tpu.memory_space<vmem>> -> memref<200x128xf32, #tpu.memory_space<vmem>>
    %dma_wait3A_324 = arith.constant 0 : i32
    %dma_wait3A_325 = arith.constant 0 : i32
    %dma_wait3A_326 = tpu.memref_slice %arg4[%mul3A_2, %dma_wait3A_324, %dma_wait3A_325] : memref<4096x200x128xf32, #tpu.memory_space<hbm>> -> memref<1x200x128xf32, #tpu.memory_space<hbm>>
    %dma_wait3A_327 = tpu.memref_squeeze %dma_wait3A_326 : memref<1x200x128xf32, #tpu.memory_space<hbm>> -> memref<200x128xf32, #tpu.memory_space<hbm>>
    %dma_wait3A_328 = arith.constant 0 : i32
    %dma_wait3A_329 = arith.constant 0 : i32
    %dma_wait3A_330 = tpu.memref_slice %arg4[%mul3A_2, %dma_wait3A_328, %dma_wait3A_329] : memref<4096x200x128xf32, #tpu.memory_space<hbm>> -> memref<1x200x128xf32, #tpu.memory_space<hbm>>
    %dma_wait3A_331 = tpu.memref_squeeze %dma_wait3A_330 : memref<1x200x128xf32, #tpu.memory_space<hbm>> -> memref<200x128xf32, #tpu.memory_space<hbm>>
    %dma_wait3A_332 = arith.constant 0 : i32
    %dma_wait3A_333 = arith.constant 0 : i32
    %dma_wait3A_334 = tpu.memref_slice %arg6[%dma_wait3A_319, %dma_wait3A_332, %dma_wait3A_333] : memref<3x200x128xf32, #tpu.memory_space<vmem>> -> memref<1x200x128xf32, #tpu.memory_space<vmem>>
    %dma_wait3A_335 = tpu.memref_squeeze %dma_wait3A_334 : memref<1x200x128xf32, #tpu.memory_space<vmem>> -> memref<200x128xf32, #tpu.memory_space<vmem>>
    tpu.wait_dma2 semaphore(%arg12 : memref<!tpu.dma_semaphore, #tpu.memory_space<semaphore_mem>>) src(%dma_wait3A_335 : memref<200x128xf32, #tpu.memory_space<vmem>>) dst(%dma_wait3A_331 : memref<200x128xf32, #tpu.memory_space<hbm>>)
    %dma_start3A_336 = arith.constant 5 : i32
    %dma_start3A_337 = arith.constant 2 : i32
    %dma_start3A_338 = arith.constant 0 : i32
    %dma_start3A_339 = arith.constant 0 : i32
    %dma_start3A_340 = tpu.memref_slice %arg6[%dma_start3A_337, %dma_start3A_338, %dma_start3A_339] : memref<3x200x128xf32, #tpu.memory_space<vmem>> -> memref<1x104x128xf32, #tpu.memory_space<vmem>>
    %dma_start3A_341 = tpu.memref_squeeze %dma_start3A_340 : memref<1x104x128xf32, #tpu.memory_space<vmem>> -> memref<104x128xf32, #tpu.memory_space<vmem>>
    %dma_start3A_342 = arith.constant 0 : i32
    %dma_start3A_343 = tpu.memref_slice %arg5[%dma_start3A_336, %dma_start3A_342] : memref<128x200xi32, #tpu.memory_space<vmem>> -> memref<1x104xi32, #tpu.memory_space<vmem>>
    %dma_start3A_344 = tpu.memref_squeeze %dma_start3A_343 : memref<1x104xi32, #tpu.memory_space<vmem>> -> memref<104xi32, #tpu.memory_space<vmem>>
    %dma_start3A_345 = arith.constant 0 : i32
    %dma_start3A_346 = arith.constant 0 : i32
    %dma_start3A_347 = tpu.memref_slice %arg3[%dma_start3A_345, %dma_start3A_346] : memref<1000000x128xf32, #tpu.memory_space<hbm>> -> memref<1000000x128xf32, #tpu.memory_space<hbm>>
    tpu.enqueue_indirect_dma source(%dma_start3A_347 : memref<1000000x128xf32, #tpu.memory_space<hbm>>) target(%dma_start3A_341 : memref<104x128xf32, #tpu.memory_space<vmem>>) offsets(%dma_start3A_344 : memref<104xi32, #tpu.memory_space<vmem>>) semaphore(%arg9 : memref<!tpu.dma_semaphore, #tpu.memory_space<semaphore_mem>>)
    %dma_start3A_348 = arith.constant 5 : i32
    %dma_start3A_349 = arith.constant 2 : i32
    %dma_start3A_350 = arith.constant 104 : i32
    %dma_start3A_351 = arith.constant 0 : i32
    %dma_start3A_352 = tpu.memref_slice %arg6[%dma_start3A_349, %dma_start3A_350, %dma_start3A_351] : memref<3x200x128xf32, #tpu.memory_space<vmem>> -> memref<1x96x128xf32, #tpu.memory_space<vmem>>
    %dma_start3A_353 = tpu.memref_squeeze %dma_start3A_352 : memref<1x96x128xf32, #tpu.memory_space<vmem>> -> memref<96x128xf32, #tpu.memory_space<vmem>>
    %dma_start3A_354 = arith.constant 104 : i32
    %dma_start3A_355 = tpu.memref_slice %arg5[%dma_start3A_348, %dma_start3A_354] : memref<128x200xi32, #tpu.memory_space<vmem>> -> memref<1x96xi32, #tpu.memory_space<vmem>>
    %dma_start3A_356 = tpu.memref_squeeze %dma_start3A_355 : memref<1x96xi32, #tpu.memory_space<vmem>> -> memref<96xi32, #tpu.memory_space<vmem>>
    %dma_start3A_357 = arith.constant 0 : i32
    %dma_start3A_358 = arith.constant 0 : i32
    %dma_start3A_359 = tpu.memref_slice %arg3[%dma_start3A_357, %dma_start3A_358] : memref<1000000x128xf32, #tpu.memory_space<hbm>> -> memref<1000000x128xf32, #tpu.memory_space<hbm>>
    tpu.enqueue_indirect_dma source(%dma_start3A_359 : memref<1000000x128xf32, #tpu.memory_space<hbm>>) target(%dma_start3A_353 : memref<96x128xf32, #tpu.memory_space<vmem>>) offsets(%dma_start3A_356 : memref<96xi32, #tpu.memory_space<vmem>>) semaphore(%arg9 : memref<!tpu.dma_semaphore, #tpu.memory_space<semaphore_mem>>)
    %scan3A_360 = arith.constant 0 : i32
    %scan3A_361 = arith.constant 1 : i32
    %scan3A_362 = arith.constant 40 : i32
    %scan3A_363 = arith.addi %scan3A_361, %scan3A_362 : i32
    %scan3A_364 = arith.constant 1 : i32
    scf.for %scan3A_774 = %scan3A_361 to %scan3A_363 step %scan3A_364  : i32 {
      %mul3A_775 = arith.constant 3 : i32
      %mul3A_776 = arith.muli %scan3A_774, %mul3A_775 : i32
      %add3A_777 = arith.constant 0 : i32
      %add3A_778 = arith.addi %mul3A_776, %add3A_777 : i32
      %dma_wait3A_779 = arith.constant 0 : i32
      %dma_wait3A_780 = arith.constant 0 : i32
      %dma_wait3A_781 = arith.constant 0 : i32
      %dma_wait3A_782 = tpu.memref_slice %arg6[%dma_wait3A_779, %dma_wait3A_780, %dma_wait3A_781] : memref<3x200x128xf32, #tpu.memory_space<vmem>> -> memref<1x104x128xf32, #tpu.memory_space<vmem>>
      %dma_wait3A_783 = tpu.memref_squeeze %dma_wait3A_782 : memref<1x104x128xf32, #tpu.memory_space<vmem>> -> memref<104x128xf32, #tpu.memory_space<vmem>>
      %dma_wait3A_784 = arith.constant 0 : i32
      %dma_wait3A_785 = arith.constant 0 : i32
      %dma_wait3A_786 = tpu.memref_slice %arg3[%dma_wait3A_784, %dma_wait3A_785] : memref<1000000x128xf32, #tpu.memory_space<hbm>> -> memref<104x128xf32, #tpu.memory_space<hbm>>
      %dma_wait3A_787 = arith.constant 0 : i32
      %dma_wait3A_788 = arith.constant 0 : i32
      %dma_wait3A_789 = tpu.memref_slice %arg6[%dma_wait3A_779, %dma_wait3A_787, %dma_wait3A_788] : memref<3x200x128xf32, #tpu.memory_space<vmem>> -> memref<1x104x128xf32, #tpu.memory_space<vmem>>
      %dma_wait3A_790 = tpu.memref_squeeze %dma_wait3A_789 : memref<1x104x128xf32, #tpu.memory_space<vmem>> -> memref<104x128xf32, #tpu.memory_space<vmem>>
      %dma_wait3A_791 = arith.constant 0 : i32
      %dma_wait3A_792 = arith.constant 0 : i32
      %dma_wait3A_793 = tpu.memref_slice %arg3[%dma_wait3A_791, %dma_wait3A_792] : memref<1000000x128xf32, #tpu.memory_space<hbm>> -> memref<104x128xf32, #tpu.memory_space<hbm>>
      tpu.wait_dma2 semaphore(%arg7 : memref<!tpu.dma_semaphore, #tpu.memory_space<semaphore_mem>>) src(%dma_wait3A_793 : memref<104x128xf32, #tpu.memory_space<hbm>>) dst(%dma_wait3A_790 : memref<104x128xf32, #tpu.memory_space<vmem>>)
      %dma_wait3A_794 = arith.constant 0 : i32
      %dma_wait3A_795 = arith.constant 104 : i32
      %dma_wait3A_796 = arith.constant 0 : i32
      %dma_wait3A_797 = tpu.memref_slice %arg6[%dma_wait3A_794, %dma_wait3A_795, %dma_wait3A_796] : memref<3x200x128xf32, #tpu.memory_space<vmem>> -> memref<1x96x128xf32, #tpu.memory_space<vmem>>
      %dma_wait3A_798 = tpu.memref_squeeze %dma_wait3A_797 : memref<1x96x128xf32, #tpu.memory_space<vmem>> -> memref<96x128xf32, #tpu.memory_space<vmem>>
      %dma_wait3A_799 = arith.constant 0 : i32
      %dma_wait3A_800 = arith.constant 0 : i32
      %dma_wait3A_801 = tpu.memref_slice %arg3[%dma_wait3A_799, %dma_wait3A_800] : memref<1000000x128xf32, #tpu.memory_space<hbm>> -> memref<96x128xf32, #tpu.memory_space<hbm>>
      %dma_wait3A_802 = arith.constant 104 : i32
      %dma_wait3A_803 = arith.constant 0 : i32
      %dma_wait3A_804 = tpu.memref_slice %arg6[%dma_wait3A_794, %dma_wait3A_802, %dma_wait3A_803] : memref<3x200x128xf32, #tpu.memory_space<vmem>> -> memref<1x96x128xf32, #tpu.memory_space<vmem>>
      %dma_wait3A_805 = tpu.memref_squeeze %dma_wait3A_804 : memref<1x96x128xf32, #tpu.memory_space<vmem>> -> memref<96x128xf32, #tpu.memory_space<vmem>>
      %dma_wait3A_806 = arith.constant 0 : i32
      %dma_wait3A_807 = arith.constant 0 : i32
      %dma_wait3A_808 = tpu.memref_slice %arg3[%dma_wait3A_806, %dma_wait3A_807] : memref<1000000x128xf32, #tpu.memory_space<hbm>> -> memref<96x128xf32, #tpu.memory_space<hbm>>
      tpu.wait_dma2 semaphore(%arg7 : memref<!tpu.dma_semaphore, #tpu.memory_space<semaphore_mem>>) src(%dma_wait3A_808 : memref<96x128xf32, #tpu.memory_space<hbm>>) dst(%dma_wait3A_805 : memref<96x128xf32, #tpu.memory_space<vmem>>)
      %scan3A_809 = arith.constant 0 : i32
      %scan3A_810 = arith.constant 0 : i32
      %scan3A_811 = arith.constant 200 : i32
      %scan3A_812 = arith.addi %scan3A_810, %scan3A_811 : i32
      %scan3A_813 = arith.constant 1 : i32
      scf.for %scan3A_1072 = %scan3A_810 to %scan3A_812 step %scan3A_813  : i32 {
        %get3A = arith.constant 0 : i32
        %get3A_1073 = arith.index_cast %get3A : i32 to index
        %get3A_1074 = arith.index_cast %scan3A_1072 : i32 to index
        %get3A_1075 = arith.constant 0 : index
        %get3A_1076 = tpu.vector_load %arg6[%get3A_1073, %get3A_1074, %get3A_1075] {strides = array<i32>} : memref<3x200x128xf32, #tpu.memory_space<vmem>>, vector<1x1x16xf32>,
        %get3A_1077 = vector.shape_cast %get3A_1076 : vector<1x1x16xf32> to vector<16xf32>
        %mul3A_1078 = arith.constant 8.000000e+00 : f32
        %mul3A_1079 = vector.broadcast %mul3A_1078 : f32 to vector<16xf32>
        %mul3A_1080 = arith.mulf %get3A_1077, %mul3A_1079 : vector<16xf32>
        %swap3A = arith.constant 0 : i32
        %swap3A_1081 = arith.index_cast %swap3A : i32 to index
        %swap3A_1082 = arith.index_cast %scan3A_1072 : i32 to index
        %swap3A_1083 = arith.constant 0 : index
        %swap3A_1084 = tpu.vector_load %arg6[%swap3A_1081, %swap3A_1082, %swap3A_1083] {strides = array<i32>} : memref<3x200x128xf32, #tpu.memory_space<vmem>>, vector<1x1x16xf32>,
        %swap3A_1085 = vector.shape_cast %swap3A_1084 : vector<1x1x16xf32> to vector<16xf32>
        %swap3A_1086 = vector.shape_cast %mul3A_1080 : vector<16xf32> to vector<1x1x16xf32>
        tpu.vector_store %arg6[%swap3A_1081, %swap3A_1082, %swap3A_1083], %swap3A_1086 {strides = array<i32>} : memref<3x200x128xf32, #tpu.memory_space<vmem>>, vector<1x1x16xf32>,
        %get3A_1087 = arith.constant 0 : i32
        %get3A_1088 = arith.index_cast %get3A_1087 : i32 to index
        %get3A_1089 = arith.index_cast %scan3A_1072 : i32 to index
        %get3A_1090 = arith.constant 16 : index
        %get3A_1091 = tpu.vector_load %arg6[%get3A_1088, %get3A_1089, %get3A_1090] {strides = array<i32>} : memref<3x200x128xf32, #tpu.memory_space<vmem>>, vector<1x1x16xf32>,
        %get3A_1092 = vector.shape_cast %get3A_1091 : vector<1x1x16xf32> to vector<16xf32>
        %mul3A_1093 = arith.constant 8.000000e+00 : f32
        %mul3A_1094 = vector.broadcast %mul3A_1093 : f32 to vector<16xf32>
        %mul3A_1095 = arith.mulf %get3A_1092, %mul3A_1094 : vector<16xf32>
        %swap3A_1096 = arith.constant 0 : i32
        %swap3A_1097 = arith.index_cast %swap3A_1096 : i32 to index
        %swap3A_1098 = arith.index_cast %scan3A_1072 : i32 to index
        %swap3A_1099 = arith.constant 16 : index
        %swap3A_1100 = tpu.vector_load %arg6[%swap3A_1097, %swap3A_1098, %swap3A_1099] {strides = array<i32>} : memref<3x200x128xf32, #tpu.memory_space<vmem>>, vector<1x1x16xf32>,
        %swap3A_1101 = vector.shape_cast %swap3A_1100 : vector<1x1x16xf32> to vector<16xf32>
        %swap3A_1102 = vector.shape_cast %mul3A_1095 : vector<16xf32> to vector<1x1x16xf32>
        tpu.vector_store %arg6[%swap3A_1097, %swap3A_1098, %swap3A_1099], %swap3A_1102 {strides = array<i32>} : memref<3x200x128xf32, #tpu.memory_space<vmem>>, vector<1x1x16xf32>,
        %get3A_1103 = arith.constant 0 : i32
        %get3A_1104 = arith.index_cast %get3A_1103 : i32 to index
        %get3A_1105 = arith.index_cast %scan3A_1072 : i32 to index
        %get3A_1106 = arith.constant 32 : index
        %get3A_1107 = tpu.vector_load %arg6[%get3A_1104, %get3A_1105, %get3A_1106] {strides = array<i32>} : memref<3x200x128xf32, #tpu.memory_space<vmem>>, vector<1x1x16xf32>,
        %get3A_1108 = vector.shape_cast %get3A_1107 : vector<1x1x16xf32> to vector<16xf32>
        %mul3A_1109 = arith.constant 8.000000e+00 : f32
        %mul3A_1110 = vector.broadcast %mul3A_1109 : f32 to vector<16xf32>
        %mul3A_1111 = arith.mulf %get3A_1108, %mul3A_1110 : vector<16xf32>
        %swap3A_1112 = arith.constant 0 : i32
        %swap3A_1113 = arith.index_cast %swap3A_1112 : i32 to index
        %swap3A_1114 = arith.index_cast %scan3A_1072 : i32 to index
        %swap3A_1115 = arith.constant 32 : index
        %swap3A_1116 = tpu.vector_load %arg6[%swap3A_1113, %swap3A_1114, %swap3A_1115] {strides = array<i32>} : memref<3x200x128xf32, #tpu.memory_space<vmem>>, vector<1x1x16xf32>,
        %swap3A_1117 = vector.shape_cast %swap3A_1116 : vector<1x1x16xf32> to vector<16xf32>
        %swap3A_1118 = vector.shape_cast %mul3A_1111 : vector<16xf32> to vector<1x1x16xf32>
        tpu.vector_store %arg6[%swap3A_1113, %swap3A_1114, %swap3A_1115], %swap3A_1118 {strides = array<i32>} : memref<3x200x128xf32, #tpu.memory_space<vmem>>, vector<1x1x16xf32>,
        %get3A_1119 = arith.constant 0 : i32
        %get3A_1120 = arith.index_cast %get3A_1119 : i32 to index
        %get3A_1121 = arith.index_cast %scan3A_1072 : i32 to index
        %get3A_1122 = arith.constant 48 : index
        %get3A_1123 = tpu.vector_load %arg6[%get3A_1120, %get3A_1121, %get3A_1122] {strides = array<i32>} : memref<3x200x128xf32, #tpu.memory_space<vmem>>, vector<1x1x16xf32>,
        %get3A_1124 = vector.shape_cast %get3A_1123 : vector<1x1x16xf32> to vector<16xf32>
        %mul3A_1125 = arith.constant 8.000000e+00 : f32
        %mul3A_1126 = vector.broadcast %mul3A_1125 : f32 to vector<16xf32>
        %mul3A_1127 = arith.mulf %get3A_1124, %mul3A_1126 : vector<16xf32>
        %swap3A_1128 = arith.constant 0 : i32
        %swap3A_1129 = arith.index_cast %swap3A_1128 : i32 to index
        %swap3A_1130 = arith.index_cast %scan3A_1072 : i32 to index
        %swap3A_1131 = arith.constant 48 : index
        %swap3A_1132 = tpu.vector_load %arg6[%swap3A_1129, %swap3A_1130, %swap3A_1131] {strides = array<i32>} : memref<3x200x128xf32, #tpu.memory_space<vmem>>, vector<1x1x16xf32>,
        %swap3A_1133 = vector.shape_cast %swap3A_1132 : vector<1x1x16xf32> to vector<16xf32>
        %swap3A_1134 = vector.shape_cast %mul3A_1127 : vector<16xf32> to vector<1x1x16xf32>
        tpu.vector_store %arg6[%swap3A_1129, %swap3A_1130, %swap3A_1131], %swap3A_1134 {strides = array<i32>} : memref<3x200x128xf32, #tpu.memory_space<vmem>>, vector<1x1x16xf32>,
      }
      %scan3A_814 = arith.constant 200 : i32
      %add3A_815 = arith.addi %mul3A_2, %add3A_778 : i32
      %dma_start3A_816 = arith.constant 0 : i32
      %dma_start3A_817 = arith.constant 0 : i32
      %dma_start3A_818 = arith.constant 0 : i32
      %dma_start3A_819 = tpu.memref_slice %arg6[%dma_start3A_816, %dma_start3A_817, %dma_start3A_818] : memref<3x200x128xf32, #tpu.memory_space<vmem>> -> memref<1x200x128xf32, #tpu.memory_space<vmem>>
      %dma_start3A_820 = tpu.memref_squeeze %dma_start3A_819 : memref<1x200x128xf32, #tpu.memory_space<vmem>> -> memref<200x128xf32, #tpu.memory_space<vmem>>
      %dma_start3A_821 = arith.constant 0 : i32
      %dma_start3A_822 = arith.constant 0 : i32
      %dma_start3A_823 = tpu.memref_slice %arg4[%add3A_815, %dma_start3A_821, %dma_start3A_822] : memref<4096x200x128xf32, #tpu.memory_space<hbm>> -> memref<1x200x128xf32, #tpu.memory_space<hbm>>
      %dma_start3A_824 = tpu.memref_squeeze %dma_start3A_823 : memref<1x200x128xf32, #tpu.memory_space<hbm>> -> memref<200x128xf32, #tpu.memory_space<hbm>>
      %dma_start3A_825 = arith.constant 0 : i32
      %dma_start3A_826 = arith.constant 0 : i32
      %dma_start3A_827 = tpu.memref_slice %arg4[%add3A_815, %dma_start3A_825, %dma_start3A_826] : memref<4096x200x128xf32, #tpu.memory_space<hbm>> -> memref<1x200x128xf32, #tpu.memory_space<hbm>>
      %dma_start3A_828 = tpu.memref_squeeze %dma_start3A_827 : memref<1x200x128xf32, #tpu.memory_space<hbm>> -> memref<200x128xf32, #tpu.memory_space<hbm>>
      %dma_start3A_829 = arith.constant 0 : i32
      %dma_start3A_830 = arith.constant 0 : i32
      %dma_start3A_831 = tpu.memref_slice %arg6[%dma_start3A_816, %dma_start3A_829, %dma_start3A_830] : memref<3x200x128xf32, #tpu.memory_space<vmem>> -> memref<1x200x128xf32, #tpu.memory_space<vmem>>
      %dma_start3A_832 = tpu.memref_squeeze %dma_start3A_831 : memref<1x200x128xf32, #tpu.memory_space<vmem>> -> memref<200x128xf32, #tpu.memory_space<vmem>>
      tpu.enqueue_dma source(%dma_start3A_832 : memref<200x128xf32, #tpu.memory_space<vmem>>) target(%dma_start3A_828 : memref<200x128xf32, #tpu.memory_space<hbm>>) target_semaphore(%arg10 : memref<!tpu.dma_semaphore, #tpu.memory_space<semaphore_mem>>)
      %dma_wait3A_833 = arith.constant 0 : i32
      %dma_wait3A_834 = arith.constant 0 : i32
      %dma_wait3A_835 = arith.constant 0 : i32
      %dma_wait3A_836 = tpu.memref_slice %arg6[%dma_wait3A_833, %dma_wait3A_834, %dma_wait3A_835] : memref<3x200x128xf32, #tpu.memory_space<vmem>> -> memref<1x200x128xf32, #tpu.memory_space<vmem>>
      %dma_wait3A_837 = tpu.memref_squeeze %dma_wait3A_836 : memref<1x200x128xf32, #tpu.memory_space<vmem>> -> memref<200x128xf32, #tpu.memory_space<vmem>>
      %dma_wait3A_838 = arith.constant 0 : i32
      %dma_wait3A_839 = arith.constant 0 : i32
      %dma_wait3A_840 = tpu.memref_slice %arg4[%mul3A_2, %dma_wait3A_838, %dma_wait3A_839] : memref<4096x200x128xf32, #tpu.memory_space<hbm>> -> memref<1x200x128xf32, #tpu.memory_space<hbm>>
      %dma_wait3A_841 = tpu.memref_squeeze %dma_wait3A_840 : memref<1x200x128xf32, #tpu.memory_space<hbm>> -> memref<200x128xf32, #tpu.memory_space<hbm>>
      %dma_wait3A_842 = arith.constant 0 : i32
      %dma_wait3A_843 = arith.constant 0 : i32
      %dma_wait3A_844 = tpu.memref_slice %arg4[%mul3A_2, %dma_wait3A_842, %dma_wait3A_843] : memref<4096x200x128xf32, #tpu.memory_space<hbm>> -> memref<1x200x128xf32, #tpu.memory_space<hbm>>
      %dma_wait3A_845 = tpu.memref_squeeze %dma_wait3A_844 : memref<1x200x128xf32, #tpu.memory_space<hbm>> -> memref<200x128xf32, #tpu.memory_space<hbm>>
      %dma_wait3A_846 = arith.constant 0 : i32
      %dma_wait3A_847 = arith.constant 0 : i32
      %dma_wait3A_848 = tpu.memref_slice %arg6[%dma_wait3A_833, %dma_wait3A_846, %dma_wait3A_847] : memref<3x200x128xf32, #tpu.memory_space<vmem>> -> memref<1x200x128xf32, #tpu.memory_space<vmem>>
      %dma_wait3A_849 = tpu.memref_squeeze %dma_wait3A_848 : memref<1x200x128xf32, #tpu.memory_space<vmem>> -> memref<200x128xf32, #tpu.memory_space<vmem>>
      tpu.wait_dma2 semaphore(%arg10 : memref<!tpu.dma_semaphore, #tpu.memory_space<semaphore_mem>>) src(%dma_wait3A_849 : memref<200x128xf32, #tpu.memory_space<vmem>>) dst(%dma_wait3A_845 : memref<200x128xf32, #tpu.memory_space<hbm>>)
      %add3A_850 = arith.constant 3 : i32
      %add3A_851 = arith.addi %add3A_778, %add3A_850 : i32
      %dma_start3A_852 = arith.constant 0 : i32
      %dma_start3A_853 = arith.constant 0 : i32
      %dma_start3A_854 = arith.constant 0 : i32
      %dma_start3A_855 = tpu.memref_slice %arg6[%dma_start3A_852, %dma_start3A_853, %dma_start3A_854] : memref<3x200x128xf32, #tpu.memory_space<vmem>> -> memref<1x104x128xf32, #tpu.memory_space<vmem>>
      %dma_start3A_856 = tpu.memref_squeeze %dma_start3A_855 : memref<1x104x128xf32, #tpu.memory_space<vmem>> -> memref<104x128xf32, #tpu.memory_space<vmem>>
      %dma_start3A_857 = arith.constant 0 : i32
      %dma_start3A_858 = tpu.memref_slice %arg5[%add3A_851, %dma_start3A_857] : memref<128x200xi32, #tpu.memory_space<vmem>> -> memref<1x104xi32, #tpu.memory_space<vmem>>
      %dma_start3A_859 = tpu.memref_squeeze %dma_start3A_858 : memref<1x104xi32, #tpu.memory_space<vmem>> -> memref<104xi32, #tpu.memory_space<vmem>>
      %dma_start3A_860 = arith.constant 0 : i32
      %dma_start3A_861 = arith.constant 0 : i32
      %dma_start3A_862 = tpu.memref_slice %arg3[%dma_start3A_860, %dma_start3A_861] : memref<1000000x128xf32, #tpu.memory_space<hbm>> -> memref<1000000x128xf32, #tpu.memory_space<hbm>>
      tpu.enqueue_indirect_dma source(%dma_start3A_862 : memref<1000000x128xf32, #tpu.memory_space<hbm>>) target(%dma_start3A_856 : memref<104x128xf32, #tpu.memory_space<vmem>>) offsets(%dma_start3A_859 : memref<104xi32, #tpu.memory_space<vmem>>) semaphore(%arg7 : memref<!tpu.dma_semaphore, #tpu.memory_space<semaphore_mem>>)
      %dma_start3A_863 = arith.constant 0 : i32
      %dma_start3A_864 = arith.constant 104 : i32
      %dma_start3A_865 = arith.constant 0 : i32
      %dma_start3A_866 = tpu.memref_slice %arg6[%dma_start3A_863, %dma_start3A_864, %dma_start3A_865] : memref<3x200x128xf32, #tpu.memory_space<vmem>> -> memref<1x96x128xf32, #tpu.memory_space<vmem>>
      %dma_start3A_867 = tpu.memref_squeeze %dma_start3A_866 : memref<1x96x128xf32, #tpu.memory_space<vmem>> -> memref<96x128xf32, #tpu.memory_space<vmem>>
      %dma_start3A_868 = arith.constant 104 : i32
      %dma_start3A_869 = tpu.memref_slice %arg5[%add3A_851, %dma_start3A_868] : memref<128x200xi32, #tpu.memory_space<vmem>> -> memref<1x96xi32, #tpu.memory_space<vmem>>
      %dma_start3A_870 = tpu.memref_squeeze %dma_start3A_869 : memref<1x96xi32, #tpu.memory_space<vmem>> -> memref<96xi32, #tpu.memory_space<vmem>>
      %dma_start3A_871 = arith.constant 0 : i32
      %dma_start3A_872 = arith.constant 0 : i32
      %dma_start3A_873 = tpu.memref_slice %arg3[%dma_start3A_871, %dma_start3A_872] : memref<1000000x128xf32, #tpu.memory_space<hbm>> -> memref<1000000x128xf32, #tpu.memory_space<hbm>>
      tpu.enqueue_indirect_dma source(%dma_start3A_873 : memref<1000000x128xf32, #tpu.memory_space<hbm>>) target(%dma_start3A_867 : memref<96x128xf32, #tpu.memory_space<vmem>>) offsets(%dma_start3A_870 : memref<96xi32, #tpu.memory_space<vmem>>) semaphore(%arg7 : memref<!tpu.dma_semaphore, #tpu.memory_space<semaphore_mem>>)
      %mul3A_874 = arith.constant 3 : i32
      %mul3A_875 = arith.muli %scan3A_774, %mul3A_874 : i32
      %add3A_876 = arith.constant 1 : i32
      %add3A_877 = arith.addi %mul3A_875, %add3A_876 : i32
      %dma_wait3A_878 = arith.constant 1 : i32
      %dma_wait3A_879 = arith.constant 0 : i32
      %dma_wait3A_880 = arith.constant 0 : i32
      %dma_wait3A_881 = tpu.memref_slice %arg6[%dma_wait3A_878, %dma_wait3A_879, %dma_wait3A_880] : memref<3x200x128xf32, #tpu.memory_space<vmem>> -> memref<1x104x128xf32, #tpu.memory_space<vmem>>
      %dma_wait3A_882 = tpu.memref_squeeze %dma_wait3A_881 : memref<1x104x128xf32, #tpu.memory_space<vmem>> -> memref<104x128xf32, #tpu.memory_space<vmem>>
      %dma_wait3A_883 = arith.constant 0 : i32
      %dma_wait3A_884 = arith.constant 0 : i32
      %dma_wait3A_885 = tpu.memref_slice %arg3[%dma_wait3A_883, %dma_wait3A_884] : memref<1000000x128xf32, #tpu.memory_space<hbm>> -> memref<104x128xf32, #tpu.memory_space<hbm>>
      %dma_wait3A_886 = arith.constant 0 : i32
      %dma_wait3A_887 = arith.constant 0 : i32
      %dma_wait3A_888 = tpu.memref_slice %arg6[%dma_wait3A_878, %dma_wait3A_886, %dma_wait3A_887] : memref<3x200x128xf32, #tpu.memory_space<vmem>> -> memref<1x104x128xf32, #tpu.memory_space<vmem>>
      %dma_wait3A_889 = tpu.memref_squeeze %dma_wait3A_888 : memref<1x104x128xf32, #tpu.memory_space<vmem>> -> memref<104x128xf32, #tpu.memory_space<vmem>>
      %dma_wait3A_890 = arith.constant 0 : i32
      %dma_wait3A_891 = arith.constant 0 : i32
      %dma_wait3A_892 = tpu.memref_slice %arg3[%dma_wait3A_890, %dma_wait3A_891] : memref<1000000x128xf32, #tpu.memory_space<hbm>> -> memref<104x128xf32, #tpu.memory_space<hbm>>
      tpu.wait_dma2 semaphore(%arg8 : memref<!tpu.dma_semaphore, #tpu.memory_space<semaphore_mem>>) src(%dma_wait3A_892 : memref<104x128xf32, #tpu.memory_space<hbm>>) dst(%dma_wait3A_889 : memref<104x128xf32, #tpu.memory_space<vmem>>)
      %dma_wait3A_893 = arith.constant 1 : i32
      %dma_wait3A_894 = arith.constant 104 : i32
      %dma_wait3A_895 = arith.constant 0 : i32
      %dma_wait3A_896 = tpu.memref_slice %arg6[%dma_wait3A_893, %dma_wait3A_894, %dma_wait3A_895] : memref<3x200x128xf32, #tpu.memory_space<vmem>> -> memref<1x96x128xf32, #tpu.memory_space<vmem>>
      %dma_wait3A_897 = tpu.memref_squeeze %dma_wait3A_896 : memref<1x96x128xf32, #tpu.memory_space<vmem>> -> memref<96x128xf32, #tpu.memory_space<vmem>>
      %dma_wait3A_898 = arith.constant 0 : i32
      %dma_wait3A_899 = arith.constant 0 : i32
      %dma_wait3A_900 = tpu.memref_slice %arg3[%dma_wait3A_898, %dma_wait3A_899] : memref<1000000x128xf32, #tpu.memory_space<hbm>> -> memref<96x128xf32, #tpu.memory_space<hbm>>
      %dma_wait3A_901 = arith.constant 104 : i32
      %dma_wait3A_902 = arith.constant 0 : i32
      %dma_wait3A_903 = tpu.memref_slice %arg6[%dma_wait3A_893, %dma_wait3A_901, %dma_wait3A_902] : memref<3x200x128xf32, #tpu.memory_space<vmem>> -> memref<1x96x128xf32, #tpu.memory_space<vmem>>
      %dma_wait3A_904 = tpu.memref_squeeze %dma_wait3A_903 : memref<1x96x128xf32, #tpu.memory_space<vmem>> -> memref<96x128xf32, #tpu.memory_space<vmem>>
      %dma_wait3A_905 = arith.constant 0 : i32
      %dma_wait3A_906 = arith.constant 0 : i32
      %dma_wait3A_907 = tpu.memref_slice %arg3[%dma_wait3A_905, %dma_wait3A_906] : memref<1000000x128xf32, #tpu.memory_space<hbm>> -> memref<96x128xf32, #tpu.memory_space<hbm>>
      tpu.wait_dma2 semaphore(%arg8 : memref<!tpu.dma_semaphore, #tpu.memory_space<semaphore_mem>>) src(%dma_wait3A_907 : memref<96x128xf32, #tpu.memory_space<hbm>>) dst(%dma_wait3A_904 : memref<96x128xf32, #tpu.memory_space<vmem>>)
      %scan3A_908 = arith.constant 0 : i32
      %scan3A_909 = arith.constant 0 : i32
      %scan3A_910 = arith.constant 200 : i32
      %scan3A_911 = arith.addi %scan3A_909, %scan3A_910 : i32
      %scan3A_912 = arith.constant 1 : i32
      scf.for %scan3A_1072 = %scan3A_909 to %scan3A_911 step %scan3A_912  : i32 {
        %get3A = arith.constant 1 : i32
        %get3A_1073 = arith.index_cast %get3A : i32 to index
        %get3A_1074 = arith.index_cast %scan3A_1072 : i32 to index
        %get3A_1075 = arith.constant 0 : index
        %get3A_1076 = tpu.vector_load %arg6[%get3A_1073, %get3A_1074, %get3A_1075] {strides = array<i32>} : memref<3x200x128xf32, #tpu.memory_space<vmem>>, vector<1x1x16xf32>,
        %get3A_1077 = vector.shape_cast %get3A_1076 : vector<1x1x16xf32> to vector<16xf32>
        %mul3A_1078 = arith.constant 8.000000e+00 : f32
        %mul3A_1079 = vector.broadcast %mul3A_1078 : f32 to vector<16xf32>
        %mul3A_1080 = arith.mulf %get3A_1077, %mul3A_1079 : vector<16xf32>
        %swap3A = arith.constant 1 : i32
        %swap3A_1081 = arith.index_cast %swap3A : i32 to index
        %swap3A_1082 = arith.index_cast %scan3A_1072 : i32 to index
        %swap3A_1083 = arith.constant 0 : index
        %swap3A_1084 = tpu.vector_load %arg6[%swap3A_1081, %swap3A_1082, %swap3A_1083] {strides = array<i32>} : memref<3x200x128xf32, #tpu.memory_space<vmem>>, vector<1x1x16xf32>,
        %swap3A_1085 = vector.shape_cast %swap3A_1084 : vector<1x1x16xf32> to vector<16xf32>
        %swap3A_1086 = vector.shape_cast %mul3A_1080 : vector<16xf32> to vector<1x1x16xf32>
        tpu.vector_store %arg6[%swap3A_1081, %swap3A_1082, %swap3A_1083], %swap3A_1086 {strides = array<i32>} : memref<3x200x128xf32, #tpu.memory_space<vmem>>, vector<1x1x16xf32>,
        %get3A_1087 = arith.constant 1 : i32
        %get3A_1088 = arith.index_cast %get3A_1087 : i32 to index
        %get3A_1089 = arith.index_cast %scan3A_1072 : i32 to index
        %get3A_1090 = arith.constant 16 : index
        %get3A_1091 = tpu.vector_load %arg6[%get3A_1088, %get3A_1089, %get3A_1090] {strides = array<i32>} : memref<3x200x128xf32, #tpu.memory_space<vmem>>, vector<1x1x16xf32>,
        %get3A_1092 = vector.shape_cast %get3A_1091 : vector<1x1x16xf32> to vector<16xf32>
        %mul3A_1093 = arith.constant 8.000000e+00 : f32
        %mul3A_1094 = vector.broadcast %mul3A_1093 : f32 to vector<16xf32>
        %mul3A_1095 = arith.mulf %get3A_1092, %mul3A_1094 : vector<16xf32>
        %swap3A_1096 = arith.constant 1 : i32
        %swap3A_1097 = arith.index_cast %swap3A_1096 : i32 to index
        %swap3A_1098 = arith.index_cast %scan3A_1072 : i32 to index
        %swap3A_1099 = arith.constant 16 : index
        %swap3A_1100 = tpu.vector_load %arg6[%swap3A_1097, %swap3A_1098, %swap3A_1099] {strides = array<i32>} : memref<3x200x128xf32, #tpu.memory_space<vmem>>, vector<1x1x16xf32>,
        %swap3A_1101 = vector.shape_cast %swap3A_1100 : vector<1x1x16xf32> to vector<16xf32>
        %swap3A_1102 = vector.shape_cast %mul3A_1095 : vector<16xf32> to vector<1x1x16xf32>
        tpu.vector_store %arg6[%swap3A_1097, %swap3A_1098, %swap3A_1099], %swap3A_1102 {strides = array<i32>} : memref<3x200x128xf32, #tpu.memory_space<vmem>>, vector<1x1x16xf32>,
        %get3A_1103 = arith.constant 1 : i32
        %get3A_1104 = arith.index_cast %get3A_1103 : i32 to index
        %get3A_1105 = arith.index_cast %scan3A_1072 : i32 to index
        %get3A_1106 = arith.constant 32 : index
        %get3A_1107 = tpu.vector_load %arg6[%get3A_1104, %get3A_1105, %get3A_1106] {strides = array<i32>} : memref<3x200x128xf32, #tpu.memory_space<vmem>>, vector<1x1x16xf32>,
        %get3A_1108 = vector.shape_cast %get3A_1107 : vector<1x1x16xf32> to vector<16xf32>
        %mul3A_1109 = arith.constant 8.000000e+00 : f32
        %mul3A_1110 = vector.broadcast %mul3A_1109 : f32 to vector<16xf32>
        %mul3A_1111 = arith.mulf %get3A_1108, %mul3A_1110 : vector<16xf32>
        %swap3A_1112 = arith.constant 1 : i32
        %swap3A_1113 = arith.index_cast %swap3A_1112 : i32 to index
        %swap3A_1114 = arith.index_cast %scan3A_1072 : i32 to index
        %swap3A_1115 = arith.constant 32 : index
        %swap3A_1116 = tpu.vector_load %arg6[%swap3A_1113, %swap3A_1114, %swap3A_1115] {strides = array<i32>} : memref<3x200x128xf32, #tpu.memory_space<vmem>>, vector<1x1x16xf32>,
        %swap3A_1117 = vector.shape_cast %swap3A_1116 : vector<1x1x16xf32> to vector<16xf32>
        %swap3A_1118 = vector.shape_cast %mul3A_1111 : vector<16xf32> to vector<1x1x16xf32>
        tpu.vector_store %arg6[%swap3A_1113, %swap3A_1114, %swap3A_1115], %swap3A_1118 {strides = array<i32>} : memref<3x200x128xf32, #tpu.memory_space<vmem>>, vector<1x1x16xf32>,
        %get3A_1119 = arith.constant 1 : i32
        %get3A_1120 = arith.index_cast %get3A_1119 : i32 to index
        %get3A_1121 = arith.index_cast %scan3A_1072 : i32 to index
        %get3A_1122 = arith.constant 48 : index
        %get3A_1123 = tpu.vector_load %arg6[%get3A_1120, %get3A_1121, %get3A_1122] {strides = array<i32>} : memref<3x200x128xf32, #tpu.memory_space<vmem>>, vector<1x1x16xf32>,
        %get3A_1124 = vector.shape_cast %get3A_1123 : vector<1x1x16xf32> to vector<16xf32>
        %mul3A_1125 = arith.constant 8.000000e+00 : f32
        %mul3A_1126 = vector.broadcast %mul3A_1125 : f32 to vector<16xf32>
        %mul3A_1127 = arith.mulf %get3A_1124, %mul3A_1126 : vector<16xf32>
        %swap3A_1128 = arith.constant 1 : i32
        %swap3A_1129 = arith.index_cast %swap3A_1128 : i32 to index
        %swap3A_1130 = arith.index_cast %scan3A_1072 : i32 to index
        %swap3A_1131 = arith.constant 48 : index
        %swap3A_1132 = tpu.vector_load %arg6[%swap3A_1129, %swap3A_1130, %swap3A_1131] {strides = array<i32>} : memref<3x200x128xf32, #tpu.memory_space<vmem>>, vector<1x1x16xf32>,
        %swap3A_1133 = vector.shape_cast %swap3A_1132 : vector<1x1x16xf32> to vector<16xf32>
        %swap3A_1134 = vector.shape_cast %mul3A_1127 : vector<16xf32> to vector<1x1x16xf32>
        tpu.vector_store %arg6[%swap3A_1129, %swap3A_1130, %swap3A_1131], %swap3A_1134 {strides = array<i32>} : memref<3x200x128xf32, #tpu.memory_space<vmem>>, vector<1x1x16xf32>,
      }
      %scan3A_913 = arith.constant 200 : i32
      %add3A_914 = arith.addi %mul3A_2, %add3A_877 : i32
      %dma_start3A_915 = arith.constant 1 : i32
      %dma_start3A_916 = arith.constant 0 : i32
      %dma_start3A_917 = arith.constant 0 : i32
      %dma_start3A_918 = tpu.memref_slice %arg6[%dma_start3A_915, %dma_start3A_916, %dma_start3A_917] : memref<3x200x128xf32, #tpu.memory_space<vmem>> -> memref<1x200x128xf32, #tpu.memory_space<vmem>>
      %dma_start3A_919 = tpu.memref_squeeze %dma_start3A_918 : memref<1x200x128xf32, #tpu.memory_space<vmem>> -> memref<200x128xf32, #tpu.memory_space<vmem>>
      %dma_start3A_920 = arith.constant 0 : i32
      %dma_start3A_921 = arith.constant 0 : i32
      %dma_start3A_922 = tpu.memref_slice %arg4[%add3A_914, %dma_start3A_920, %dma_start3A_921] : memref<4096x200x128xf32, #tpu.memory_space<hbm>> -> memref<1x200x128xf32, #tpu.memory_space<hbm>>
      %dma_start3A_923 = tpu.memref_squeeze %dma_start3A_922 : memref<1x200x128xf32, #tpu.memory_space<hbm>> -> memref<200x128xf32, #tpu.memory_space<hbm>>
      %dma_start3A_924 = arith.constant 0 : i32
      %dma_start3A_925 = arith.constant 0 : i32
      %dma_start3A_926 = tpu.memref_slice %arg4[%add3A_914, %dma_start3A_924, %dma_start3A_925] : memref<4096x200x128xf32, #tpu.memory_space<hbm>> -> memref<1x200x128xf32, #tpu.memory_space<hbm>>
      %dma_start3A_927 = tpu.memref_squeeze %dma_start3A_926 : memref<1x200x128xf32, #tpu.memory_space<hbm>> -> memref<200x128xf32, #tpu.memory_space<hbm>>
      %dma_start3A_928 = arith.constant 0 : i32
      %dma_start3A_929 = arith.constant 0 : i32
      %dma_start3A_930 = tpu.memref_slice %arg6[%dma_start3A_915, %dma_start3A_928, %dma_start3A_929] : memref<3x200x128xf32, #tpu.memory_space<vmem>> -> memref<1x200x128xf32, #tpu.memory_space<vmem>>
      %dma_start3A_931 = tpu.memref_squeeze %dma_start3A_930 : memref<1x200x128xf32, #tpu.memory_space<vmem>> -> memref<200x128xf32, #tpu.memory_space<vmem>>
      tpu.enqueue_dma source(%dma_start3A_931 : memref<200x128xf32, #tpu.memory_space<vmem>>) target(%dma_start3A_927 : memref<200x128xf32, #tpu.memory_space<hbm>>) target_semaphore(%arg11 : memref<!tpu.dma_semaphore, #tpu.memory_space<semaphore_mem>>)
      %dma_wait3A_932 = arith.constant 1 : i32
      %dma_wait3A_933 = arith.constant 0 : i32
      %dma_wait3A_934 = arith.constant 0 : i32
      %dma_wait3A_935 = tpu.memref_slice %arg6[%dma_wait3A_932, %dma_wait3A_933, %dma_wait3A_934] : memref<3x200x128xf32, #tpu.memory_space<vmem>> -> memref<1x200x128xf32, #tpu.memory_space<vmem>>
      %dma_wait3A_936 = tpu.memref_squeeze %dma_wait3A_935 : memref<1x200x128xf32, #tpu.memory_space<vmem>> -> memref<200x128xf32, #tpu.memory_space<vmem>>
      %dma_wait3A_937 = arith.constant 0 : i32
      %dma_wait3A_938 = arith.constant 0 : i32
      %dma_wait3A_939 = tpu.memref_slice %arg4[%mul3A_2, %dma_wait3A_937, %dma_wait3A_938] : memref<4096x200x128xf32, #tpu.memory_space<hbm>> -> memref<1x200x128xf32, #tpu.memory_space<hbm>>
      %dma_wait3A_940 = tpu.memref_squeeze %dma_wait3A_939 : memref<1x200x128xf32, #tpu.memory_space<hbm>> -> memref<200x128xf32, #tpu.memory_space<hbm>>
      %dma_wait3A_941 = arith.constant 0 : i32
      %dma_wait3A_942 = arith.constant 0 : i32
      %dma_wait3A_943 = tpu.memref_slice %arg4[%mul3A_2, %dma_wait3A_941, %dma_wait3A_942] : memref<4096x200x128xf32, #tpu.memory_space<hbm>> -> memref<1x200x128xf32, #tpu.memory_space<hbm>>
      %dma_wait3A_944 = tpu.memref_squeeze %dma_wait3A_943 : memref<1x200x128xf32, #tpu.memory_space<hbm>> -> memref<200x128xf32, #tpu.memory_space<hbm>>
      %dma_wait3A_945 = arith.constant 0 : i32
      %dma_wait3A_946 = arith.constant 0 : i32
      %dma_wait3A_947 = tpu.memref_slice %arg6[%dma_wait3A_932, %dma_wait3A_945, %dma_wait3A_946] : memref<3x200x128xf32, #tpu.memory_space<vmem>> -> memref<1x200x128xf32, #tpu.memory_space<vmem>>
      %dma_wait3A_948 = tpu.memref_squeeze %dma_wait3A_947 : memref<1x200x128xf32, #tpu.memory_space<vmem>> -> memref<200x128xf32, #tpu.memory_space<vmem>>
      tpu.wait_dma2 semaphore(%arg11 : memref<!tpu.dma_semaphore, #tpu.memory_space<semaphore_mem>>) src(%dma_wait3A_948 : memref<200x128xf32, #tpu.memory_space<vmem>>) dst(%dma_wait3A_944 : memref<200x128xf32, #tpu.memory_space<hbm>>)
      %add3A_949 = arith.constant 3 : i32
      %add3A_950 = arith.addi %add3A_877, %add3A_949 : i32
      %dma_start3A_951 = arith.constant 1 : i32
      %dma_start3A_952 = arith.constant 0 : i32
      %dma_start3A_953 = arith.constant 0 : i32
      %dma_start3A_954 = tpu.memref_slice %arg6[%dma_start3A_951, %dma_start3A_952, %dma_start3A_953] : memref<3x200x128xf32, #tpu.memory_space<vmem>> -> memref<1x104x128xf32, #tpu.memory_space<vmem>>
      %dma_start3A_955 = tpu.memref_squeeze %dma_start3A_954 : memref<1x104x128xf32, #tpu.memory_space<vmem>> -> memref<104x128xf32, #tpu.memory_space<vmem>>
      %dma_start3A_956 = arith.constant 0 : i32
      %dma_start3A_957 = tpu.memref_slice %arg5[%add3A_950, %dma_start3A_956] : memref<128x200xi32, #tpu.memory_space<vmem>> -> memref<1x104xi32, #tpu.memory_space<vmem>>
      %dma_start3A_958 = tpu.memref_squeeze %dma_start3A_957 : memref<1x104xi32, #tpu.memory_space<vmem>> -> memref<104xi32, #tpu.memory_space<vmem>>
      %dma_start3A_959 = arith.constant 0 : i32
      %dma_start3A_960 = arith.constant 0 : i32
      %dma_start3A_961 = tpu.memref_slice %arg3[%dma_start3A_959, %dma_start3A_960] : memref<1000000x128xf32, #tpu.memory_space<hbm>> -> memref<1000000x128xf32, #tpu.memory_space<hbm>>
      tpu.enqueue_indirect_dma source(%dma_start3A_961 : memref<1000000x128xf32, #tpu.memory_space<hbm>>) target(%dma_start3A_955 : memref<104x128xf32, #tpu.memory_space<vmem>>) offsets(%dma_start3A_958 : memref<104xi32, #tpu.memory_space<vmem>>) semaphore(%arg8 : memref<!tpu.dma_semaphore, #tpu.memory_space<semaphore_mem>>)
      %dma_start3A_962 = arith.constant 1 : i32
      %dma_start3A_963 = arith.constant 104 : i32
      %dma_start3A_964 = arith.constant 0 : i32
      %dma_start3A_965 = tpu.memref_slice %arg6[%dma_start3A_962, %dma_start3A_963, %dma_start3A_964] : memref<3x200x128xf32, #tpu.memory_space<vmem>> -> memref<1x96x128xf32, #tpu.memory_space<vmem>>
      %dma_start3A_966 = tpu.memref_squeeze %dma_start3A_965 : memref<1x96x128xf32, #tpu.memory_space<vmem>> -> memref<96x128xf32, #tpu.memory_space<vmem>>
      %dma_start3A_967 = arith.constant 104 : i32
      %dma_start3A_968 = tpu.memref_slice %arg5[%add3A_950, %dma_start3A_967] : memref<128x200xi32, #tpu.memory_space<vmem>> -> memref<1x96xi32, #tpu.memory_space<vmem>>
      %dma_start3A_969 = tpu.memref_squeeze %dma_start3A_968 : memref<1x96xi32, #tpu.memory_space<vmem>> -> memref<96xi32, #tpu.memory_space<vmem>>
      %dma_start3A_970 = arith.constant 0 : i32
      %dma_start3A_971 = arith.constant 0 : i32
      %dma_start3A_972 = tpu.memref_slice %arg3[%dma_start3A_970, %dma_start3A_971] : memref<1000000x128xf32, #tpu.memory_space<hbm>> -> memref<1000000x128xf32, #tpu.memory_space<hbm>>
      tpu.enqueue_indirect_dma source(%dma_start3A_972 : memref<1000000x128xf32, #tpu.memory_space<hbm>>) target(%dma_start3A_966 : memref<96x128xf32, #tpu.memory_space<vmem>>) offsets(%dma_start3A_969 : memref<96xi32, #tpu.memory_space<vmem>>) semaphore(%arg8 : memref<!tpu.dma_semaphore, #tpu.memory_space<semaphore_mem>>)
      %mul3A_973 = arith.constant 3 : i32
      %mul3A_974 = arith.muli %scan3A_774, %mul3A_973 : i32
      %add3A_975 = arith.constant 2 : i32
      %add3A_976 = arith.addi %mul3A_974, %add3A_975 : i32
      %dma_wait3A_977 = arith.constant 2 : i32
      %dma_wait3A_978 = arith.constant 0 : i32
      %dma_wait3A_979 = arith.constant 0 : i32
      %dma_wait3A_980 = tpu.memref_slice %arg6[%dma_wait3A_977, %dma_wait3A_978, %dma_wait3A_979] : memref<3x200x128xf32, #tpu.memory_space<vmem>> -> memref<1x104x128xf32, #tpu.memory_space<vmem>>
      %dma_wait3A_981 = tpu.memref_squeeze %dma_wait3A_980 : memref<1x104x128xf32, #tpu.memory_space<vmem>> -> memref<104x128xf32, #tpu.memory_space<vmem>>
      %dma_wait3A_982 = arith.constant 0 : i32
      %dma_wait3A_983 = arith.constant 0 : i32
      %dma_wait3A_984 = tpu.memref_slice %arg3[%dma_wait3A_982, %dma_wait3A_983] : memref<1000000x128xf32, #tpu.memory_space<hbm>> -> memref<104x128xf32, #tpu.memory_space<hbm>>
      %dma_wait3A_985 = arith.constant 0 : i32
      %dma_wait3A_986 = arith.constant 0 : i32
      %dma_wait3A_987 = tpu.memref_slice %arg6[%dma_wait3A_977, %dma_wait3A_985, %dma_wait3A_986] : memref<3x200x128xf32, #tpu.memory_space<vmem>> -> memref<1x104x128xf32, #tpu.memory_space<vmem>>
      %dma_wait3A_988 = tpu.memref_squeeze %dma_wait3A_987 : memref<1x104x128xf32, #tpu.memory_space<vmem>> -> memref<104x128xf32, #tpu.memory_space<vmem>>
      %dma_wait3A_989 = arith.constant 0 : i32
      %dma_wait3A_990 = arith.constant 0 : i32
      %dma_wait3A_991 = tpu.memref_slice %arg3[%dma_wait3A_989, %dma_wait3A_990] : memref<1000000x128xf32, #tpu.memory_space<hbm>> -> memref<104x128xf32, #tpu.memory_space<hbm>>
      tpu.wait_dma2 semaphore(%arg9 : memref<!tpu.dma_semaphore, #tpu.memory_space<semaphore_mem>>) src(%dma_wait3A_991 : memref<104x128xf32, #tpu.memory_space<hbm>>) dst(%dma_wait3A_988 : memref<104x128xf32, #tpu.memory_space<vmem>>)
      %dma_wait3A_992 = arith.constant 2 : i32
      %dma_wait3A_993 = arith.constant 104 : i32
      %dma_wait3A_994 = arith.constant 0 : i32
      %dma_wait3A_995 = tpu.memref_slice %arg6[%dma_wait3A_992, %dma_wait3A_993, %dma_wait3A_994] : memref<3x200x128xf32, #tpu.memory_space<vmem>> -> memref<1x96x128xf32, #tpu.memory_space<vmem>>
      %dma_wait3A_996 = tpu.memref_squeeze %dma_wait3A_995 : memref<1x96x128xf32, #tpu.memory_space<vmem>> -> memref<96x128xf32, #tpu.memory_space<vmem>>
      %dma_wait3A_997 = arith.constant 0 : i32
      %dma_wait3A_998 = arith.constant 0 : i32
      %dma_wait3A_999 = tpu.memref_slice %arg3[%dma_wait3A_997, %dma_wait3A_998] : memref<1000000x128xf32, #tpu.memory_space<hbm>> -> memref<96x128xf32, #tpu.memory_space<hbm>>
      %dma_wait3A_1000 = arith.constant 104 : i32
      %dma_wait3A_1001 = arith.constant 0 : i32
      %dma_wait3A_1002 = tpu.memref_slice %arg6[%dma_wait3A_992, %dma_wait3A_1000, %dma_wait3A_1001] : memref<3x200x128xf32, #tpu.memory_space<vmem>> -> memref<1x96x128xf32, #tpu.memory_space<vmem>>
      %dma_wait3A_1003 = tpu.memref_squeeze %dma_wait3A_1002 : memref<1x96x128xf32, #tpu.memory_space<vmem>> -> memref<96x128xf32, #tpu.memory_space<vmem>>
      %dma_wait3A_1004 = arith.constant 0 : i32
      %dma_wait3A_1005 = arith.constant 0 : i32
      %dma_wait3A_1006 = tpu.memref_slice %arg3[%dma_wait3A_1004, %dma_wait3A_1005] : memref<1000000x128xf32, #tpu.memory_space<hbm>> -> memref<96x128xf32, #tpu.memory_space<hbm>>
      tpu.wait_dma2 semaphore(%arg9 : memref<!tpu.dma_semaphore, #tpu.memory_space<semaphore_mem>>) src(%dma_wait3A_1006 : memref<96x128xf32, #tpu.memory_space<hbm>>) dst(%dma_wait3A_1003 : memref<96x128xf32, #tpu.memory_space<vmem>>)
      %scan3A_1007 = arith.constant 0 : i32
      %scan3A_1008 = arith.constant 0 : i32
      %scan3A_1009 = arith.constant 200 : i32
      %scan3A_1010 = arith.addi %scan3A_1008, %scan3A_1009 : i32
      %scan3A_1011 = arith.constant 1 : i32
      scf.for %scan3A_1072 = %scan3A_1008 to %scan3A_1010 step %scan3A_1011  : i32 {
        %get3A = arith.constant 2 : i32
        %get3A_1073 = arith.index_cast %get3A : i32 to index
        %get3A_1074 = arith.index_cast %scan3A_1072 : i32 to index
        %get3A_1075 = arith.constant 0 : index
        %get3A_1076 = tpu.vector_load %arg6[%get3A_1073, %get3A_1074, %get3A_1075] {strides = array<i32>} : memref<3x200x128xf32, #tpu.memory_space<vmem>>, vector<1x1x16xf32>,
        %get3A_1077 = vector.shape_cast %get3A_1076 : vector<1x1x16xf32> to vector<16xf32>
        %mul3A_1078 = arith.constant 8.000000e+00 : f32
        %mul3A_1079 = vector.broadcast %mul3A_1078 : f32 to vector<16xf32>
        %mul3A_1080 = arith.mulf %get3A_1077, %mul3A_1079 : vector<16xf32>
        %swap3A = arith.constant 2 : i32
        %swap3A_1081 = arith.index_cast %swap3A : i32 to index
        %swap3A_1082 = arith.index_cast %scan3A_1072 : i32 to index
        %swap3A_1083 = arith.constant 0 : index
        %swap3A_1084 = tpu.vector_load %arg6[%swap3A_1081, %swap3A_1082, %swap3A_1083] {strides = array<i32>} : memref<3x200x128xf32, #tpu.memory_space<vmem>>, vector<1x1x16xf32>,
        %swap3A_1085 = vector.shape_cast %swap3A_1084 : vector<1x1x16xf32> to vector<16xf32>
        %swap3A_1086 = vector.shape_cast %mul3A_1080 : vector<16xf32> to vector<1x1x16xf32>
        tpu.vector_store %arg6[%swap3A_1081, %swap3A_1082, %swap3A_1083], %swap3A_1086 {strides = array<i32>} : memref<3x200x128xf32, #tpu.memory_space<vmem>>, vector<1x1x16xf32>,
        %get3A_1087 = arith.constant 2 : i32
        %get3A_1088 = arith.index_cast %get3A_1087 : i32 to index
        %get3A_1089 = arith.index_cast %scan3A_1072 : i32 to index
        %get3A_1090 = arith.constant 16 : index
        %get3A_1091 = tpu.vector_load %arg6[%get3A_1088, %get3A_1089, %get3A_1090] {strides = array<i32>} : memref<3x200x128xf32, #tpu.memory_space<vmem>>, vector<1x1x16xf32>,
        %get3A_1092 = vector.shape_cast %get3A_1091 : vector<1x1x16xf32> to vector<16xf32>
        %mul3A_1093 = arith.constant 8.000000e+00 : f32
        %mul3A_1094 = vector.broadcast %mul3A_1093 : f32 to vector<16xf32>
        %mul3A_1095 = arith.mulf %get3A_1092, %mul3A_1094 : vector<16xf32>
        %swap3A_1096 = arith.constant 2 : i32
        %swap3A_1097 = arith.index_cast %swap3A_1096 : i32 to index
        %swap3A_1098 = arith.index_cast %scan3A_1072 : i32 to index
        %swap3A_1099 = arith.constant 16 : index
        %swap3A_1100 = tpu.vector_load %arg6[%swap3A_1097, %swap3A_1098, %swap3A_1099] {strides = array<i32>} : memref<3x200x128xf32, #tpu.memory_space<vmem>>, vector<1x1x16xf32>,
        %swap3A_1101 = vector.shape_cast %swap3A_1100 : vector<1x1x16xf32> to vector<16xf32>
        %swap3A_1102 = vector.shape_cast %mul3A_1095 : vector<16xf32> to vector<1x1x16xf32>
        tpu.vector_store %arg6[%swap3A_1097, %swap3A_1098, %swap3A_1099], %swap3A_1102 {strides = array<i32>} : memref<3x200x128xf32, #tpu.memory_space<vmem>>, vector<1x1x16xf32>,
        %get3A_1103 = arith.constant 2 : i32
        %get3A_1104 = arith.index_cast %get3A_1103 : i32 to index
        %get3A_1105 = arith.index_cast %scan3A_1072 : i32 to index
        %get3A_1106 = arith.constant 32 : index
        %get3A_1107 = tpu.vector_load %arg6[%get3A_1104, %get3A_1105, %get3A_1106] {strides = array<i32>} : memref<3x200x128xf32, #tpu.memory_space<vmem>>, vector<1x1x16xf32>,
        %get3A_1108 = vector.shape_cast %get3A_1107 : vector<1x1x16xf32> to vector<16xf32>
        %mul3A_1109 = arith.constant 8.000000e+00 : f32
        %mul3A_1110 = vector.broadcast %mul3A_1109 : f32 to vector<16xf32>
        %mul3A_1111 = arith.mulf %get3A_1108, %mul3A_1110 : vector<16xf32>
        %swap3A_1112 = arith.constant 2 : i32
        %swap3A_1113 = arith.index_cast %swap3A_1112 : i32 to index
        %swap3A_1114 = arith.index_cast %scan3A_1072 : i32 to index
        %swap3A_1115 = arith.constant 32 : index
        %swap3A_1116 = tpu.vector_load %arg6[%swap3A_1113, %swap3A_1114, %swap3A_1115] {strides = array<i32>} : memref<3x200x128xf32, #tpu.memory_space<vmem>>, vector<1x1x16xf32>,
        %swap3A_1117 = vector.shape_cast %swap3A_1116 : vector<1x1x16xf32> to vector<16xf32>
        %swap3A_1118 = vector.shape_cast %mul3A_1111 : vector<16xf32> to vector<1x1x16xf32>
        tpu.vector_store %arg6[%swap3A_1113, %swap3A_1114, %swap3A_1115], %swap3A_1118 {strides = array<i32>} : memref<3x200x128xf32, #tpu.memory_space<vmem>>, vector<1x1x16xf32>,
        %get3A_1119 = arith.constant 2 : i32
        %get3A_1120 = arith.index_cast %get3A_1119 : i32 to index
        %get3A_1121 = arith.index_cast %scan3A_1072 : i32 to index
        %get3A_1122 = arith.constant 48 : index
        %get3A_1123 = tpu.vector_load %arg6[%get3A_1120, %get3A_1121, %get3A_1122] {strides = array<i32>} : memref<3x200x128xf32, #tpu.memory_space<vmem>>, vector<1x1x16xf32>,
        %get3A_1124 = vector.shape_cast %get3A_1123 : vector<1x1x16xf32> to vector<16xf32>
        %mul3A_1125 = arith.constant 8.000000e+00 : f32
        %mul3A_1126 = vector.broadcast %mul3A_1125 : f32 to vector<16xf32>
        %mul3A_1127 = arith.mulf %get3A_1124, %mul3A_1126 : vector<16xf32>
        %swap3A_1128 = arith.constant 2 : i32
        %swap3A_1129 = arith.index_cast %swap3A_1128 : i32 to index
        %swap3A_1130 = arith.index_cast %scan3A_1072 : i32 to index
        %swap3A_1131 = arith.constant 48 : index
        %swap3A_1132 = tpu.vector_load %arg6[%swap3A_1129, %swap3A_1130, %swap3A_1131] {strides = array<i32>} : memref<3x200x128xf32, #tpu.memory_space<vmem>>, vector<1x1x16xf32>,
        %swap3A_1133 = vector.shape_cast %swap3A_1132 : vector<1x1x16xf32> to vector<16xf32>
        %swap3A_1134 = vector.shape_cast %mul3A_1127 : vector<16xf32> to vector<1x1x16xf32>
        tpu.vector_store %arg6[%swap3A_1129, %swap3A_1130, %swap3A_1131], %swap3A_1134 {strides = array<i32>} : memref<3x200x128xf32, #tpu.memory_space<vmem>>, vector<1x1x16xf32>,
      }
      %scan3A_1012 = arith.constant 200 : i32
      %add3A_1013 = arith.addi %mul3A_2, %add3A_976 : i32
      %dma_start3A_1014 = arith.constant 2 : i32
      %dma_start3A_1015 = arith.constant 0 : i32
      %dma_start3A_1016 = arith.constant 0 : i32
      %dma_start3A_1017 = tpu.memref_slice %arg6[%dma_start3A_1014, %dma_start3A_1015, %dma_start3A_1016] : memref<3x200x128xf32, #tpu.memory_space<vmem>> -> memref<1x200x128xf32, #tpu.memory_space<vmem>>
      %dma_start3A_1018 = tpu.memref_squeeze %dma_start3A_1017 : memref<1x200x128xf32, #tpu.memory_space<vmem>> -> memref<200x128xf32, #tpu.memory_space<vmem>>
      %dma_start3A_1019 = arith.constant 0 : i32
      %dma_start3A_1020 = arith.constant 0 : i32
      %dma_start3A_1021 = tpu.memref_slice %arg4[%add3A_1013, %dma_start3A_1019, %dma_start3A_1020] : memref<4096x200x128xf32, #tpu.memory_space<hbm>> -> memref<1x200x128xf32, #tpu.memory_space<hbm>>
      %dma_start3A_1022 = tpu.memref_squeeze %dma_start3A_1021 : memref<1x200x128xf32, #tpu.memory_space<hbm>> -> memref<200x128xf32, #tpu.memory_space<hbm>>
      %dma_start3A_1023 = arith.constant 0 : i32
      %dma_start3A_1024 = arith.constant 0 : i32
      %dma_start3A_1025 = tpu.memref_slice %arg4[%add3A_1013, %dma_start3A_1023, %dma_start3A_1024] : memref<4096x200x128xf32, #tpu.memory_space<hbm>> -> memref<1x200x128xf32, #tpu.memory_space<hbm>>
      %dma_start3A_1026 = tpu.memref_squeeze %dma_start3A_1025 : memref<1x200x128xf32, #tpu.memory_space<hbm>> -> memref<200x128xf32, #tpu.memory_space<hbm>>
      %dma_start3A_1027 = arith.constant 0 : i32
      %dma_start3A_1028 = arith.constant 0 : i32
      %dma_start3A_1029 = tpu.memref_slice %arg6[%dma_start3A_1014, %dma_start3A_1027, %dma_start3A_1028] : memref<3x200x128xf32, #tpu.memory_space<vmem>> -> memref<1x200x128xf32, #tpu.memory_space<vmem>>
      %dma_start3A_1030 = tpu.memref_squeeze %dma_start3A_1029 : memref<1x200x128xf32, #tpu.memory_space<vmem>> -> memref<200x128xf32, #tpu.memory_space<vmem>>
      tpu.enqueue_dma source(%dma_start3A_1030 : memref<200x128xf32, #tpu.memory_space<vmem>>) target(%dma_start3A_1026 : memref<200x128xf32, #tpu.memory_space<hbm>>) target_semaphore(%arg12 : memref<!tpu.dma_semaphore, #tpu.memory_space<semaphore_mem>>)
      %dma_wait3A_1031 = arith.constant 2 : i32
      %dma_wait3A_1032 = arith.constant 0 : i32
      %dma_wait3A_1033 = arith.constant 0 : i32
      %dma_wait3A_1034 = tpu.memref_slice %arg6[%dma_wait3A_1031, %dma_wait3A_1032, %dma_wait3A_1033] : memref<3x200x128xf32, #tpu.memory_space<vmem>> -> memref<1x200x128xf32, #tpu.memory_space<vmem>>
      %dma_wait3A_1035 = tpu.memref_squeeze %dma_wait3A_1034 : memref<1x200x128xf32, #tpu.memory_space<vmem>> -> memref<200x128xf32, #tpu.memory_space<vmem>>
      %dma_wait3A_1036 = arith.constant 0 : i32
      %dma_wait3A_1037 = arith.constant 0 : i32
      %dma_wait3A_1038 = tpu.memref_slice %arg4[%mul3A_2, %dma_wait3A_1036, %dma_wait3A_1037] : memref<4096x200x128xf32, #tpu.memory_space<hbm>> -> memref<1x200x128xf32, #tpu.memory_space<hbm>>
      %dma_wait3A_1039 = tpu.memref_squeeze %dma_wait3A_1038 : memref<1x200x128xf32, #tpu.memory_space<hbm>> -> memref<200x128xf32, #tpu.memory_space<hbm>>
      %dma_wait3A_1040 = arith.constant 0 : i32
      %dma_wait3A_1041 = arith.constant 0 : i32
      %dma_wait3A_1042 = tpu.memref_slice %arg4[%mul3A_2, %dma_wait3A_1040, %dma_wait3A_1041] : memref<4096x200x128xf32, #tpu.memory_space<hbm>> -> memref<1x200x128xf32, #tpu.memory_space<hbm>>
      %dma_wait3A_1043 = tpu.memref_squeeze %dma_wait3A_1042 : memref<1x200x128xf32, #tpu.memory_space<hbm>> -> memref<200x128xf32, #tpu.memory_space<hbm>>
      %dma_wait3A_1044 = arith.constant 0 : i32
      %dma_wait3A_1045 = arith.constant 0 : i32
      %dma_wait3A_1046 = tpu.memref_slice %arg6[%dma_wait3A_1031, %dma_wait3A_1044, %dma_wait3A_1045] : memref<3x200x128xf32, #tpu.memory_space<vmem>> -> memref<1x200x128xf32, #tpu.memory_space<vmem>>
      %dma_wait3A_1047 = tpu.memref_squeeze %dma_wait3A_1046 : memref<1x200x128xf32, #tpu.memory_space<vmem>> -> memref<200x128xf32, #tpu.memory_space<vmem>>
      tpu.wait_dma2 semaphore(%arg12 : memref<!tpu.dma_semaphore, #tpu.memory_space<semaphore_mem>>) src(%dma_wait3A_1047 : memref<200x128xf32, #tpu.memory_space<vmem>>) dst(%dma_wait3A_1043 : memref<200x128xf32, #tpu.memory_space<hbm>>)
      %add3A_1048 = arith.constant 3 : i32
      %add3A_1049 = arith.addi %add3A_976, %add3A_1048 : i32
      %dma_start3A_1050 = arith.constant 2 : i32
      %dma_start3A_1051 = arith.constant 0 : i32
      %dma_start3A_1052 = arith.constant 0 : i32
      %dma_start3A_1053 = tpu.memref_slice %arg6[%dma_start3A_1050, %dma_start3A_1051, %dma_start3A_1052] : memref<3x200x128xf32, #tpu.memory_space<vmem>> -> memref<1x104x128xf32, #tpu.memory_space<vmem>>
      %dma_start3A_1054 = tpu.memref_squeeze %dma_start3A_1053 : memref<1x104x128xf32, #tpu.memory_space<vmem>> -> memref<104x128xf32, #tpu.memory_space<vmem>>
      %dma_start3A_1055 = arith.constant 0 : i32
      %dma_start3A_1056 = tpu.memref_slice %arg5[%add3A_1049, %dma_start3A_1055] : memref<128x200xi32, #tpu.memory_space<vmem>> -> memref<1x104xi32, #tpu.memory_space<vmem>>
      %dma_start3A_1057 = tpu.memref_squeeze %dma_start3A_1056 : memref<1x104xi32, #tpu.memory_space<vmem>> -> memref<104xi32, #tpu.memory_space<vmem>>
      %dma_start3A_1058 = arith.constant 0 : i32
      %dma_start3A_1059 = arith.constant 0 : i32
      %dma_start3A_1060 = tpu.memref_slice %arg3[%dma_start3A_1058, %dma_start3A_1059] : memref<1000000x128xf32, #tpu.memory_space<hbm>> -> memref<1000000x128xf32, #tpu.memory_space<hbm>>
      tpu.enqueue_indirect_dma source(%dma_start3A_1060 : memref<1000000x128xf32, #tpu.memory_space<hbm>>) target(%dma_start3A_1054 : memref<104x128xf32, #tpu.memory_space<vmem>>) offsets(%dma_start3A_1057 : memref<104xi32, #tpu.memory_space<vmem>>) semaphore(%arg9 : memref<!tpu.dma_semaphore, #tpu.memory_space<semaphore_mem>>)
      %dma_start3A_1061 = arith.constant 2 : i32
      %dma_start3A_1062 = arith.constant 104 : i32
      %dma_start3A_1063 = arith.constant 0 : i32
      %dma_start3A_1064 = tpu.memref_slice %arg6[%dma_start3A_1061, %dma_start3A_1062, %dma_start3A_1063] : memref<3x200x128xf32, #tpu.memory_space<vmem>> -> memref<1x96x128xf32, #tpu.memory_space<vmem>>
      %dma_start3A_1065 = tpu.memref_squeeze %dma_start3A_1064 : memref<1x96x128xf32, #tpu.memory_space<vmem>> -> memref<96x128xf32, #tpu.memory_space<vmem>>
      %dma_start3A_1066 = arith.constant 104 : i32
      %dma_start3A_1067 = tpu.memref_slice %arg5[%add3A_1049, %dma_start3A_1066] : memref<128x200xi32, #tpu.memory_space<vmem>> -> memref<1x96xi32, #tpu.memory_space<vmem>>
      %dma_start3A_1068 = tpu.memref_squeeze %dma_start3A_1067 : memref<1x96xi32, #tpu.memory_space<vmem>> -> memref<96xi32, #tpu.memory_space<vmem>>
      %dma_start3A_1069 = arith.constant 0 : i32
      %dma_start3A_1070 = arith.constant 0 : i32
      %dma_start3A_1071 = tpu.memref_slice %arg3[%dma_start3A_1069, %dma_start3A_1070] : memref<1000000x128xf32, #tpu.memory_space<hbm>> -> memref<1000000x128xf32, #tpu.memory_space<hbm>>
      tpu.enqueue_indirect_dma source(%dma_start3A_1071 : memref<1000000x128xf32, #tpu.memory_space<hbm>>) target(%dma_start3A_1065 : memref<96x128xf32, #tpu.memory_space<vmem>>) offsets(%dma_start3A_1068 : memref<96xi32, #tpu.memory_space<vmem>>) semaphore(%arg9 : memref<!tpu.dma_semaphore, #tpu.memory_space<semaphore_mem>>)
    }
    %scan3A_365 = arith.constant 40 : i32
    %dma_wait3A_366 = arith.constant 0 : i32
    %dma_wait3A_367 = arith.constant 0 : i32
    %dma_wait3A_368 = arith.constant 0 : i32
    %dma_wait3A_369 = tpu.memref_slice %arg6[%dma_wait3A_366, %dma_wait3A_367, %dma_wait3A_368] : memref<3x200x128xf32, #tpu.memory_space<vmem>> -> memref<1x104x128xf32, #tpu.memory_space<vmem>>
    %dma_wait3A_370 = tpu.memref_squeeze %dma_wait3A_369 : memref<1x104x128xf32, #tpu.memory_space<vmem>> -> memref<104x128xf32, #tpu.memory_space<vmem>>
    %dma_wait3A_371 = arith.constant 0 : i32
    %dma_wait3A_372 = arith.constant 0 : i32
    %dma_wait3A_373 = tpu.memref_slice %arg3[%dma_wait3A_371, %dma_wait3A_372] : memref<1000000x128xf32, #tpu.memory_space<hbm>> -> memref<104x128xf32, #tpu.memory_space<hbm>>
    %dma_wait3A_374 = arith.constant 0 : i32
    %dma_wait3A_375 = arith.constant 0 : i32
    %dma_wait3A_376 = tpu.memref_slice %arg6[%dma_wait3A_366, %dma_wait3A_374, %dma_wait3A_375] : memref<3x200x128xf32, #tpu.memory_space<vmem>> -> memref<1x104x128xf32, #tpu.memory_space<vmem>>
    %dma_wait3A_377 = tpu.memref_squeeze %dma_wait3A_376 : memref<1x104x128xf32, #tpu.memory_space<vmem>> -> memref<104x128xf32, #tpu.memory_space<vmem>>
    %dma_wait3A_378 = arith.constant 0 : i32
    %dma_wait3A_379 = arith.constant 0 : i32
    %dma_wait3A_380 = tpu.memref_slice %arg3[%dma_wait3A_378, %dma_wait3A_379] : memref<1000000x128xf32, #tpu.memory_space<hbm>> -> memref<104x128xf32, #tpu.memory_space<hbm>>
    tpu.wait_dma2 semaphore(%arg7 : memref<!tpu.dma_semaphore, #tpu.memory_space<semaphore_mem>>) src(%dma_wait3A_380 : memref<104x128xf32, #tpu.memory_space<hbm>>) dst(%dma_wait3A_377 : memref<104x128xf32, #tpu.memory_space<vmem>>)
    %dma_wait3A_381 = arith.constant 0 : i32
    %dma_wait3A_382 = arith.constant 104 : i32
    %dma_wait3A_383 = arith.constant 0 : i32
    %dma_wait3A_384 = tpu.memref_slice %arg6[%dma_wait3A_381, %dma_wait3A_382, %dma_wait3A_383] : memref<3x200x128xf32, #tpu.memory_space<vmem>> -> memref<1x96x128xf32, #tpu.memory_space<vmem>>
    %dma_wait3A_385 = tpu.memref_squeeze %dma_wait3A_384 : memref<1x96x128xf32, #tpu.memory_space<vmem>> -> memref<96x128xf32, #tpu.memory_space<vmem>>
    %dma_wait3A_386 = arith.constant 0 : i32
    %dma_wait3A_387 = arith.constant 0 : i32
    %dma_wait3A_388 = tpu.memref_slice %arg3[%dma_wait3A_386, %dma_wait3A_387] : memref<1000000x128xf32, #tpu.memory_space<hbm>> -> memref<96x128xf32, #tpu.memory_space<hbm>>
    %dma_wait3A_389 = arith.constant 104 : i32
    %dma_wait3A_390 = arith.constant 0 : i32
    %dma_wait3A_391 = tpu.memref_slice %arg6[%dma_wait3A_381, %dma_wait3A_389, %dma_wait3A_390] : memref<3x200x128xf32, #tpu.memory_space<vmem>> -> memref<1x96x128xf32, #tpu.memory_space<vmem>>
    %dma_wait3A_392 = tpu.memref_squeeze %dma_wait3A_391 : memref<1x96x128xf32, #tpu.memory_space<vmem>> -> memref<96x128xf32, #tpu.memory_space<vmem>>
    %dma_wait3A_393 = arith.constant 0 : i32
    %dma_wait3A_394 = arith.constant 0 : i32
    %dma_wait3A_395 = tpu.memref_slice %arg3[%dma_wait3A_393, %dma_wait3A_394] : memref<1000000x128xf32, #tpu.memory_space<hbm>> -> memref<96x128xf32, #tpu.memory_space<hbm>>
    tpu.wait_dma2 semaphore(%arg7 : memref<!tpu.dma_semaphore, #tpu.memory_space<semaphore_mem>>) src(%dma_wait3A_395 : memref<96x128xf32, #tpu.memory_space<hbm>>) dst(%dma_wait3A_392 : memref<96x128xf32, #tpu.memory_space<vmem>>)
    %scan3A_396 = arith.constant 0 : i32
    %scan3A_397 = arith.constant 0 : i32
    %scan3A_398 = arith.constant 200 : i32
    %scan3A_399 = arith.addi %scan3A_397, %scan3A_398 : i32
    %scan3A_400 = arith.constant 1 : i32
    scf.for %scan3A_774 = %scan3A_397 to %scan3A_399 step %scan3A_400  : i32 {
      %get3A = arith.constant 0 : i32
      %get3A_775 = arith.index_cast %get3A : i32 to index
      %get3A_776 = arith.index_cast %scan3A_774 : i32 to index
      %get3A_777 = arith.constant 0 : index
      %get3A_778 = tpu.vector_load %arg6[%get3A_775, %get3A_776, %get3A_777] {strides = array<i32>} : memref<3x200x128xf32, #tpu.memory_space<vmem>>, vector<1x1x16xf32>,
      %get3A_779 = vector.shape_cast %get3A_778 : vector<1x1x16xf32> to vector<16xf32>
      %mul3A_780 = arith.constant 8.000000e+00 : f32
      %mul3A_781 = vector.broadcast %mul3A_780 : f32 to vector<16xf32>
      %mul3A_782 = arith.mulf %get3A_779, %mul3A_781 : vector<16xf32>
      %swap3A = arith.constant 0 : i32
      %swap3A_783 = arith.index_cast %swap3A : i32 to index
      %swap3A_784 = arith.index_cast %scan3A_774 : i32 to index
      %swap3A_785 = arith.constant 0 : index
      %swap3A_786 = tpu.vector_load %arg6[%swap3A_783, %swap3A_784, %swap3A_785] {strides = array<i32>} : memref<3x200x128xf32, #tpu.memory_space<vmem>>, vector<1x1x16xf32>,
      %swap3A_787 = vector.shape_cast %swap3A_786 : vector<1x1x16xf32> to vector<16xf32>
      %swap3A_788 = vector.shape_cast %mul3A_782 : vector<16xf32> to vector<1x1x16xf32>
      tpu.vector_store %arg6[%swap3A_783, %swap3A_784, %swap3A_785], %swap3A_788 {strides = array<i32>} : memref<3x200x128xf32, #tpu.memory_space<vmem>>, vector<1x1x16xf32>,
      %get3A_789 = arith.constant 0 : i32
      %get3A_790 = arith.index_cast %get3A_789 : i32 to index
      %get3A_791 = arith.index_cast %scan3A_774 : i32 to index
      %get3A_792 = arith.constant 16 : index
      %get3A_793 = tpu.vector_load %arg6[%get3A_790, %get3A_791, %get3A_792] {strides = array<i32>} : memref<3x200x128xf32, #tpu.memory_space<vmem>>, vector<1x1x16xf32>,
      %get3A_794 = vector.shape_cast %get3A_793 : vector<1x1x16xf32> to vector<16xf32>
      %mul3A_795 = arith.constant 8.000000e+00 : f32
      %mul3A_796 = vector.broadcast %mul3A_795 : f32 to vector<16xf32>
      %mul3A_797 = arith.mulf %get3A_794, %mul3A_796 : vector<16xf32>
      %swap3A_798 = arith.constant 0 : i32
      %swap3A_799 = arith.index_cast %swap3A_798 : i32 to index
      %swap3A_800 = arith.index_cast %scan3A_774 : i32 to index
      %swap3A_801 = arith.constant 16 : index
      %swap3A_802 = tpu.vector_load %arg6[%swap3A_799, %swap3A_800, %swap3A_801] {strides = array<i32>} : memref<3x200x128xf32, #tpu.memory_space<vmem>>, vector<1x1x16xf32>,
      %swap3A_803 = vector.shape_cast %swap3A_802 : vector<1x1x16xf32> to vector<16xf32>
      %swap3A_804 = vector.shape_cast %mul3A_797 : vector<16xf32> to vector<1x1x16xf32>
      tpu.vector_store %arg6[%swap3A_799, %swap3A_800, %swap3A_801], %swap3A_804 {strides = array<i32>} : memref<3x200x128xf32, #tpu.memory_space<vmem>>, vector<1x1x16xf32>,
      %get3A_805 = arith.constant 0 : i32
      %get3A_806 = arith.index_cast %get3A_805 : i32 to index
      %get3A_807 = arith.index_cast %scan3A_774 : i32 to index
      %get3A_808 = arith.constant 32 : index
      %get3A_809 = tpu.vector_load %arg6[%get3A_806, %get3A_807, %get3A_808] {strides = array<i32>} : memref<3x200x128xf32, #tpu.memory_space<vmem>>, vector<1x1x16xf32>,
      %get3A_810 = vector.shape_cast %get3A_809 : vector<1x1x16xf32> to vector<16xf32>
      %mul3A_811 = arith.constant 8.000000e+00 : f32
      %mul3A_812 = vector.broadcast %mul3A_811 : f32 to vector<16xf32>
      %mul3A_813 = arith.mulf %get3A_810, %mul3A_812 : vector<16xf32>
      %swap3A_814 = arith.constant 0 : i32
      %swap3A_815 = arith.index_cast %swap3A_814 : i32 to index
      %swap3A_816 = arith.index_cast %scan3A_774 : i32 to index
      %swap3A_817 = arith.constant 32 : index
      %swap3A_818 = tpu.vector_load %arg6[%swap3A_815, %swap3A_816, %swap3A_817] {strides = array<i32>} : memref<3x200x128xf32, #tpu.memory_space<vmem>>, vector<1x1x16xf32>,
      %swap3A_819 = vector.shape_cast %swap3A_818 : vector<1x1x16xf32> to vector<16xf32>
      %swap3A_820 = vector.shape_cast %mul3A_813 : vector<16xf32> to vector<1x1x16xf32>
      tpu.vector_store %arg6[%swap3A_815, %swap3A_816, %swap3A_817], %swap3A_820 {strides = array<i32>} : memref<3x200x128xf32, #tpu.memory_space<vmem>>, vector<1x1x16xf32>,
      %get3A_821 = arith.constant 0 : i32
      %get3A_822 = arith.index_cast %get3A_821 : i32 to index
      %get3A_823 = arith.index_cast %scan3A_774 : i32 to index
      %get3A_824 = arith.constant 48 : index
      %get3A_825 = tpu.vector_load %arg6[%get3A_822, %get3A_823, %get3A_824] {strides = array<i32>} : memref<3x200x128xf32, #tpu.memory_space<vmem>>, vector<1x1x16xf32>,
      %get3A_826 = vector.shape_cast %get3A_825 : vector<1x1x16xf32> to vector<16xf32>
      %mul3A_827 = arith.constant 8.000000e+00 : f32
      %mul3A_828 = vector.broadcast %mul3A_827 : f32 to vector<16xf32>
      %mul3A_829 = arith.mulf %get3A_826, %mul3A_828 : vector<16xf32>
      %swap3A_830 = arith.constant 0 : i32
      %swap3A_831 = arith.index_cast %swap3A_830 : i32 to index
      %swap3A_832 = arith.index_cast %scan3A_774 : i32 to index
      %swap3A_833 = arith.constant 48 : index
      %swap3A_834 = tpu.vector_load %arg6[%swap3A_831, %swap3A_832, %swap3A_833] {strides = array<i32>} : memref<3x200x128xf32, #tpu.memory_space<vmem>>, vector<1x1x16xf32>,
      %swap3A_835 = vector.shape_cast %swap3A_834 : vector<1x1x16xf32> to vector<16xf32>
      %swap3A_836 = vector.shape_cast %mul3A_829 : vector<16xf32> to vector<1x1x16xf32>
      tpu.vector_store %arg6[%swap3A_831, %swap3A_832, %swap3A_833], %swap3A_836 {strides = array<i32>} : memref<3x200x128xf32, #tpu.memory_space<vmem>>, vector<1x1x16xf32>,
    }
    %scan3A_401 = arith.constant 200 : i32
    %add3A_402 = arith.constant 123 : i32
    %add3A_403 = arith.addi %mul3A_2, %add3A_402 : i32
    %dma_start3A_404 = arith.constant 0 : i32
    %dma_start3A_405 = arith.constant 0 : i32
    %dma_start3A_406 = arith.constant 0 : i32
    %dma_start3A_407 = tpu.memref_slice %arg6[%dma_start3A_404, %dma_start3A_405, %dma_start3A_406] : memref<3x200x128xf32, #tpu.memory_space<vmem>> -> memref<1x200x128xf32, #tpu.memory_space<vmem>>
    %dma_start3A_408 = tpu.memref_squeeze %dma_start3A_407 : memref<1x200x128xf32, #tpu.memory_space<vmem>> -> memref<200x128xf32, #tpu.memory_space<vmem>>
    %dma_start3A_409 = arith.constant 0 : i32
    %dma_start3A_410 = arith.constant 0 : i32
    %dma_start3A_411 = tpu.memref_slice %arg4[%add3A_403, %dma_start3A_409, %dma_start3A_410] : memref<4096x200x128xf32, #tpu.memory_space<hbm>> -> memref<1x200x128xf32, #tpu.memory_space<hbm>>
    %dma_start3A_412 = tpu.memref_squeeze %dma_start3A_411 : memref<1x200x128xf32, #tpu.memory_space<hbm>> -> memref<200x128xf32, #tpu.memory_space<hbm>>
    %dma_start3A_413 = arith.constant 0 : i32
    %dma_start3A_414 = arith.constant 0 : i32
    %dma_start3A_415 = tpu.memref_slice %arg4[%add3A_403, %dma_start3A_413, %dma_start3A_414] : memref<4096x200x128xf32, #tpu.memory_space<hbm>> -> memref<1x200x128xf32, #tpu.memory_space<hbm>>
    %dma_start3A_416 = tpu.memref_squeeze %dma_start3A_415 : memref<1x200x128xf32, #tpu.memory_space<hbm>> -> memref<200x128xf32, #tpu.memory_space<hbm>>
    %dma_start3A_417 = arith.constant 0 : i32
    %dma_start3A_418 = arith.constant 0 : i32
    %dma_start3A_419 = tpu.memref_slice %arg6[%dma_start3A_404, %dma_start3A_417, %dma_start3A_418] : memref<3x200x128xf32, #tpu.memory_space<vmem>> -> memref<1x200x128xf32, #tpu.memory_space<vmem>>
    %dma_start3A_420 = tpu.memref_squeeze %dma_start3A_419 : memref<1x200x128xf32, #tpu.memory_space<vmem>> -> memref<200x128xf32, #tpu.memory_space<vmem>>
    tpu.enqueue_dma source(%dma_start3A_420 : memref<200x128xf32, #tpu.memory_space<vmem>>) target(%dma_start3A_416 : memref<200x128xf32, #tpu.memory_space<hbm>>) target_semaphore(%arg10 : memref<!tpu.dma_semaphore, #tpu.memory_space<semaphore_mem>>)
    %dma_wait3A_421 = arith.constant 0 : i32
    %dma_wait3A_422 = arith.constant 0 : i32
    %dma_wait3A_423 = arith.constant 0 : i32
    %dma_wait3A_424 = tpu.memref_slice %arg6[%dma_wait3A_421, %dma_wait3A_422, %dma_wait3A_423] : memref<3x200x128xf32, #tpu.memory_space<vmem>> -> memref<1x200x128xf32, #tpu.memory_space<vmem>>
    %dma_wait3A_425 = tpu.memref_squeeze %dma_wait3A_424 : memref<1x200x128xf32, #tpu.memory_space<vmem>> -> memref<200x128xf32, #tpu.memory_space<vmem>>
    %dma_wait3A_426 = arith.constant 0 : i32
    %dma_wait3A_427 = arith.constant 0 : i32
    %dma_wait3A_428 = tpu.memref_slice %arg4[%mul3A_2, %dma_wait3A_426, %dma_wait3A_427] : memref<4096x200x128xf32, #tpu.memory_space<hbm>> -> memref<1x200x128xf32, #tpu.memory_space<hbm>>
    %dma_wait3A_429 = tpu.memref_squeeze %dma_wait3A_428 : memref<1x200x128xf32, #tpu.memory_space<hbm>> -> memref<200x128xf32, #tpu.memory_space<hbm>>
    %dma_wait3A_430 = arith.constant 0 : i32
    %dma_wait3A_431 = arith.constant 0 : i32
    %dma_wait3A_432 = tpu.memref_slice %arg4[%mul3A_2, %dma_wait3A_430, %dma_wait3A_431] : memref<4096x200x128xf32, #tpu.memory_space<hbm>> -> memref<1x200x128xf32, #tpu.memory_space<hbm>>
    %dma_wait3A_433 = tpu.memref_squeeze %dma_wait3A_432 : memref<1x200x128xf32, #tpu.memory_space<hbm>> -> memref<200x128xf32, #tpu.memory_space<hbm>>
    %dma_wait3A_434 = arith.constant 0 : i32
    %dma_wait3A_435 = arith.constant 0 : i32
    %dma_wait3A_436 = tpu.memref_slice %arg6[%dma_wait3A_421, %dma_wait3A_434, %dma_wait3A_435] : memref<3x200x128xf32, #tpu.memory_space<vmem>> -> memref<1x200x128xf32, #tpu.memory_space<vmem>>
    %dma_wait3A_437 = tpu.memref_squeeze %dma_wait3A_436 : memref<1x200x128xf32, #tpu.memory_space<vmem>> -> memref<200x128xf32, #tpu.memory_space<vmem>>
    tpu.wait_dma2 semaphore(%arg10 : memref<!tpu.dma_semaphore, #tpu.memory_space<semaphore_mem>>) src(%dma_wait3A_437 : memref<200x128xf32, #tpu.memory_space<vmem>>) dst(%dma_wait3A_433 : memref<200x128xf32, #tpu.memory_space<hbm>>)
    %dma_start3A_438 = arith.constant 126 : i32
    %dma_start3A_439 = arith.constant 0 : i32
    %dma_start3A_440 = arith.constant 0 : i32
    %dma_start3A_441 = arith.constant 0 : i32
    %dma_start3A_442 = tpu.memref_slice %arg6[%dma_start3A_439, %dma_start3A_440, %dma_start3A_441] : memref<3x200x128xf32, #tpu.memory_space<vmem>> -> memref<1x104x128xf32, #tpu.memory_space<vmem>>
    %dma_start3A_443 = tpu.memref_squeeze %dma_start3A_442 : memref<1x104x128xf32, #tpu.memory_space<vmem>> -> memref<104x128xf32, #tpu.memory_space<vmem>>
    %dma_start3A_444 = arith.constant 0 : i32
    %dma_start3A_445 = tpu.memref_slice %arg5[%dma_start3A_438, %dma_start3A_444] : memref<128x200xi32, #tpu.memory_space<vmem>> -> memref<1x104xi32, #tpu.memory_space<vmem>>
    %dma_start3A_446 = tpu.memref_squeeze %dma_start3A_445 : memref<1x104xi32, #tpu.memory_space<vmem>> -> memref<104xi32, #tpu.memory_space<vmem>>
    %dma_start3A_447 = arith.constant 0 : i32
    %dma_start3A_448 = arith.constant 0 : i32
    %dma_start3A_449 = tpu.memref_slice %arg3[%dma_start3A_447, %dma_start3A_448] : memref<1000000x128xf32, #tpu.memory_space<hbm>> -> memref<1000000x128xf32, #tpu.memory_space<hbm>>
    tpu.enqueue_indirect_dma source(%dma_start3A_449 : memref<1000000x128xf32, #tpu.memory_space<hbm>>) target(%dma_start3A_443 : memref<104x128xf32, #tpu.memory_space<vmem>>) offsets(%dma_start3A_446 : memref<104xi32, #tpu.memory_space<vmem>>) semaphore(%arg7 : memref<!tpu.dma_semaphore, #tpu.memory_space<semaphore_mem>>)
    %dma_start3A_450 = arith.constant 126 : i32
    %dma_start3A_451 = arith.constant 0 : i32
    %dma_start3A_452 = arith.constant 104 : i32
    %dma_start3A_453 = arith.constant 0 : i32
    %dma_start3A_454 = tpu.memref_slice %arg6[%dma_start3A_451, %dma_start3A_452, %dma_start3A_453] : memref<3x200x128xf32, #tpu.memory_space<vmem>> -> memref<1x96x128xf32, #tpu.memory_space<vmem>>
    %dma_start3A_455 = tpu.memref_squeeze %dma_start3A_454 : memref<1x96x128xf32, #tpu.memory_space<vmem>> -> memref<96x128xf32, #tpu.memory_space<vmem>>
    %dma_start3A_456 = arith.constant 104 : i32
    %dma_start3A_457 = tpu.memref_slice %arg5[%dma_start3A_450, %dma_start3A_456] : memref<128x200xi32, #tpu.memory_space<vmem>> -> memref<1x96xi32, #tpu.memory_space<vmem>>
    %dma_start3A_458 = tpu.memref_squeeze %dma_start3A_457 : memref<1x96xi32, #tpu.memory_space<vmem>> -> memref<96xi32, #tpu.memory_space<vmem>>
    %dma_start3A_459 = arith.constant 0 : i32
    %dma_start3A_460 = arith.constant 0 : i32
    %dma_start3A_461 = tpu.memref_slice %arg3[%dma_start3A_459, %dma_start3A_460] : memref<1000000x128xf32, #tpu.memory_space<hbm>> -> memref<1000000x128xf32, #tpu.memory_space<hbm>>
    tpu.enqueue_indirect_dma source(%dma_start3A_461 : memref<1000000x128xf32, #tpu.memory_space<hbm>>) target(%dma_start3A_455 : memref<96x128xf32, #tpu.memory_space<vmem>>) offsets(%dma_start3A_458 : memref<96xi32, #tpu.memory_space<vmem>>) semaphore(%arg7 : memref<!tpu.dma_semaphore, #tpu.memory_space<semaphore_mem>>)
    %dma_wait3A_462 = arith.constant 1 : i32
    %dma_wait3A_463 = arith.constant 0 : i32
    %dma_wait3A_464 = arith.constant 0 : i32
    %dma_wait3A_465 = tpu.memref_slice %arg6[%dma_wait3A_462, %dma_wait3A_463, %dma_wait3A_464] : memref<3x200x128xf32, #tpu.memory_space<vmem>> -> memref<1x104x128xf32, #tpu.memory_space<vmem>>
    %dma_wait3A_466 = tpu.memref_squeeze %dma_wait3A_465 : memref<1x104x128xf32, #tpu.memory_space<vmem>> -> memref<104x128xf32, #tpu.memory_space<vmem>>
    %dma_wait3A_467 = arith.constant 0 : i32
    %dma_wait3A_468 = arith.constant 0 : i32
    %dma_wait3A_469 = tpu.memref_slice %arg3[%dma_wait3A_467, %dma_wait3A_468] : memref<1000000x128xf32, #tpu.memory_space<hbm>> -> memref<104x128xf32, #tpu.memory_space<hbm>>
    %dma_wait3A_470 = arith.constant 0 : i32
    %dma_wait3A_471 = arith.constant 0 : i32
    %dma_wait3A_472 = tpu.memref_slice %arg6[%dma_wait3A_462, %dma_wait3A_470, %dma_wait3A_471] : memref<3x200x128xf32, #tpu.memory_space<vmem>> -> memref<1x104x128xf32, #tpu.memory_space<vmem>>
    %dma_wait3A_473 = tpu.memref_squeeze %dma_wait3A_472 : memref<1x104x128xf32, #tpu.memory_space<vmem>> -> memref<104x128xf32, #tpu.memory_space<vmem>>
    %dma_wait3A_474 = arith.constant 0 : i32
    %dma_wait3A_475 = arith.constant 0 : i32
    %dma_wait3A_476 = tpu.memref_slice %arg3[%dma_wait3A_474, %dma_wait3A_475] : memref<1000000x128xf32, #tpu.memory_space<hbm>> -> memref<104x128xf32, #tpu.memory_space<hbm>>
    tpu.wait_dma2 semaphore(%arg8 : memref<!tpu.dma_semaphore, #tpu.memory_space<semaphore_mem>>) src(%dma_wait3A_476 : memref<104x128xf32, #tpu.memory_space<hbm>>) dst(%dma_wait3A_473 : memref<104x128xf32, #tpu.memory_space<vmem>>)
    %dma_wait3A_477 = arith.constant 1 : i32
    %dma_wait3A_478 = arith.constant 104 : i32
    %dma_wait3A_479 = arith.constant 0 : i32
    %dma_wait3A_480 = tpu.memref_slice %arg6[%dma_wait3A_477, %dma_wait3A_478, %dma_wait3A_479] : memref<3x200x128xf32, #tpu.memory_space<vmem>> -> memref<1x96x128xf32, #tpu.memory_space<vmem>>
    %dma_wait3A_481 = tpu.memref_squeeze %dma_wait3A_480 : memref<1x96x128xf32, #tpu.memory_space<vmem>> -> memref<96x128xf32, #tpu.memory_space<vmem>>
    %dma_wait3A_482 = arith.constant 0 : i32
    %dma_wait3A_483 = arith.constant 0 : i32
    %dma_wait3A_484 = tpu.memref_slice %arg3[%dma_wait3A_482, %dma_wait3A_483] : memref<1000000x128xf32, #tpu.memory_space<hbm>> -> memref<96x128xf32, #tpu.memory_space<hbm>>
    %dma_wait3A_485 = arith.constant 104 : i32
    %dma_wait3A_486 = arith.constant 0 : i32
    %dma_wait3A_487 = tpu.memref_slice %arg6[%dma_wait3A_477, %dma_wait3A_485, %dma_wait3A_486] : memref<3x200x128xf32, #tpu.memory_space<vmem>> -> memref<1x96x128xf32, #tpu.memory_space<vmem>>
    %dma_wait3A_488 = tpu.memref_squeeze %dma_wait3A_487 : memref<1x96x128xf32, #tpu.memory_space<vmem>> -> memref<96x128xf32, #tpu.memory_space<vmem>>
    %dma_wait3A_489 = arith.constant 0 : i32
    %dma_wait3A_490 = arith.constant 0 : i32
    %dma_wait3A_491 = tpu.memref_slice %arg3[%dma_wait3A_489, %dma_wait3A_490] : memref<1000000x128xf32, #tpu.memory_space<hbm>> -> memref<96x128xf32, #tpu.memory_space<hbm>>
    tpu.wait_dma2 semaphore(%arg8 : memref<!tpu.dma_semaphore, #tpu.memory_space<semaphore_mem>>) src(%dma_wait3A_491 : memref<96x128xf32, #tpu.memory_space<hbm>>) dst(%dma_wait3A_488 : memref<96x128xf32, #tpu.memory_space<vmem>>)
    %scan3A_492 = arith.constant 0 : i32
    %scan3A_493 = arith.constant 0 : i32
    %scan3A_494 = arith.constant 200 : i32
    %scan3A_495 = arith.addi %scan3A_493, %scan3A_494 : i32
    %scan3A_496 = arith.constant 1 : i32
    scf.for %scan3A_774 = %scan3A_493 to %scan3A_495 step %scan3A_496  : i32 {
      %get3A = arith.constant 1 : i32
      %get3A_775 = arith.index_cast %get3A : i32 to index
      %get3A_776 = arith.index_cast %scan3A_774 : i32 to index
      %get3A_777 = arith.constant 0 : index
      %get3A_778 = tpu.vector_load %arg6[%get3A_775, %get3A_776, %get3A_777] {strides = array<i32>} : memref<3x200x128xf32, #tpu.memory_space<vmem>>, vector<1x1x16xf32>,
      %get3A_779 = vector.shape_cast %get3A_778 : vector<1x1x16xf32> to vector<16xf32>
      %mul3A_780 = arith.constant 8.000000e+00 : f32
      %mul3A_781 = vector.broadcast %mul3A_780 : f32 to vector<16xf32>
      %mul3A_782 = arith.mulf %get3A_779, %mul3A_781 : vector<16xf32>
      %swap3A = arith.constant 1 : i32
      %swap3A_783 = arith.index_cast %swap3A : i32 to index
      %swap3A_784 = arith.index_cast %scan3A_774 : i32 to index
      %swap3A_785 = arith.constant 0 : index
      %swap3A_786 = tpu.vector_load %arg6[%swap3A_783, %swap3A_784, %swap3A_785] {strides = array<i32>} : memref<3x200x128xf32, #tpu.memory_space<vmem>>, vector<1x1x16xf32>,
      %swap3A_787 = vector.shape_cast %swap3A_786 : vector<1x1x16xf32> to vector<16xf32>
      %swap3A_788 = vector.shape_cast %mul3A_782 : vector<16xf32> to vector<1x1x16xf32>
      tpu.vector_store %arg6[%swap3A_783, %swap3A_784, %swap3A_785], %swap3A_788 {strides = array<i32>} : memref<3x200x128xf32, #tpu.memory_space<vmem>>, vector<1x1x16xf32>,
      %get3A_789 = arith.constant 1 : i32
      %get3A_790 = arith.index_cast %get3A_789 : i32 to index
      %get3A_791 = arith.index_cast %scan3A_774 : i32 to index
      %get3A_792 = arith.constant 16 : index
      %get3A_793 = tpu.vector_load %arg6[%get3A_790, %get3A_791, %get3A_792] {strides = array<i32>} : memref<3x200x128xf32, #tpu.memory_space<vmem>>, vector<1x1x16xf32>,
      %get3A_794 = vector.shape_cast %get3A_793 : vector<1x1x16xf32> to vector<16xf32>
      %mul3A_795 = arith.constant 8.000000e+00 : f32
      %mul3A_796 = vector.broadcast %mul3A_795 : f32 to vector<16xf32>
      %mul3A_797 = arith.mulf %get3A_794, %mul3A_796 : vector<16xf32>
      %swap3A_798 = arith.constant 1 : i32
      %swap3A_799 = arith.index_cast %swap3A_798 : i32 to index
      %swap3A_800 = arith.index_cast %scan3A_774 : i32 to index
      %swap3A_801 = arith.constant 16 : index
      %swap3A_802 = tpu.vector_load %arg6[%swap3A_799, %swap3A_800, %swap3A_801] {strides = array<i32>} : memref<3x200x128xf32, #tpu.memory_space<vmem>>, vector<1x1x16xf32>,
      %swap3A_803 = vector.shape_cast %swap3A_802 : vector<1x1x16xf32> to vector<16xf32>
      %swap3A_804 = vector.shape_cast %mul3A_797 : vector<16xf32> to vector<1x1x16xf32>
      tpu.vector_store %arg6[%swap3A_799, %swap3A_800, %swap3A_801], %swap3A_804 {strides = array<i32>} : memref<3x200x128xf32, #tpu.memory_space<vmem>>, vector<1x1x16xf32>,
      %get3A_805 = arith.constant 1 : i32
      %get3A_806 = arith.index_cast %get3A_805 : i32 to index
      %get3A_807 = arith.index_cast %scan3A_774 : i32 to index
      %get3A_808 = arith.constant 32 : index
      %get3A_809 = tpu.vector_load %arg6[%get3A_806, %get3A_807, %get3A_808] {strides = array<i32>} : memref<3x200x128xf32, #tpu.memory_space<vmem>>, vector<1x1x16xf32>,
      %get3A_810 = vector.shape_cast %get3A_809 : vector<1x1x16xf32> to vector<16xf32>
      %mul3A_811 = arith.constant 8.000000e+00 : f32
      %mul3A_812 = vector.broadcast %mul3A_811 : f32 to vector<16xf32>
      %mul3A_813 = arith.mulf %get3A_810, %mul3A_812 : vector<16xf32>
      %swap3A_814 = arith.constant 1 : i32
      %swap3A_815 = arith.index_cast %swap3A_814 : i32 to index
      %swap3A_816 = arith.index_cast %scan3A_774 : i32 to index
      %swap3A_817 = arith.constant 32 : index
      %swap3A_818 = tpu.vector_load %arg6[%swap3A_815, %swap3A_816, %swap3A_817] {strides = array<i32>} : memref<3x200x128xf32, #tpu.memory_space<vmem>>, vector<1x1x16xf32>,
      %swap3A_819 = vector.shape_cast %swap3A_818 : vector<1x1x16xf32> to vector<16xf32>
      %swap3A_820 = vector.shape_cast %mul3A_813 : vector<16xf32> to vector<1x1x16xf32>
      tpu.vector_store %arg6[%swap3A_815, %swap3A_816, %swap3A_817], %swap3A_820 {strides = array<i32>} : memref<3x200x128xf32, #tpu.memory_space<vmem>>, vector<1x1x16xf32>,
      %get3A_821 = arith.constant 1 : i32
      %get3A_822 = arith.index_cast %get3A_821 : i32 to index
      %get3A_823 = arith.index_cast %scan3A_774 : i32 to index
      %get3A_824 = arith.constant 48 : index
      %get3A_825 = tpu.vector_load %arg6[%get3A_822, %get3A_823, %get3A_824] {strides = array<i32>} : memref<3x200x128xf32, #tpu.memory_space<vmem>>, vector<1x1x16xf32>,
      %get3A_826 = vector.shape_cast %get3A_825 : vector<1x1x16xf32> to vector<16xf32>
      %mul3A_827 = arith.constant 8.000000e+00 : f32
      %mul3A_828 = vector.broadcast %mul3A_827 : f32 to vector<16xf32>
      %mul3A_829 = arith.mulf %get3A_826, %mul3A_828 : vector<16xf32>
      %swap3A_830 = arith.constant 1 : i32
      %swap3A_831 = arith.index_cast %swap3A_830 : i32 to index
      %swap3A_832 = arith.index_cast %scan3A_774 : i32 to index
      %swap3A_833 = arith.constant 48 : index
      %swap3A_834 = tpu.vector_load %arg6[%swap3A_831, %swap3A_832, %swap3A_833] {strides = array<i32>} : memref<3x200x128xf32, #tpu.memory_space<vmem>>, vector<1x1x16xf32>,
      %swap3A_835 = vector.shape_cast %swap3A_834 : vector<1x1x16xf32> to vector<16xf32>
      %swap3A_836 = vector.shape_cast %mul3A_829 : vector<16xf32> to vector<1x1x16xf32>
      tpu.vector_store %arg6[%swap3A_831, %swap3A_832, %swap3A_833], %swap3A_836 {strides = array<i32>} : memref<3x200x128xf32, #tpu.memory_space<vmem>>, vector<1x1x16xf32>,
    }
    %scan3A_497 = arith.constant 200 : i32
    %add3A_498 = arith.constant 124 : i32
    %add3A_499 = arith.addi %mul3A_2, %add3A_498 : i32
    %dma_start3A_500 = arith.constant 1 : i32
    %dma_start3A_501 = arith.constant 0 : i32
    %dma_start3A_502 = arith.constant 0 : i32
    %dma_start3A_503 = tpu.memref_slice %arg6[%dma_start3A_500, %dma_start3A_501, %dma_start3A_502] : memref<3x200x128xf32, #tpu.memory_space<vmem>> -> memref<1x200x128xf32, #tpu.memory_space<vmem>>
    %dma_start3A_504 = tpu.memref_squeeze %dma_start3A_503 : memref<1x200x128xf32, #tpu.memory_space<vmem>> -> memref<200x128xf32, #tpu.memory_space<vmem>>
    %dma_start3A_505 = arith.constant 0 : i32
    %dma_start3A_506 = arith.constant 0 : i32
    %dma_start3A_507 = tpu.memref_slice %arg4[%add3A_499, %dma_start3A_505, %dma_start3A_506] : memref<4096x200x128xf32, #tpu.memory_space<hbm>> -> memref<1x200x128xf32, #tpu.memory_space<hbm>>
    %dma_start3A_508 = tpu.memref_squeeze %dma_start3A_507 : memref<1x200x128xf32, #tpu.memory_space<hbm>> -> memref<200x128xf32, #tpu.memory_space<hbm>>
    %dma_start3A_509 = arith.constant 0 : i32
    %dma_start3A_510 = arith.constant 0 : i32
    %dma_start3A_511 = tpu.memref_slice %arg4[%add3A_499, %dma_start3A_509, %dma_start3A_510] : memref<4096x200x128xf32, #tpu.memory_space<hbm>> -> memref<1x200x128xf32, #tpu.memory_space<hbm>>
    %dma_start3A_512 = tpu.memref_squeeze %dma_start3A_511 : memref<1x200x128xf32, #tpu.memory_space<hbm>> -> memref<200x128xf32, #tpu.memory_space<hbm>>
    %dma_start3A_513 = arith.constant 0 : i32
    %dma_start3A_514 = arith.constant 0 : i32
    %dma_start3A_515 = tpu.memref_slice %arg6[%dma_start3A_500, %dma_start3A_513, %dma_start3A_514] : memref<3x200x128xf32, #tpu.memory_space<vmem>> -> memref<1x200x128xf32, #tpu.memory_space<vmem>>
    %dma_start3A_516 = tpu.memref_squeeze %dma_start3A_515 : memref<1x200x128xf32, #tpu.memory_space<vmem>> -> memref<200x128xf32, #tpu.memory_space<vmem>>
    tpu.enqueue_dma source(%dma_start3A_516 : memref<200x128xf32, #tpu.memory_space<vmem>>) target(%dma_start3A_512 : memref<200x128xf32, #tpu.memory_space<hbm>>) target_semaphore(%arg11 : memref<!tpu.dma_semaphore, #tpu.memory_space<semaphore_mem>>)
    %dma_wait3A_517 = arith.constant 1 : i32
    %dma_wait3A_518 = arith.constant 0 : i32
    %dma_wait3A_519 = arith.constant 0 : i32
    %dma_wait3A_520 = tpu.memref_slice %arg6[%dma_wait3A_517, %dma_wait3A_518, %dma_wait3A_519] : memref<3x200x128xf32, #tpu.memory_space<vmem>> -> memref<1x200x128xf32, #tpu.memory_space<vmem>>
    %dma_wait3A_521 = tpu.memref_squeeze %dma_wait3A_520 : memref<1x200x128xf32, #tpu.memory_space<vmem>> -> memref<200x128xf32, #tpu.memory_space<vmem>>
    %dma_wait3A_522 = arith.constant 0 : i32
    %dma_wait3A_523 = arith.constant 0 : i32
    %dma_wait3A_524 = tpu.memref_slice %arg4[%mul3A_2, %dma_wait3A_522, %dma_wait3A_523] : memref<4096x200x128xf32, #tpu.memory_space<hbm>> -> memref<1x200x128xf32, #tpu.memory_space<hbm>>
    %dma_wait3A_525 = tpu.memref_squeeze %dma_wait3A_524 : memref<1x200x128xf32, #tpu.memory_space<hbm>> -> memref<200x128xf32, #tpu.memory_space<hbm>>
    %dma_wait3A_526 = arith.constant 0 : i32
    %dma_wait3A_527 = arith.constant 0 : i32
    %dma_wait3A_528 = tpu.memref_slice %arg4[%mul3A_2, %dma_wait3A_526, %dma_wait3A_527] : memref<4096x200x128xf32, #tpu.memory_space<hbm>> -> memref<1x200x128xf32, #tpu.memory_space<hbm>>
    %dma_wait3A_529 = tpu.memref_squeeze %dma_wait3A_528 : memref<1x200x128xf32, #tpu.memory_space<hbm>> -> memref<200x128xf32, #tpu.memory_space<hbm>>
    %dma_wait3A_530 = arith.constant 0 : i32
    %dma_wait3A_531 = arith.constant 0 : i32
    %dma_wait3A_532 = tpu.memref_slice %arg6[%dma_wait3A_517, %dma_wait3A_530, %dma_wait3A_531] : memref<3x200x128xf32, #tpu.memory_space<vmem>> -> memref<1x200x128xf32, #tpu.memory_space<vmem>>
    %dma_wait3A_533 = tpu.memref_squeeze %dma_wait3A_532 : memref<1x200x128xf32, #tpu.memory_space<vmem>> -> memref<200x128xf32, #tpu.memory_space<vmem>>
    tpu.wait_dma2 semaphore(%arg11 : memref<!tpu.dma_semaphore, #tpu.memory_space<semaphore_mem>>) src(%dma_wait3A_533 : memref<200x128xf32, #tpu.memory_space<vmem>>) dst(%dma_wait3A_529 : memref<200x128xf32, #tpu.memory_space<hbm>>)
    %dma_start3A_534 = arith.constant 127 : i32
    %dma_start3A_535 = arith.constant 1 : i32
    %dma_start3A_536 = arith.constant 0 : i32
    %dma_start3A_537 = arith.constant 0 : i32
    %dma_start3A_538 = tpu.memref_slice %arg6[%dma_start3A_535, %dma_start3A_536, %dma_start3A_537] : memref<3x200x128xf32, #tpu.memory_space<vmem>> -> memref<1x104x128xf32, #tpu.memory_space<vmem>>
    %dma_start3A_539 = tpu.memref_squeeze %dma_start3A_538 : memref<1x104x128xf32, #tpu.memory_space<vmem>> -> memref<104x128xf32, #tpu.memory_space<vmem>>
    %dma_start3A_540 = arith.constant 0 : i32
    %dma_start3A_541 = tpu.memref_slice %arg5[%dma_start3A_534, %dma_start3A_540] : memref<128x200xi32, #tpu.memory_space<vmem>> -> memref<1x104xi32, #tpu.memory_space<vmem>>
    %dma_start3A_542 = tpu.memref_squeeze %dma_start3A_541 : memref<1x104xi32, #tpu.memory_space<vmem>> -> memref<104xi32, #tpu.memory_space<vmem>>
    %dma_start3A_543 = arith.constant 0 : i32
    %dma_start3A_544 = arith.constant 0 : i32
    %dma_start3A_545 = tpu.memref_slice %arg3[%dma_start3A_543, %dma_start3A_544] : memref<1000000x128xf32, #tpu.memory_space<hbm>> -> memref<1000000x128xf32, #tpu.memory_space<hbm>>
    tpu.enqueue_indirect_dma source(%dma_start3A_545 : memref<1000000x128xf32, #tpu.memory_space<hbm>>) target(%dma_start3A_539 : memref<104x128xf32, #tpu.memory_space<vmem>>) offsets(%dma_start3A_542 : memref<104xi32, #tpu.memory_space<vmem>>) semaphore(%arg8 : memref<!tpu.dma_semaphore, #tpu.memory_space<semaphore_mem>>)
    %dma_start3A_546 = arith.constant 127 : i32
    %dma_start3A_547 = arith.constant 1 : i32
    %dma_start3A_548 = arith.constant 104 : i32
    %dma_start3A_549 = arith.constant 0 : i32
    %dma_start3A_550 = tpu.memref_slice %arg6[%dma_start3A_547, %dma_start3A_548, %dma_start3A_549] : memref<3x200x128xf32, #tpu.memory_space<vmem>> -> memref<1x96x128xf32, #tpu.memory_space<vmem>>
    %dma_start3A_551 = tpu.memref_squeeze %dma_start3A_550 : memref<1x96x128xf32, #tpu.memory_space<vmem>> -> memref<96x128xf32, #tpu.memory_space<vmem>>
    %dma_start3A_552 = arith.constant 104 : i32
    %dma_start3A_553 = tpu.memref_slice %arg5[%dma_start3A_546, %dma_start3A_552] : memref<128x200xi32, #tpu.memory_space<vmem>> -> memref<1x96xi32, #tpu.memory_space<vmem>>
    %dma_start3A_554 = tpu.memref_squeeze %dma_start3A_553 : memref<1x96xi32, #tpu.memory_space<vmem>> -> memref<96xi32, #tpu.memory_space<vmem>>
    %dma_start3A_555 = arith.constant 0 : i32
    %dma_start3A_556 = arith.constant 0 : i32
    %dma_start3A_557 = tpu.memref_slice %arg3[%dma_start3A_555, %dma_start3A_556] : memref<1000000x128xf32, #tpu.memory_space<hbm>> -> memref<1000000x128xf32, #tpu.memory_space<hbm>>
    tpu.enqueue_indirect_dma source(%dma_start3A_557 : memref<1000000x128xf32, #tpu.memory_space<hbm>>) target(%dma_start3A_551 : memref<96x128xf32, #tpu.memory_space<vmem>>) offsets(%dma_start3A_554 : memref<96xi32, #tpu.memory_space<vmem>>) semaphore(%arg8 : memref<!tpu.dma_semaphore, #tpu.memory_space<semaphore_mem>>)
    %dma_wait3A_558 = arith.constant 2 : i32
    %dma_wait3A_559 = arith.constant 0 : i32
    %dma_wait3A_560 = arith.constant 0 : i32
    %dma_wait3A_561 = tpu.memref_slice %arg6[%dma_wait3A_558, %dma_wait3A_559, %dma_wait3A_560] : memref<3x200x128xf32, #tpu.memory_space<vmem>> -> memref<1x104x128xf32, #tpu.memory_space<vmem>>
    %dma_wait3A_562 = tpu.memref_squeeze %dma_wait3A_561 : memref<1x104x128xf32, #tpu.memory_space<vmem>> -> memref<104x128xf32, #tpu.memory_space<vmem>>
    %dma_wait3A_563 = arith.constant 0 : i32
    %dma_wait3A_564 = arith.constant 0 : i32
    %dma_wait3A_565 = tpu.memref_slice %arg3[%dma_wait3A_563, %dma_wait3A_564] : memref<1000000x128xf32, #tpu.memory_space<hbm>> -> memref<104x128xf32, #tpu.memory_space<hbm>>
    %dma_wait3A_566 = arith.constant 0 : i32
    %dma_wait3A_567 = arith.constant 0 : i32
    %dma_wait3A_568 = tpu.memref_slice %arg6[%dma_wait3A_558, %dma_wait3A_566, %dma_wait3A_567] : memref<3x200x128xf32, #tpu.memory_space<vmem>> -> memref<1x104x128xf32, #tpu.memory_space<vmem>>
    %dma_wait3A_569 = tpu.memref_squeeze %dma_wait3A_568 : memref<1x104x128xf32, #tpu.memory_space<vmem>> -> memref<104x128xf32, #tpu.memory_space<vmem>>
    %dma_wait3A_570 = arith.constant 0 : i32
    %dma_wait3A_571 = arith.constant 0 : i32
    %dma_wait3A_572 = tpu.memref_slice %arg3[%dma_wait3A_570, %dma_wait3A_571] : memref<1000000x128xf32, #tpu.memory_space<hbm>> -> memref<104x128xf32, #tpu.memory_space<hbm>>
    tpu.wait_dma2 semaphore(%arg9 : memref<!tpu.dma_semaphore, #tpu.memory_space<semaphore_mem>>) src(%dma_wait3A_572 : memref<104x128xf32, #tpu.memory_space<hbm>>) dst(%dma_wait3A_569 : memref<104x128xf32, #tpu.memory_space<vmem>>)
    %dma_wait3A_573 = arith.constant 2 : i32
    %dma_wait3A_574 = arith.constant 104 : i32
    %dma_wait3A_575 = arith.constant 0 : i32
    %dma_wait3A_576 = tpu.memref_slice %arg6[%dma_wait3A_573, %dma_wait3A_574, %dma_wait3A_575] : memref<3x200x128xf32, #tpu.memory_space<vmem>> -> memref<1x96x128xf32, #tpu.memory_space<vmem>>
    %dma_wait3A_577 = tpu.memref_squeeze %dma_wait3A_576 : memref<1x96x128xf32, #tpu.memory_space<vmem>> -> memref<96x128xf32, #tpu.memory_space<vmem>>
    %dma_wait3A_578 = arith.constant 0 : i32
    %dma_wait3A_579 = arith.constant 0 : i32
    %dma_wait3A_580 = tpu.memref_slice %arg3[%dma_wait3A_578, %dma_wait3A_579] : memref<1000000x128xf32, #tpu.memory_space<hbm>> -> memref<96x128xf32, #tpu.memory_space<hbm>>
    %dma_wait3A_581 = arith.constant 104 : i32
    %dma_wait3A_582 = arith.constant 0 : i32
    %dma_wait3A_583 = tpu.memref_slice %arg6[%dma_wait3A_573, %dma_wait3A_581, %dma_wait3A_582] : memref<3x200x128xf32, #tpu.memory_space<vmem>> -> memref<1x96x128xf32, #tpu.memory_space<vmem>>
    %dma_wait3A_584 = tpu.memref_squeeze %dma_wait3A_583 : memref<1x96x128xf32, #tpu.memory_space<vmem>> -> memref<96x128xf32, #tpu.memory_space<vmem>>
    %dma_wait3A_585 = arith.constant 0 : i32
    %dma_wait3A_586 = arith.constant 0 : i32
    %dma_wait3A_587 = tpu.memref_slice %arg3[%dma_wait3A_585, %dma_wait3A_586] : memref<1000000x128xf32, #tpu.memory_space<hbm>> -> memref<96x128xf32, #tpu.memory_space<hbm>>
    tpu.wait_dma2 semaphore(%arg9 : memref<!tpu.dma_semaphore, #tpu.memory_space<semaphore_mem>>) src(%dma_wait3A_587 : memref<96x128xf32, #tpu.memory_space<hbm>>) dst(%dma_wait3A_584 : memref<96x128xf32, #tpu.memory_space<vmem>>)
    %scan3A_588 = arith.constant 0 : i32
    %scan3A_589 = arith.constant 0 : i32
    %scan3A_590 = arith.constant 200 : i32
    %scan3A_591 = arith.addi %scan3A_589, %scan3A_590 : i32
    %scan3A_592 = arith.constant 1 : i32
    scf.for %scan3A_774 = %scan3A_589 to %scan3A_591 step %scan3A_592  : i32 {
      %get3A = arith.constant 2 : i32
      %get3A_775 = arith.index_cast %get3A : i32 to index
      %get3A_776 = arith.index_cast %scan3A_774 : i32 to index
      %get3A_777 = arith.constant 0 : index
      %get3A_778 = tpu.vector_load %arg6[%get3A_775, %get3A_776, %get3A_777] {strides = array<i32>} : memref<3x200x128xf32, #tpu.memory_space<vmem>>, vector<1x1x16xf32>,
      %get3A_779 = vector.shape_cast %get3A_778 : vector<1x1x16xf32> to vector<16xf32>
      %mul3A_780 = arith.constant 8.000000e+00 : f32
      %mul3A_781 = vector.broadcast %mul3A_780 : f32 to vector<16xf32>
      %mul3A_782 = arith.mulf %get3A_779, %mul3A_781 : vector<16xf32>
      %swap3A = arith.constant 2 : i32
      %swap3A_783 = arith.index_cast %swap3A : i32 to index
      %swap3A_784 = arith.index_cast %scan3A_774 : i32 to index
      %swap3A_785 = arith.constant 0 : index
      %swap3A_786 = tpu.vector_load %arg6[%swap3A_783, %swap3A_784, %swap3A_785] {strides = array<i32>} : memref<3x200x128xf32, #tpu.memory_space<vmem>>, vector<1x1x16xf32>,
      %swap3A_787 = vector.shape_cast %swap3A_786 : vector<1x1x16xf32> to vector<16xf32>
      %swap3A_788 = vector.shape_cast %mul3A_782 : vector<16xf32> to vector<1x1x16xf32>
      tpu.vector_store %arg6[%swap3A_783, %swap3A_784, %swap3A_785], %swap3A_788 {strides = array<i32>} : memref<3x200x128xf32, #tpu.memory_space<vmem>>, vector<1x1x16xf32>,
      %get3A_789 = arith.constant 2 : i32
      %get3A_790 = arith.index_cast %get3A_789 : i32 to index
      %get3A_791 = arith.index_cast %scan3A_774 : i32 to index
      %get3A_792 = arith.constant 16 : index
      %get3A_793 = tpu.vector_load %arg6[%get3A_790, %get3A_791, %get3A_792] {strides = array<i32>} : memref<3x200x128xf32, #tpu.memory_space<vmem>>, vector<1x1x16xf32>,
      %get3A_794 = vector.shape_cast %get3A_793 : vector<1x1x16xf32> to vector<16xf32>
      %mul3A_795 = arith.constant 8.000000e+00 : f32
      %mul3A_796 = vector.broadcast %mul3A_795 : f32 to vector<16xf32>
      %mul3A_797 = arith.mulf %get3A_794, %mul3A_796 : vector<16xf32>
      %swap3A_798 = arith.constant 2 : i32
      %swap3A_799 = arith.index_cast %swap3A_798 : i32 to index
      %swap3A_800 = arith.index_cast %scan3A_774 : i32 to index
      %swap3A_801 = arith.constant 16 : index
      %swap3A_802 = tpu.vector_load %arg6[%swap3A_799, %swap3A_800, %swap3A_801] {strides = array<i32>} : memref<3x200x128xf32, #tpu.memory_space<vmem>>, vector<1x1x16xf32>,
      %swap3A_803 = vector.shape_cast %swap3A_802 : vector<1x1x16xf32> to vector<16xf32>
      %swap3A_804 = vector.shape_cast %mul3A_797 : vector<16xf32> to vector<1x1x16xf32>
      tpu.vector_store %arg6[%swap3A_799, %swap3A_800, %swap3A_801], %swap3A_804 {strides = array<i32>} : memref<3x200x128xf32, #tpu.memory_space<vmem>>, vector<1x1x16xf32>,
      %get3A_805 = arith.constant 2 : i32
      %get3A_806 = arith.index_cast %get3A_805 : i32 to index
      %get3A_807 = arith.index_cast %scan3A_774 : i32 to index
      %get3A_808 = arith.constant 32 : index
      %get3A_809 = tpu.vector_load %arg6[%get3A_806, %get3A_807, %get3A_808] {strides = array<i32>} : memref<3x200x128xf32, #tpu.memory_space<vmem>>, vector<1x1x16xf32>,
      %get3A_810 = vector.shape_cast %get3A_809 : vector<1x1x16xf32> to vector<16xf32>
      %mul3A_811 = arith.constant 8.000000e+00 : f32
      %mul3A_812 = vector.broadcast %mul3A_811 : f32 to vector<16xf32>
      %mul3A_813 = arith.mulf %get3A_810, %mul3A_812 : vector<16xf32>
      %swap3A_814 = arith.constant 2 : i32
      %swap3A_815 = arith.index_cast %swap3A_814 : i32 to index
      %swap3A_816 = arith.index_cast %scan3A_774 : i32 to index
      %swap3A_817 = arith.constant 32 : index
      %swap3A_818 = tpu.vector_load %arg6[%swap3A_815, %swap3A_816, %swap3A_817] {strides = array<i32>} : memref<3x200x128xf32, #tpu.memory_space<vmem>>, vector<1x1x16xf32>,
      %swap3A_819 = vector.shape_cast %swap3A_818 : vector<1x1x16xf32> to vector<16xf32>
      %swap3A_820 = vector.shape_cast %mul3A_813 : vector<16xf32> to vector<1x1x16xf32>
      tpu.vector_store %arg6[%swap3A_815, %swap3A_816, %swap3A_817], %swap3A_820 {strides = array<i32>} : memref<3x200x128xf32, #tpu.memory_space<vmem>>, vector<1x1x16xf32>,
      %get3A_821 = arith.constant 2 : i32
      %get3A_822 = arith.index_cast %get3A_821 : i32 to index
      %get3A_823 = arith.index_cast %scan3A_774 : i32 to index
      %get3A_824 = arith.constant 48 : index
      %get3A_825 = tpu.vector_load %arg6[%get3A_822, %get3A_823, %get3A_824] {strides = array<i32>} : memref<3x200x128xf32, #tpu.memory_space<vmem>>, vector<1x1x16xf32>,
      %get3A_826 = vector.shape_cast %get3A_825 : vector<1x1x16xf32> to vector<16xf32>
      %mul3A_827 = arith.constant 8.000000e+00 : f32
      %mul3A_828 = vector.broadcast %mul3A_827 : f32 to vector<16xf32>
      %mul3A_829 = arith.mulf %get3A_826, %mul3A_828 : vector<16xf32>
      %swap3A_830 = arith.constant 2 : i32
      %swap3A_831 = arith.index_cast %swap3A_830 : i32 to index
      %swap3A_832 = arith.index_cast %scan3A_774 : i32 to index
      %swap3A_833 = arith.constant 48 : index
      %swap3A_834 = tpu.vector_load %arg6[%swap3A_831, %swap3A_832, %swap3A_833] {strides = array<i32>} : memref<3x200x128xf32, #tpu.memory_space<vmem>>, vector<1x1x16xf32>,
      %swap3A_835 = vector.shape_cast %swap3A_834 : vector<1x1x16xf32> to vector<16xf32>
      %swap3A_836 = vector.shape_cast %mul3A_829 : vector<16xf32> to vector<1x1x16xf32>
      tpu.vector_store %arg6[%swap3A_831, %swap3A_832, %swap3A_833], %swap3A_836 {strides = array<i32>} : memref<3x200x128xf32, #tpu.memory_space<vmem>>, vector<1x1x16xf32>,
    }
    %scan3A_593 = arith.constant 200 : i32
    %add3A_594 = arith.constant 125 : i32
    %add3A_595 = arith.addi %mul3A_2, %add3A_594 : i32
    %dma_start3A_596 = arith.constant 2 : i32
    %dma_start3A_597 = arith.constant 0 : i32
    %dma_start3A_598 = arith.constant 0 : i32
    %dma_start3A_599 = tpu.memref_slice %arg6[%dma_start3A_596, %dma_start3A_597, %dma_start3A_598] : memref<3x200x128xf32, #tpu.memory_space<vmem>> -> memref<1x200x128xf32, #tpu.memory_space<vmem>>
    %dma_start3A_600 = tpu.memref_squeeze %dma_start3A_599 : memref<1x200x128xf32, #tpu.memory_space<vmem>> -> memref<200x128xf32, #tpu.memory_space<vmem>>
    %dma_start3A_601 = arith.constant 0 : i32
    %dma_start3A_602 = arith.constant 0 : i32
    %dma_start3A_603 = tpu.memref_slice %arg4[%add3A_595, %dma_start3A_601, %dma_start3A_602] : memref<4096x200x128xf32, #tpu.memory_space<hbm>> -> memref<1x200x128xf32, #tpu.memory_space<hbm>>
    %dma_start3A_604 = tpu.memref_squeeze %dma_start3A_603 : memref<1x200x128xf32, #tpu.memory_space<hbm>> -> memref<200x128xf32, #tpu.memory_space<hbm>>
    %dma_start3A_605 = arith.constant 0 : i32
    %dma_start3A_606 = arith.constant 0 : i32
    %dma_start3A_607 = tpu.memref_slice %arg4[%add3A_595, %dma_start3A_605, %dma_start3A_606] : memref<4096x200x128xf32, #tpu.memory_space<hbm>> -> memref<1x200x128xf32, #tpu.memory_space<hbm>>
    %dma_start3A_608 = tpu.memref_squeeze %dma_start3A_607 : memref<1x200x128xf32, #tpu.memory_space<hbm>> -> memref<200x128xf32, #tpu.memory_space<hbm>>
    %dma_start3A_609 = arith.constant 0 : i32
    %dma_start3A_610 = arith.constant 0 : i32
    %dma_start3A_611 = tpu.memref_slice %arg6[%dma_start3A_596, %dma_start3A_609, %dma_start3A_610] : memref<3x200x128xf32, #tpu.memory_space<vmem>> -> memref<1x200x128xf32, #tpu.memory_space<vmem>>
    %dma_start3A_612 = tpu.memref_squeeze %dma_start3A_611 : memref<1x200x128xf32, #tpu.memory_space<vmem>> -> memref<200x128xf32, #tpu.memory_space<vmem>>
    tpu.enqueue_dma source(%dma_start3A_612 : memref<200x128xf32, #tpu.memory_space<vmem>>) target(%dma_start3A_608 : memref<200x128xf32, #tpu.memory_space<hbm>>) target_semaphore(%arg12 : memref<!tpu.dma_semaphore, #tpu.memory_space<semaphore_mem>>)
    %dma_wait3A_613 = arith.constant 0 : i32
    %dma_wait3A_614 = arith.constant 0 : i32
    %dma_wait3A_615 = arith.constant 0 : i32
    %dma_wait3A_616 = tpu.memref_slice %arg6[%dma_wait3A_613, %dma_wait3A_614, %dma_wait3A_615] : memref<3x200x128xf32, #tpu.memory_space<vmem>> -> memref<1x104x128xf32, #tpu.memory_space<vmem>>
    %dma_wait3A_617 = tpu.memref_squeeze %dma_wait3A_616 : memref<1x104x128xf32, #tpu.memory_space<vmem>> -> memref<104x128xf32, #tpu.memory_space<vmem>>
    %dma_wait3A_618 = arith.constant 0 : i32
    %dma_wait3A_619 = arith.constant 0 : i32
    %dma_wait3A_620 = tpu.memref_slice %arg3[%dma_wait3A_618, %dma_wait3A_619] : memref<1000000x128xf32, #tpu.memory_space<hbm>> -> memref<104x128xf32, #tpu.memory_space<hbm>>
    %dma_wait3A_621 = arith.constant 0 : i32
    %dma_wait3A_622 = arith.constant 0 : i32
    %dma_wait3A_623 = tpu.memref_slice %arg6[%dma_wait3A_613, %dma_wait3A_621, %dma_wait3A_622] : memref<3x200x128xf32, #tpu.memory_space<vmem>> -> memref<1x104x128xf32, #tpu.memory_space<vmem>>
    %dma_wait3A_624 = tpu.memref_squeeze %dma_wait3A_623 : memref<1x104x128xf32, #tpu.memory_space<vmem>> -> memref<104x128xf32, #tpu.memory_space<vmem>>
    %dma_wait3A_625 = arith.constant 0 : i32
    %dma_wait3A_626 = arith.constant 0 : i32
    %dma_wait3A_627 = tpu.memref_slice %arg3[%dma_wait3A_625, %dma_wait3A_626] : memref<1000000x128xf32, #tpu.memory_space<hbm>> -> memref<104x128xf32, #tpu.memory_space<hbm>>
    tpu.wait_dma2 semaphore(%arg7 : memref<!tpu.dma_semaphore, #tpu.memory_space<semaphore_mem>>) src(%dma_wait3A_627 : memref<104x128xf32, #tpu.memory_space<hbm>>) dst(%dma_wait3A_624 : memref<104x128xf32, #tpu.memory_space<vmem>>)
    %dma_wait3A_628 = arith.constant 0 : i32
    %dma_wait3A_629 = arith.constant 104 : i32
    %dma_wait3A_630 = arith.constant 0 : i32
    %dma_wait3A_631 = tpu.memref_slice %arg6[%dma_wait3A_628, %dma_wait3A_629, %dma_wait3A_630] : memref<3x200x128xf32, #tpu.memory_space<vmem>> -> memref<1x96x128xf32, #tpu.memory_space<vmem>>
    %dma_wait3A_632 = tpu.memref_squeeze %dma_wait3A_631 : memref<1x96x128xf32, #tpu.memory_space<vmem>> -> memref<96x128xf32, #tpu.memory_space<vmem>>
    %dma_wait3A_633 = arith.constant 0 : i32
    %dma_wait3A_634 = arith.constant 0 : i32
    %dma_wait3A_635 = tpu.memref_slice %arg3[%dma_wait3A_633, %dma_wait3A_634] : memref<1000000x128xf32, #tpu.memory_space<hbm>> -> memref<96x128xf32, #tpu.memory_space<hbm>>
    %dma_wait3A_636 = arith.constant 104 : i32
    %dma_wait3A_637 = arith.constant 0 : i32
    %dma_wait3A_638 = tpu.memref_slice %arg6[%dma_wait3A_628, %dma_wait3A_636, %dma_wait3A_637] : memref<3x200x128xf32, #tpu.memory_space<vmem>> -> memref<1x96x128xf32, #tpu.memory_space<vmem>>
    %dma_wait3A_639 = tpu.memref_squeeze %dma_wait3A_638 : memref<1x96x128xf32, #tpu.memory_space<vmem>> -> memref<96x128xf32, #tpu.memory_space<vmem>>
    %dma_wait3A_640 = arith.constant 0 : i32
    %dma_wait3A_641 = arith.constant 0 : i32
    %dma_wait3A_642 = tpu.memref_slice %arg3[%dma_wait3A_640, %dma_wait3A_641] : memref<1000000x128xf32, #tpu.memory_space<hbm>> -> memref<96x128xf32, #tpu.memory_space<hbm>>
    tpu.wait_dma2 semaphore(%arg7 : memref<!tpu.dma_semaphore, #tpu.memory_space<semaphore_mem>>) src(%dma_wait3A_642 : memref<96x128xf32, #tpu.memory_space<hbm>>) dst(%dma_wait3A_639 : memref<96x128xf32, #tpu.memory_space<vmem>>)
    %scan3A_643 = arith.constant 0 : i32
    %scan3A_644 = arith.constant 0 : i32
    %scan3A_645 = arith.constant 200 : i32
    %scan3A_646 = arith.addi %scan3A_644, %scan3A_645 : i32
    %scan3A_647 = arith.constant 1 : i32
    scf.for %scan3A_774 = %scan3A_644 to %scan3A_646 step %scan3A_647  : i32 {
      %get3A = arith.constant 0 : i32
      %get3A_775 = arith.index_cast %get3A : i32 to index
      %get3A_776 = arith.index_cast %scan3A_774 : i32 to index
      %get3A_777 = arith.constant 0 : index
      %get3A_778 = tpu.vector_load %arg6[%get3A_775, %get3A_776, %get3A_777] {strides = array<i32>} : memref<3x200x128xf32, #tpu.memory_space<vmem>>, vector<1x1x16xf32>,
      %get3A_779 = vector.shape_cast %get3A_778 : vector<1x1x16xf32> to vector<16xf32>
      %mul3A_780 = arith.constant 8.000000e+00 : f32
      %mul3A_781 = vector.broadcast %mul3A_780 : f32 to vector<16xf32>
      %mul3A_782 = arith.mulf %get3A_779, %mul3A_781 : vector<16xf32>
      %swap3A = arith.constant 0 : i32
      %swap3A_783 = arith.index_cast %swap3A : i32 to index
      %swap3A_784 = arith.index_cast %scan3A_774 : i32 to index
      %swap3A_785 = arith.constant 0 : index
      %swap3A_786 = tpu.vector_load %arg6[%swap3A_783, %swap3A_784, %swap3A_785] {strides = array<i32>} : memref<3x200x128xf32, #tpu.memory_space<vmem>>, vector<1x1x16xf32>,
      %swap3A_787 = vector.shape_cast %swap3A_786 : vector<1x1x16xf32> to vector<16xf32>
      %swap3A_788 = vector.shape_cast %mul3A_782 : vector<16xf32> to vector<1x1x16xf32>
      tpu.vector_store %arg6[%swap3A_783, %swap3A_784, %swap3A_785], %swap3A_788 {strides = array<i32>} : memref<3x200x128xf32, #tpu.memory_space<vmem>>, vector<1x1x16xf32>,
      %get3A_789 = arith.constant 0 : i32
      %get3A_790 = arith.index_cast %get3A_789 : i32 to index
      %get3A_791 = arith.index_cast %scan3A_774 : i32 to index
      %get3A_792 = arith.constant 16 : index
      %get3A_793 = tpu.vector_load %arg6[%get3A_790, %get3A_791, %get3A_792] {strides = array<i32>} : memref<3x200x128xf32, #tpu.memory_space<vmem>>, vector<1x1x16xf32>,
      %get3A_794 = vector.shape_cast %get3A_793 : vector<1x1x16xf32> to vector<16xf32>
      %mul3A_795 = arith.constant 8.000000e+00 : f32
      %mul3A_796 = vector.broadcast %mul3A_795 : f32 to vector<16xf32>
      %mul3A_797 = arith.mulf %get3A_794, %mul3A_796 : vector<16xf32>
      %swap3A_798 = arith.constant 0 : i32
      %swap3A_799 = arith.index_cast %swap3A_798 : i32 to index
      %swap3A_800 = arith.index_cast %scan3A_774 : i32 to index
      %swap3A_801 = arith.constant 16 : index
      %swap3A_802 = tpu.vector_load %arg6[%swap3A_799, %swap3A_800, %swap3A_801] {strides = array<i32>} : memref<3x200x128xf32, #tpu.memory_space<vmem>>, vector<1x1x16xf32>,
      %swap3A_803 = vector.shape_cast %swap3A_802 : vector<1x1x16xf32> to vector<16xf32>
      %swap3A_804 = vector.shape_cast %mul3A_797 : vector<16xf32> to vector<1x1x16xf32>
      tpu.vector_store %arg6[%swap3A_799, %swap3A_800, %swap3A_801], %swap3A_804 {strides = array<i32>} : memref<3x200x128xf32, #tpu.memory_space<vmem>>, vector<1x1x16xf32>,
      %get3A_805 = arith.constant 0 : i32
      %get3A_806 = arith.index_cast %get3A_805 : i32 to index
      %get3A_807 = arith.index_cast %scan3A_774 : i32 to index
      %get3A_808 = arith.constant 32 : index
      %get3A_809 = tpu.vector_load %arg6[%get3A_806, %get3A_807, %get3A_808] {strides = array<i32>} : memref<3x200x128xf32, #tpu.memory_space<vmem>>, vector<1x1x16xf32>,
      %get3A_810 = vector.shape_cast %get3A_809 : vector<1x1x16xf32> to vector<16xf32>
      %mul3A_811 = arith.constant 8.000000e+00 : f32
      %mul3A_812 = vector.broadcast %mul3A_811 : f32 to vector<16xf32>
      %mul3A_813 = arith.mulf %get3A_810, %mul3A_812 : vector<16xf32>
      %swap3A_814 = arith.constant 0 : i32
      %swap3A_815 = arith.index_cast %swap3A_814 : i32 to index
      %swap3A_816 = arith.index_cast %scan3A_774 : i32 to index
      %swap3A_817 = arith.constant 32 : index
      %swap3A_818 = tpu.vector_load %arg6[%swap3A_815, %swap3A_816, %swap3A_817] {strides = array<i32>} : memref<3x200x128xf32, #tpu.memory_space<vmem>>, vector<1x1x16xf32>,
      %swap3A_819 = vector.shape_cast %swap3A_818 : vector<1x1x16xf32> to vector<16xf32>
      %swap3A_820 = vector.shape_cast %mul3A_813 : vector<16xf32> to vector<1x1x16xf32>
      tpu.vector_store %arg6[%swap3A_815, %swap3A_816, %swap3A_817], %swap3A_820 {strides = array<i32>} : memref<3x200x128xf32, #tpu.memory_space<vmem>>, vector<1x1x16xf32>,
      %get3A_821 = arith.constant 0 : i32
      %get3A_822 = arith.index_cast %get3A_821 : i32 to index
      %get3A_823 = arith.index_cast %scan3A_774 : i32 to index
      %get3A_824 = arith.constant 48 : index
      %get3A_825 = tpu.vector_load %arg6[%get3A_822, %get3A_823, %get3A_824] {strides = array<i32>} : memref<3x200x128xf32, #tpu.memory_space<vmem>>, vector<1x1x16xf32>,
      %get3A_826 = vector.shape_cast %get3A_825 : vector<1x1x16xf32> to vector<16xf32>
      %mul3A_827 = arith.constant 8.000000e+00 : f32
      %mul3A_828 = vector.broadcast %mul3A_827 : f32 to vector<16xf32>
      %mul3A_829 = arith.mulf %get3A_826, %mul3A_828 : vector<16xf32>
      %swap3A_830 = arith.constant 0 : i32
      %swap3A_831 = arith.index_cast %swap3A_830 : i32 to index
      %swap3A_832 = arith.index_cast %scan3A_774 : i32 to index
      %swap3A_833 = arith.constant 48 : index
      %swap3A_834 = tpu.vector_load %arg6[%swap3A_831, %swap3A_832, %swap3A_833] {strides = array<i32>} : memref<3x200x128xf32, #tpu.memory_space<vmem>>, vector<1x1x16xf32>,
      %swap3A_835 = vector.shape_cast %swap3A_834 : vector<1x1x16xf32> to vector<16xf32>
      %swap3A_836 = vector.shape_cast %mul3A_829 : vector<16xf32> to vector<1x1x16xf32>
      tpu.vector_store %arg6[%swap3A_831, %swap3A_832, %swap3A_833], %swap3A_836 {strides = array<i32>} : memref<3x200x128xf32, #tpu.memory_space<vmem>>, vector<1x1x16xf32>,
    }
    %scan3A_648 = arith.constant 200 : i32
    %add3A_649 = arith.constant 126 : i32
    %add3A_650 = arith.addi %mul3A_2, %add3A_649 : i32
    %dma_start3A_651 = arith.constant 0 : i32
    %dma_start3A_652 = arith.constant 0 : i32
    %dma_start3A_653 = arith.constant 0 : i32
    %dma_start3A_654 = tpu.memref_slice %arg6[%dma_start3A_651, %dma_start3A_652, %dma_start3A_653] : memref<3x200x128xf32, #tpu.memory_space<vmem>> -> memref<1x200x128xf32, #tpu.memory_space<vmem>>
    %dma_start3A_655 = tpu.memref_squeeze %dma_start3A_654 : memref<1x200x128xf32, #tpu.memory_space<vmem>> -> memref<200x128xf32, #tpu.memory_space<vmem>>
    %dma_start3A_656 = arith.constant 0 : i32
    %dma_start3A_657 = arith.constant 0 : i32
    %dma_start3A_658 = tpu.memref_slice %arg4[%add3A_650, %dma_start3A_656, %dma_start3A_657] : memref<4096x200x128xf32, #tpu.memory_space<hbm>> -> memref<1x200x128xf32, #tpu.memory_space<hbm>>
    %dma_start3A_659 = tpu.memref_squeeze %dma_start3A_658 : memref<1x200x128xf32, #tpu.memory_space<hbm>> -> memref<200x128xf32, #tpu.memory_space<hbm>>
    %dma_start3A_660 = arith.constant 0 : i32
    %dma_start3A_661 = arith.constant 0 : i32
    %dma_start3A_662 = tpu.memref_slice %arg4[%add3A_650, %dma_start3A_660, %dma_start3A_661] : memref<4096x200x128xf32, #tpu.memory_space<hbm>> -> memref<1x200x128xf32, #tpu.memory_space<hbm>>
    %dma_start3A_663 = tpu.memref_squeeze %dma_start3A_662 : memref<1x200x128xf32, #tpu.memory_space<hbm>> -> memref<200x128xf32, #tpu.memory_space<hbm>>
    %dma_start3A_664 = arith.constant 0 : i32
    %dma_start3A_665 = arith.constant 0 : i32
    %dma_start3A_666 = tpu.memref_slice %arg6[%dma_start3A_651, %dma_start3A_664, %dma_start3A_665] : memref<3x200x128xf32, #tpu.memory_space<vmem>> -> memref<1x200x128xf32, #tpu.memory_space<vmem>>
    %dma_start3A_667 = tpu.memref_squeeze %dma_start3A_666 : memref<1x200x128xf32, #tpu.memory_space<vmem>> -> memref<200x128xf32, #tpu.memory_space<vmem>>
    tpu.enqueue_dma source(%dma_start3A_667 : memref<200x128xf32, #tpu.memory_space<vmem>>) target(%dma_start3A_663 : memref<200x128xf32, #tpu.memory_space<hbm>>) target_semaphore(%arg10 : memref<!tpu.dma_semaphore, #tpu.memory_space<semaphore_mem>>)
    %dma_wait3A_668 = arith.constant 1 : i32
    %dma_wait3A_669 = arith.constant 0 : i32
    %dma_wait3A_670 = arith.constant 0 : i32
    %dma_wait3A_671 = tpu.memref_slice %arg6[%dma_wait3A_668, %dma_wait3A_669, %dma_wait3A_670] : memref<3x200x128xf32, #tpu.memory_space<vmem>> -> memref<1x104x128xf32, #tpu.memory_space<vmem>>
    %dma_wait3A_672 = tpu.memref_squeeze %dma_wait3A_671 : memref<1x104x128xf32, #tpu.memory_space<vmem>> -> memref<104x128xf32, #tpu.memory_space<vmem>>
    %dma_wait3A_673 = arith.constant 0 : i32
    %dma_wait3A_674 = arith.constant 0 : i32
    %dma_wait3A_675 = tpu.memref_slice %arg3[%dma_wait3A_673, %dma_wait3A_674] : memref<1000000x128xf32, #tpu.memory_space<hbm>> -> memref<104x128xf32, #tpu.memory_space<hbm>>
    %dma_wait3A_676 = arith.constant 0 : i32
    %dma_wait3A_677 = arith.constant 0 : i32
    %dma_wait3A_678 = tpu.memref_slice %arg6[%dma_wait3A_668, %dma_wait3A_676, %dma_wait3A_677] : memref<3x200x128xf32, #tpu.memory_space<vmem>> -> memref<1x104x128xf32, #tpu.memory_space<vmem>>
    %dma_wait3A_679 = tpu.memref_squeeze %dma_wait3A_678 : memref<1x104x128xf32, #tpu.memory_space<vmem>> -> memref<104x128xf32, #tpu.memory_space<vmem>>
    %dma_wait3A_680 = arith.constant 0 : i32
    %dma_wait3A_681 = arith.constant 0 : i32
    %dma_wait3A_682 = tpu.memref_slice %arg3[%dma_wait3A_680, %dma_wait3A_681] : memref<1000000x128xf32, #tpu.memory_space<hbm>> -> memref<104x128xf32, #tpu.memory_space<hbm>>
    tpu.wait_dma2 semaphore(%arg8 : memref<!tpu.dma_semaphore, #tpu.memory_space<semaphore_mem>>) src(%dma_wait3A_682 : memref<104x128xf32, #tpu.memory_space<hbm>>) dst(%dma_wait3A_679 : memref<104x128xf32, #tpu.memory_space<vmem>>)
    %dma_wait3A_683 = arith.constant 1 : i32
    %dma_wait3A_684 = arith.constant 104 : i32
    %dma_wait3A_685 = arith.constant 0 : i32
    %dma_wait3A_686 = tpu.memref_slice %arg6[%dma_wait3A_683, %dma_wait3A_684, %dma_wait3A_685] : memref<3x200x128xf32, #tpu.memory_space<vmem>> -> memref<1x96x128xf32, #tpu.memory_space<vmem>>
    %dma_wait3A_687 = tpu.memref_squeeze %dma_wait3A_686 : memref<1x96x128xf32, #tpu.memory_space<vmem>> -> memref<96x128xf32, #tpu.memory_space<vmem>>
    %dma_wait3A_688 = arith.constant 0 : i32
    %dma_wait3A_689 = arith.constant 0 : i32
    %dma_wait3A_690 = tpu.memref_slice %arg3[%dma_wait3A_688, %dma_wait3A_689] : memref<1000000x128xf32, #tpu.memory_space<hbm>> -> memref<96x128xf32, #tpu.memory_space<hbm>>
    %dma_wait3A_691 = arith.constant 104 : i32
    %dma_wait3A_692 = arith.constant 0 : i32
    %dma_wait3A_693 = tpu.memref_slice %arg6[%dma_wait3A_683, %dma_wait3A_691, %dma_wait3A_692] : memref<3x200x128xf32, #tpu.memory_space<vmem>> -> memref<1x96x128xf32, #tpu.memory_space<vmem>>
    %dma_wait3A_694 = tpu.memref_squeeze %dma_wait3A_693 : memref<1x96x128xf32, #tpu.memory_space<vmem>> -> memref<96x128xf32, #tpu.memory_space<vmem>>
    %dma_wait3A_695 = arith.constant 0 : i32
    %dma_wait3A_696 = arith.constant 0 : i32
    %dma_wait3A_697 = tpu.memref_slice %arg3[%dma_wait3A_695, %dma_wait3A_696] : memref<1000000x128xf32, #tpu.memory_space<hbm>> -> memref<96x128xf32, #tpu.memory_space<hbm>>
    tpu.wait_dma2 semaphore(%arg8 : memref<!tpu.dma_semaphore, #tpu.memory_space<semaphore_mem>>) src(%dma_wait3A_697 : memref<96x128xf32, #tpu.memory_space<hbm>>) dst(%dma_wait3A_694 : memref<96x128xf32, #tpu.memory_space<vmem>>)
    %scan3A_698 = arith.constant 0 : i32
    %scan3A_699 = arith.constant 0 : i32
    %scan3A_700 = arith.constant 200 : i32
    %scan3A_701 = arith.addi %scan3A_699, %scan3A_700 : i32
    %scan3A_702 = arith.constant 1 : i32
    scf.for %scan3A_774 = %scan3A_699 to %scan3A_701 step %scan3A_702  : i32 {
      %get3A = arith.constant 1 : i32
      %get3A_775 = arith.index_cast %get3A : i32 to index
      %get3A_776 = arith.index_cast %scan3A_774 : i32 to index
      %get3A_777 = arith.constant 0 : index
      %get3A_778 = tpu.vector_load %arg6[%get3A_775, %get3A_776, %get3A_777] {strides = array<i32>} : memref<3x200x128xf32, #tpu.memory_space<vmem>>, vector<1x1x16xf32>,
      %get3A_779 = vector.shape_cast %get3A_778 : vector<1x1x16xf32> to vector<16xf32>
      %mul3A_780 = arith.constant 8.000000e+00 : f32
      %mul3A_781 = vector.broadcast %mul3A_780 : f32 to vector<16xf32>
      %mul3A_782 = arith.mulf %get3A_779, %mul3A_781 : vector<16xf32>
      %swap3A = arith.constant 1 : i32
      %swap3A_783 = arith.index_cast %swap3A : i32 to index
      %swap3A_784 = arith.index_cast %scan3A_774 : i32 to index
      %swap3A_785 = arith.constant 0 : index
      %swap3A_786 = tpu.vector_load %arg6[%swap3A_783, %swap3A_784, %swap3A_785] {strides = array<i32>} : memref<3x200x128xf32, #tpu.memory_space<vmem>>, vector<1x1x16xf32>,
      %swap3A_787 = vector.shape_cast %swap3A_786 : vector<1x1x16xf32> to vector<16xf32>
      %swap3A_788 = vector.shape_cast %mul3A_782 : vector<16xf32> to vector<1x1x16xf32>
      tpu.vector_store %arg6[%swap3A_783, %swap3A_784, %swap3A_785], %swap3A_788 {strides = array<i32>} : memref<3x200x128xf32, #tpu.memory_space<vmem>>, vector<1x1x16xf32>,
      %get3A_789 = arith.constant 1 : i32
      %get3A_790 = arith.index_cast %get3A_789 : i32 to index
      %get3A_791 = arith.index_cast %scan3A_774 : i32 to index
      %get3A_792 = arith.constant 16 : index
      %get3A_793 = tpu.vector_load %arg6[%get3A_790, %get3A_791, %get3A_792] {strides = array<i32>} : memref<3x200x128xf32, #tpu.memory_space<vmem>>, vector<1x1x16xf32>,
      %get3A_794 = vector.shape_cast %get3A_793 : vector<1x1x16xf32> to vector<16xf32>
      %mul3A_795 = arith.constant 8.000000e+00 : f32
      %mul3A_796 = vector.broadcast %mul3A_795 : f32 to vector<16xf32>
      %mul3A_797 = arith.mulf %get3A_794, %mul3A_796 : vector<16xf32>
      %swap3A_798 = arith.constant 1 : i32
      %swap3A_799 = arith.index_cast %swap3A_798 : i32 to index
      %swap3A_800 = arith.index_cast %scan3A_774 : i32 to index
      %swap3A_801 = arith.constant 16 : index
      %swap3A_802 = tpu.vector_load %arg6[%swap3A_799, %swap3A_800, %swap3A_801] {strides = array<i32>} : memref<3x200x128xf32, #tpu.memory_space<vmem>>, vector<1x1x16xf32>,
      %swap3A_803 = vector.shape_cast %swap3A_802 : vector<1x1x16xf32> to vector<16xf32>
      %swap3A_804 = vector.shape_cast %mul3A_797 : vector<16xf32> to vector<1x1x16xf32>
      tpu.vector_store %arg6[%swap3A_799, %swap3A_800, %swap3A_801], %swap3A_804 {strides = array<i32>} : memref<3x200x128xf32, #tpu.memory_space<vmem>>, vector<1x1x16xf32>,
      %get3A_805 = arith.constant 1 : i32
      %get3A_806 = arith.index_cast %get3A_805 : i32 to index
      %get3A_807 = arith.index_cast %scan3A_774 : i32 to index
      %get3A_808 = arith.constant 32 : index
      %get3A_809 = tpu.vector_load %arg6[%get3A_806, %get3A_807, %get3A_808] {strides = array<i32>} : memref<3x200x128xf32, #tpu.memory_space<vmem>>, vector<1x1x16xf32>,
      %get3A_810 = vector.shape_cast %get3A_809 : vector<1x1x16xf32> to vector<16xf32>
      %mul3A_811 = arith.constant 8.000000e+00 : f32
      %mul3A_812 = vector.broadcast %mul3A_811 : f32 to vector<16xf32>
      %mul3A_813 = arith.mulf %get3A_810, %mul3A_812 : vector<16xf32>
      %swap3A_814 = arith.constant 1 : i32
      %swap3A_815 = arith.index_cast %swap3A_814 : i32 to index
      %swap3A_816 = arith.index_cast %scan3A_774 : i32 to index
      %swap3A_817 = arith.constant 32 : index
      %swap3A_818 = tpu.vector_load %arg6[%swap3A_815, %swap3A_816, %swap3A_817] {strides = array<i32>} : memref<3x200x128xf32, #tpu.memory_space<vmem>>, vector<1x1x16xf32>,
      %swap3A_819 = vector.shape_cast %swap3A_818 : vector<1x1x16xf32> to vector<16xf32>
      %swap3A_820 = vector.shape_cast %mul3A_813 : vector<16xf32> to vector<1x1x16xf32>
      tpu.vector_store %arg6[%swap3A_815, %swap3A_816, %swap3A_817], %swap3A_820 {strides = array<i32>} : memref<3x200x128xf32, #tpu.memory_space<vmem>>, vector<1x1x16xf32>,
      %get3A_821 = arith.constant 1 : i32
      %get3A_822 = arith.index_cast %get3A_821 : i32 to index
      %get3A_823 = arith.index_cast %scan3A_774 : i32 to index
      %get3A_824 = arith.constant 48 : index
      %get3A_825 = tpu.vector_load %arg6[%get3A_822, %get3A_823, %get3A_824] {strides = array<i32>} : memref<3x200x128xf32, #tpu.memory_space<vmem>>, vector<1x1x16xf32>,
      %get3A_826 = vector.shape_cast %get3A_825 : vector<1x1x16xf32> to vector<16xf32>
      %mul3A_827 = arith.constant 8.000000e+00 : f32
      %mul3A_828 = vector.broadcast %mul3A_827 : f32 to vector<16xf32>
      %mul3A_829 = arith.mulf %get3A_826, %mul3A_828 : vector<16xf32>
      %swap3A_830 = arith.constant 1 : i32
      %swap3A_831 = arith.index_cast %swap3A_830 : i32 to index
      %swap3A_832 = arith.index_cast %scan3A_774 : i32 to index
      %swap3A_833 = arith.constant 48 : index
      %swap3A_834 = tpu.vector_load %arg6[%swap3A_831, %swap3A_832, %swap3A_833] {strides = array<i32>} : memref<3x200x128xf32, #tpu.memory_space<vmem>>, vector<1x1x16xf32>,
      %swap3A_835 = vector.shape_cast %swap3A_834 : vector<1x1x16xf32> to vector<16xf32>
      %swap3A_836 = vector.shape_cast %mul3A_829 : vector<16xf32> to vector<1x1x16xf32>
      tpu.vector_store %arg6[%swap3A_831, %swap3A_832, %swap3A_833], %swap3A_836 {strides = array<i32>} : memref<3x200x128xf32, #tpu.memory_space<vmem>>, vector<1x1x16xf32>,
    }
    %scan3A_703 = arith.constant 200 : i32
    %add3A_704 = arith.constant 127 : i32
    %add3A_705 = arith.addi %mul3A_2, %add3A_704 : i32
    %dma_start3A_706 = arith.constant 1 : i32
    %dma_start3A_707 = arith.constant 0 : i32
    %dma_start3A_708 = arith.constant 0 : i32
    %dma_start3A_709 = tpu.memref_slice %arg6[%dma_start3A_706, %dma_start3A_707, %dma_start3A_708] : memref<3x200x128xf32, #tpu.memory_space<vmem>> -> memref<1x200x128xf32, #tpu.memory_space<vmem>>
    %dma_start3A_710 = tpu.memref_squeeze %dma_start3A_709 : memref<1x200x128xf32, #tpu.memory_space<vmem>> -> memref<200x128xf32, #tpu.memory_space<vmem>>
    %dma_start3A_711 = arith.constant 0 : i32
    %dma_start3A_712 = arith.constant 0 : i32
    %dma_start3A_713 = tpu.memref_slice %arg4[%add3A_705, %dma_start3A_711, %dma_start3A_712] : memref<4096x200x128xf32, #tpu.memory_space<hbm>> -> memref<1x200x128xf32, #tpu.memory_space<hbm>>
    %dma_start3A_714 = tpu.memref_squeeze %dma_start3A_713 : memref<1x200x128xf32, #tpu.memory_space<hbm>> -> memref<200x128xf32, #tpu.memory_space<hbm>>
    %dma_start3A_715 = arith.constant 0 : i32
    %dma_start3A_716 = arith.constant 0 : i32
    %dma_start3A_717 = tpu.memref_slice %arg4[%add3A_705, %dma_start3A_715, %dma_start3A_716] : memref<4096x200x128xf32, #tpu.memory_space<hbm>> -> memref<1x200x128xf32, #tpu.memory_space<hbm>>
    %dma_start3A_718 = tpu.memref_squeeze %dma_start3A_717 : memref<1x200x128xf32, #tpu.memory_space<hbm>> -> memref<200x128xf32, #tpu.memory_space<hbm>>
    %dma_start3A_719 = arith.constant 0 : i32
    %dma_start3A_720 = arith.constant 0 : i32
    %dma_start3A_721 = tpu.memref_slice %arg6[%dma_start3A_706, %dma_start3A_719, %dma_start3A_720] : memref<3x200x128xf32, #tpu.memory_space<vmem>> -> memref<1x200x128xf32, #tpu.memory_space<vmem>>
    %dma_start3A_722 = tpu.memref_squeeze %dma_start3A_721 : memref<1x200x128xf32, #tpu.memory_space<vmem>> -> memref<200x128xf32, #tpu.memory_space<vmem>>
    tpu.enqueue_dma source(%dma_start3A_722 : memref<200x128xf32, #tpu.memory_space<vmem>>) target(%dma_start3A_718 : memref<200x128xf32, #tpu.memory_space<hbm>>) target_semaphore(%arg11 : memref<!tpu.dma_semaphore, #tpu.memory_space<semaphore_mem>>)
    %dma_wait3A_723 = arith.constant 0 : i32
    %dma_wait3A_724 = arith.constant 0 : i32
    %dma_wait3A_725 = arith.constant 0 : i32
    %dma_wait3A_726 = tpu.memref_slice %arg6[%dma_wait3A_723, %dma_wait3A_724, %dma_wait3A_725] : memref<3x200x128xf32, #tpu.memory_space<vmem>> -> memref<1x200x128xf32, #tpu.memory_space<vmem>>
    %dma_wait3A_727 = tpu.memref_squeeze %dma_wait3A_726 : memref<1x200x128xf32, #tpu.memory_space<vmem>> -> memref<200x128xf32, #tpu.memory_space<vmem>>
    %dma_wait3A_728 = arith.constant 0 : i32
    %dma_wait3A_729 = arith.constant 0 : i32
    %dma_wait3A_730 = tpu.memref_slice %arg4[%mul3A_2, %dma_wait3A_728, %dma_wait3A_729] : memref<4096x200x128xf32, #tpu.memory_space<hbm>> -> memref<1x200x128xf32, #tpu.memory_space<hbm>>
    %dma_wait3A_731 = tpu.memref_squeeze %dma_wait3A_730 : memref<1x200x128xf32, #tpu.memory_space<hbm>> -> memref<200x128xf32, #tpu.memory_space<hbm>>
    %dma_wait3A_732 = arith.constant 0 : i32
    %dma_wait3A_733 = arith.constant 0 : i32
    %dma_wait3A_734 = tpu.memref_slice %arg4[%mul3A_2, %dma_wait3A_732, %dma_wait3A_733] : memref<4096x200x128xf32, #tpu.memory_space<hbm>> -> memref<1x200x128xf32, #tpu.memory_space<hbm>>
    %dma_wait3A_735 = tpu.memref_squeeze %dma_wait3A_734 : memref<1x200x128xf32, #tpu.memory_space<hbm>> -> memref<200x128xf32, #tpu.memory_space<hbm>>
    %dma_wait3A_736 = arith.constant 0 : i32
    %dma_wait3A_737 = arith.constant 0 : i32
    %dma_wait3A_738 = tpu.memref_slice %arg6[%dma_wait3A_723, %dma_wait3A_736, %dma_wait3A_737] : memref<3x200x128xf32, #tpu.memory_space<vmem>> -> memref<1x200x128xf32, #tpu.memory_space<vmem>>
    %dma_wait3A_739 = tpu.memref_squeeze %dma_wait3A_738 : memref<1x200x128xf32, #tpu.memory_space<vmem>> -> memref<200x128xf32, #tpu.memory_space<vmem>>
    tpu.wait_dma2 semaphore(%arg10 : memref<!tpu.dma_semaphore, #tpu.memory_space<semaphore_mem>>) src(%dma_wait3A_739 : memref<200x128xf32, #tpu.memory_space<vmem>>) dst(%dma_wait3A_735 : memref<200x128xf32, #tpu.memory_space<hbm>>)
    %dma_wait3A_740 = arith.constant 1 : i32
    %dma_wait3A_741 = arith.constant 0 : i32
    %dma_wait3A_742 = arith.constant 0 : i32
    %dma_wait3A_743 = tpu.memref_slice %arg6[%dma_wait3A_740, %dma_wait3A_741, %dma_wait3A_742] : memref<3x200x128xf32, #tpu.memory_space<vmem>> -> memref<1x200x128xf32, #tpu.memory_space<vmem>>
    %dma_wait3A_744 = tpu.memref_squeeze %dma_wait3A_743 : memref<1x200x128xf32, #tpu.memory_space<vmem>> -> memref<200x128xf32, #tpu.memory_space<vmem>>
    %dma_wait3A_745 = arith.constant 0 : i32
    %dma_wait3A_746 = arith.constant 0 : i32
    %dma_wait3A_747 = tpu.memref_slice %arg4[%mul3A_2, %dma_wait3A_745, %dma_wait3A_746] : memref<4096x200x128xf32, #tpu.memory_space<hbm>> -> memref<1x200x128xf32, #tpu.memory_space<hbm>>
    %dma_wait3A_748 = tpu.memref_squeeze %dma_wait3A_747 : memref<1x200x128xf32, #tpu.memory_space<hbm>> -> memref<200x128xf32, #tpu.memory_space<hbm>>
    %dma_wait3A_749 = arith.constant 0 : i32
    %dma_wait3A_750 = arith.constant 0 : i32
    %dma_wait3A_751 = tpu.memref_slice %arg4[%mul3A_2, %dma_wait3A_749, %dma_wait3A_750] : memref<4096x200x128xf32, #tpu.memory_space<hbm>> -> memref<1x200x128xf32, #tpu.memory_space<hbm>>
    %dma_wait3A_752 = tpu.memref_squeeze %dma_wait3A_751 : memref<1x200x128xf32, #tpu.memory_space<hbm>> -> memref<200x128xf32, #tpu.memory_space<hbm>>
    %dma_wait3A_753 = arith.constant 0 : i32
    %dma_wait3A_754 = arith.constant 0 : i32
    %dma_wait3A_755 = tpu.memref_slice %arg6[%dma_wait3A_740, %dma_wait3A_753, %dma_wait3A_754] : memref<3x200x128xf32, #tpu.memory_space<vmem>> -> memref<1x200x128xf32, #tpu.memory_space<vmem>>
    %dma_wait3A_756 = tpu.memref_squeeze %dma_wait3A_755 : memref<1x200x128xf32, #tpu.memory_space<vmem>> -> memref<200x128xf32, #tpu.memory_space<vmem>>
    tpu.wait_dma2 semaphore(%arg11 : memref<!tpu.dma_semaphore, #tpu.memory_space<semaphore_mem>>) src(%dma_wait3A_756 : memref<200x128xf32, #tpu.memory_space<vmem>>) dst(%dma_wait3A_752 : memref<200x128xf32, #tpu.memory_space<hbm>>)
    %dma_wait3A_757 = arith.constant 2 : i32
    %dma_wait3A_758 = arith.constant 0 : i32
    %dma_wait3A_759 = arith.constant 0 : i32
    %dma_wait3A_760 = tpu.memref_slice %arg6[%dma_wait3A_757, %dma_wait3A_758, %dma_wait3A_759] : memref<3x200x128xf32, #tpu.memory_space<vmem>> -> memref<1x200x128xf32, #tpu.memory_space<vmem>>
    %dma_wait3A_761 = tpu.memref_squeeze %dma_wait3A_760 : memref<1x200x128xf32, #tpu.memory_space<vmem>> -> memref<200x128xf32, #tpu.memory_space<vmem>>
    %dma_wait3A_762 = arith.constant 0 : i32
    %dma_wait3A_763 = arith.constant 0 : i32
    %dma_wait3A_764 = tpu.memref_slice %arg4[%mul3A_2, %dma_wait3A_762, %dma_wait3A_763] : memref<4096x200x128xf32, #tpu.memory_space<hbm>> -> memref<1x200x128xf32, #tpu.memory_space<hbm>>
    %dma_wait3A_765 = tpu.memref_squeeze %dma_wait3A_764 : memref<1x200x128xf32, #tpu.memory_space<hbm>> -> memref<200x128xf32, #tpu.memory_space<hbm>>
    %dma_wait3A_766 = arith.constant 0 : i32
    %dma_wait3A_767 = arith.constant 0 : i32
    %dma_wait3A_768 = tpu.memref_slice %arg4[%mul3A_2, %dma_wait3A_766, %dma_wait3A_767] : memref<4096x200x128xf32, #tpu.memory_space<hbm>> -> memref<1x200x128xf32, #tpu.memory_space<hbm>>
    %dma_wait3A_769 = tpu.memref_squeeze %dma_wait3A_768 : memref<1x200x128xf32, #tpu.memory_space<hbm>> -> memref<200x128xf32, #tpu.memory_space<hbm>>
    %dma_wait3A_770 = arith.constant 0 : i32
    %dma_wait3A_771 = arith.constant 0 : i32
    %dma_wait3A_772 = tpu.memref_slice %arg6[%dma_wait3A_757, %dma_wait3A_770, %dma_wait3A_771] : memref<3x200x128xf32, #tpu.memory_space<vmem>> -> memref<1x200x128xf32, #tpu.memory_space<vmem>>
    %dma_wait3A_773 = tpu.memref_squeeze %dma_wait3A_772 : memref<1x200x128xf32, #tpu.memory_space<vmem>> -> memref<200x128xf32, #tpu.memory_space<vmem>>
    tpu.wait_dma2 semaphore(%arg12 : memref<!tpu.dma_semaphore, #tpu.memory_space<semaphore_mem>>) src(%dma_wait3A_773 : memref<200x128xf32, #tpu.memory_space<vmem>>) dst(%dma_wait3A_769 : memref<200x128xf32, #tpu.memory_space<hbm>>)
    return
  }
}

</mosaic_0001>

<sc_bundles>
// kernel: kernel.3.cloned.1.call-start
scs
__scs_entry_jumppad:
0x0: {  	(pc) =	sbr.rel $0x88, $3  }
0x1: {  	(tag) =	ssettag $0x0;
	lr =	simm.s32 $0x1  }
0x2: {  	[smem:$0x3F9F] =	sst lr;
	_ =	strace $0xD0000000  }
0x3: {  	_ = 	snop  }
0x4: {  	_ = 	snop  }
0x5: {  	_ = 	snop  }
0x6: {  	_ = 	snop  }
0x7: {  	_ = 	snop  }
__scs_overlays_trampoline_lowered:
0x8: {  	[smem:$0x3FAE] =	sst s0  }
0x9: {  	[smem:$0x3FAF] =	sst s1  }
0xa: {  	[smem:$0x3FB0] =	sst s2  }
0xb: {  	[smem:$0x3FB1] =	sst s3  }
0xc: {  	[smem:$0x3FB2] =	sst s4  }
0xd: {  	[smem:$0x3FB3] =	sst s5  }
0xe: {  	[smem:$0x3FB4] =	sst s6  }
0xf: {  	[smem:$0x3FB5] =	sst s7  }
0x10: {  	[smem:$0x3FB6] =	sst s8  }
0x11: {  	[smem:$0x3FB7] =	sst s9;
	s0 =	simm.s32 @!p0 $0x0  }
0x12: {  	s1 =	sld [smem:$0x3F9D];
	s0 =	simm.s32 @p0 $0x1  }
0x13: {  	[smem:$0x3FB8] =	sst s0;
	s0 =	simm.s32 @!p1 $0x0  }
0x14: {  	s2 =	sld [smem:$0x3F9C];
	s0 =	simm.s32 @p1 $0x1  }
0x15: {  	[smem:$0x3FB9] =	sst s0;
	s0 =	simm.s32 @!p2 $0x0  }
0x16: {  	s3 =	sld [smem:$0x3FDB];
	s0 =	simm.s32 @p2 $0x1  }
0x17: {  	s4 =	simm.s32 $0x1BF5;
	[smem:$0x3FBB] =	sst s0  }
0x18: {  	s0 =	sld [smem:$0x3F9E];
	_ =	swait.ge [sflag:s4], $0x0  }
0x19: {  	s7 =	sld [smem:$0x3F9F]  }
0x1a: {  	s8 =	sadd.s32 $0xFFFFE003, lr  }
0x1b: {  	s9 =	sadd.s32 $0xFFFFFEF7, lr;
	s5 =	simm.s32 $0xFFFFFFFF;
	p2 =	slt.u32 s8, $0xFFFFF086  }
0x1c: {  	p1 =	slt.u32 s9, $0xF7A;
	s5 =	simm.s32 @!p2 $0x0  }
0x1d: {  	s5 =	simm.s32 @p1 $0x1;
	p0 =	seq.s32 s7, s2  }
0x1e: {  	s7 =	smul.u32 @!p0 $0xF7A, s2;
	p2 =	seq.s32 @!p0 s5, $0x0  }
0x1f: {  	s9 =	smul.u32 $0xF7A, s1;
	s8 =	simm.s32 @!p0 $0x1BF5;
	p2 =	por !p2, p0  }
0x20: {  	[sflag:s8] =	ssyncset.s32 @!p0 $0xFFFFF086;
	s6 =	sadd.s32 @!p0 s3, s7;
	s7 =	simm.s32 @!p0 $0x108  }
0x21: {  	s3 =	sadd.s32 s3, s9;
	s6 =	sadd.s32 @!p0 $0x88, s6;
	s7 =	simm.s32 @p2 $0x1082  }
0x22: {  	[simem:s7], [sflag:s8] =	dma.local @!p0 [hbm:s6], $0xF7A  }
0x23: {  	s9 =	sor.u32 $0xD0000000, s2;
	s6 =	simm.s32 $0x108;
	_ =	swait.ge @!p0 [sflag:s8], $0x0  }
0x24: {  	s3 =	sadd.s32 $0x88, s3;
	s6 =	simm.s32 @!p1 $0x1082;
	[sflag:s4] =	ssyncset.s32 $0xFFFFF086  }
0x25: {  	[simem:s6], [sflag:s4] =	dma.local [hbm:s3], $0xF7A  }
0x26: {  	[smem:$0x3F9F] =	sst s1;
	(tag) =	ssettag s2;
	_ =	strace s9  }
0x27: {  	s1 =	sld [smem:$0x3FAF]  }
0x28: {  	s2 =	sld [smem:$0x3FB0]  }
0x29: {  	s4 =	sld [smem:$0x3FB2]  }
0x2a: {  	p0 =	seq.s32 s5, $0x0;
	s5 =	sld [smem:$0x3FB3]  }
0x2b: {  	s6 =	sld [smem:$0x3FB4]  }
0x2c: {  	s7 =	sld [smem:$0x3FB5]  }
0x2d: {  	s3 =	simm.s32 $0x108;
	s8 =	sld [smem:$0x3FB6]  }
0x2e: {  	s3 =	simm.s32 @!p0 $0x1082;
	s9 =	sld [smem:$0x3FB7]  }
0x2f: {  	lr =	sadd.s32 s0, s3;
	s0 =	sld [smem:$0x3FAE]  }
0x30: {  	s3 =	sld [smem:$0x3FB1]  }
0x31: {  	[smem:$0x3FBA] =	sst s10  }
0x32: {  	s10 =	sld [smem:$0x3FB8];
	_ =	sdelay $0x3  }
0x33: {  	p0 =	seq.s32 s10, $0x1;
	s10 =	sld [smem:$0x3FBA];
	_ =	sdelay $0x3  }
0x34: {  	[smem:$0x3FBA] =	sst s10  }
0x35: {  	s10 =	sld [smem:$0x3FB9];
	_ =	sdelay $0x3  }
0x36: {  	p1 =	seq.s32 s10, $0x1;
	s10 =	sld [smem:$0x3FBA];
	_ =	sdelay $0x3  }
0x37: {  	[smem:$0x3FBA] =	sst s10  }
0x38: {  	s10 =	sld [smem:$0x3FBB]  }
0x39: {  	_ = 	snop;
	(pc) =	sbr.ind lr, $3  }
0x3a: {  	_ = 	snop  }
0x3b: {  	_ = 	snop  }
0x3c: {  	p2 =	seq.s32 s10, $0x1;
	s10 =	sld [smem:$0x3FBA]  }
0x3d: {  	_ =	shalt  }
0x3e: {  	_ =	shalt  }
0x3f: {  	_ =	shalt  }
0x40: {  	_ =	shalt  }
0x41: {  	_ =	shalt  }
0x42: {  	_ =	shalt  }
0x43: {  	_ =	shalt  }
0x44: {  	_ =	shalt  }
0x45: {  	_ =	shalt  }
0x46: {  	_ =	shalt  }
0x47: {  	_ =	shalt  }
0x48: {  	_ =	shalt  }
0x49: {  	_ =	shalt  }
0x4a: {  	_ =	shalt  }
0x4b: {  	_ =	shalt  }
0x4c: {  	_ =	shalt  }
0x4d: {  	_ =	shalt  }
0x4e: {  	_ =	shalt  }
0x4f: {  	_ =	shalt  }
0x50: {  	_ =	shalt  }
0x51: {  	_ =	shalt  }
0x52: {  	_ =	shalt  }
0x53: {  	_ =	shalt  }
0x54: {  	_ =	shalt  }
0x55: {  	_ =	shalt  }
0x56: {  	_ =	shalt  }
0x57: {  	_ =	shalt  }
0x58: {  	_ =	shalt  }
0x59: {  	_ =	shalt  }
0x5a: {  	_ =	shalt  }
0x5b: {  	_ =	shalt  }
0x5c: {  	_ =	shalt  }
0x5d: {  	_ =	shalt  }
0x5e: {  	_ =	shalt  }
0x5f: {  	_ =	shalt  }
0x60: {  	_ =	shalt  }
0x61: {  	_ =	shalt  }
0x62: {  	_ =	shalt  }
0x63: {  	_ =	shalt  }
0x64: {  	_ =	shalt  }
0x65: {  	_ =	shalt  }
0x66: {  	_ =	shalt  }
0x67: {  	_ =	shalt  }
0x68: {  	_ =	shalt  }
0x69: {  	_ =	shalt  }
0x6a: {  	_ =	shalt  }
0x6b: {  	_ =	shalt  }
0x6c: {  	_ =	shalt  }
0x6d: {  	_ =	shalt  }
0x6e: {  	_ =	shalt  }
0x6f: {  	_ =	shalt  }
0x70: {  	_ =	shalt  }
0x71: {  	_ =	shalt  }
0x72: {  	_ =	shalt  }
0x73: {  	_ =	shalt  }
0x74: {  	_ =	shalt  }
0x75: {  	_ =	shalt  }
0x76: {  	_ =	shalt  }
0x77: {  	_ =	shalt  }
0x78: {  	_ =	shalt  }
0x79: {  	_ =	shalt  }
0x7a: {  	_ =	shalt  }
0x7b: {  	_ =	shalt  }
0x7c: {  	_ =	shalt  }
0x7d: {  	_ =	shalt  }
0x7e: {  	_ =	shalt  }
0x7f: {  	_ =	shalt  }
0x80: {  	_ =	shalt  }
0x81: {  	_ =	shalt  }
0x82: {  	_ =	shalt  }
0x83: {  	_ =	shalt  }
0x84: {  	_ =	shalt  }
0x85: {  	_ =	shalt  }
0x86: {  	_ =	shalt  }
0x87: {  	_ =	shalt  }
.Lfunc_end0:
.L_simem_size_0:
called_computation.1_lowered:
.L_overlay_start_0:
0x88: {  	s2 =	sld [smem:$0x3FD9]  }
0x89: {  	s3 =	sld [smem:$0x3FFE];
	_ =	sdelay $0x1  }
0x8a: {  	s1 =	srdreg.scid  }
0x8b: {  	s0 =	sand.u32 $0x1, s1  }
0x8c: {  	s17 =	sshll.u32 s0, $0xA;
	s2 =	sadd.s32 s3, s2  }
0x8d: {  	s2 =	sadd.s32 s2, s17  }
0x8e: {  	[smem:$0x3FC6] =	sst s2  }
0x8f: {  	_ = 	snop  }
0x90: {  	s2 =	sld [smem:$0x3FD0];
	(tm) =	ssettm $0x1  }
0x91: {  	s18 =	sld [smem:$0x3FFB];
	_ =	sdelay $0x3  }
0x92: {  	_ =	strace s18  }
0x93: {  	s3 =	sld [smem:$0x3FFC];
	_ =	sdelay $0x3  }
0x94: {  	_ =	strace s3  }
0x95: {  	s3 =	sld [smem:$0x3FFD];
	_ =	sdelay $0x3  }
0x96: {  	_ =	strace s3  }
0x97: {  	_ =	strace $0x8FFFFFFF  }
0x98: {  	s19 =	sld [smem:$0x3FDB];
	_ =	sdelay $0x1  }
0x99: {  	s4 =	simm.s32 $_scs_section_size  }
0x9a: {  	s5 =	simm.s32 $_size__tile_overlayer_lowered;
	s6 =	simm.s32 $_tile_overlayer_lowered  }
0x9b: {  	s22 =	simm.s32 $0x1BFF;
	s21 =	sshll.u32 s6, $0x1;
	s3 =	sadd.s32 s4, s19  }
0x9c: {  	s7 =	simm.s32 $0x0;
	s20 =	sshll.u32 s5, $0x1;
	s5 =	sadd.s32 s21, s3  }
0x9d: {  	[timem:s7], [sflag:s22] =	dma.local [hbm:s5], s20  }
0x9e: {  	_ =	swait.ge [sflag:s22], s20  }
0x9f: {  	s4 =	ssub.s32 $0x0, s20;
	[sflag:s22] =	ssyncset.done $0x0  }
0xa0: {  	[sflag:s22] =	ssyncadd.s32 s4;
	_ =	sdelay $0x1  }
0xa1: {  	s23 =	simm.s32 $0x1B8B  }
0xa2: {  	_ =	swait.ge [sflag:s23], $0x1  }
0xa3: {  	[sflag:s23] =	ssyncset.done $0x0  }
0xa4: {  	s25 =	simm.s32 $0x1B8E;
	s24 =	sld [smem:$0x3FFE];
	[sflag:s23] =	ssyncadd.s32 $0xFFFFFFFF  }
0xa5: {  	s26 =	simm.s32 $execute0_lowered;
	[smem:$0x3FD2] =	sst s25  }
0xa6: {  	s5 =	sshll.u32 s26, $0x1;
	_ =	strace $0x80000046;
	[dreg:$0x1] =	wrdreg $0xFFFFFFFF  }
0xa7: {  	s28 =	simm.s32 $_size_execute0_lowered;
	s3 =	sadd.s32 s3, s5;
	[dreg:$0x0] =	wrdreg $0x0  }
0xa8: {  	s5 =	sshll.u32 s28, $0x1;
	[dreg:$0x2] =	wrdreg s3  }
0xa9: {  	[dreg:$0x3] =	wrdreg s5  }
0xaa: {  	[dreg:$0x4] =	wrdreg $0xC0  }
0xab: {  	_ =	task [dreg:s7], $0x5FFFF  }
0xac: {  	[dreg:$0x1] =	wrdreg $0xFFFFFFFF  }
0xad: {  	[dreg:$0x0] =	wrdreg $0x60  }
0xae: {  	[dreg:$0x2] =	wrdreg s2  }
0xaf: {  	[dreg:$0x3] =	wrdreg s24  }
0xb0: {  	[dreg:$0x4] =	wrdreg $0x9  }
0xb1: {  	_ =	task.clear_ibuf [dreg:s7], $0x5FFFF;
	_ =	strace $0x90000046  }
0xb2: {  	s29 =	simm.s32 $0x9;
	_ =	strace $0x80000048  }
0xb3: {  	_ =	swait.ge [sflag:s29], $0x1  }
0xb4: {  	[sflag:s29] =	ssyncadd.s32 $0xFFFFFFFF  }
0xb5: {  	_ =	strace $0x90000048  }
0xb6: {  	_ =	sfence  }
0xb7: {  	s30 =	sld [smem:$0x0];
	_ =	sdelay $0x2  }
0xb8: {  	s31 =	sshll.u32 s1, $0xD;
	s1 =	sshrl.u32 s1, $0x2  }
0xb9: {  	s3 =	sand.u32 $0x4000, s31;
	s1 =	sadd.s32 s1, s30  }
0xba: {  	s0 =	sor.u32 s3, s0;
	s1 =	sshll.u32 s1, $0x11  }
0xbb: {  	s0 =	sor.u32 s1, s0  }
0xbc: {  	s0 =	sadd.s32 $0x8F2B, s0  }
0xbd: {  	[sflag:s0] =	ssyncadd.remote.s32 $0x1  }
0xbe: {  	_ =	sfence.sel $0xFFFF  }
0xbf: {  	[dreg:$0x0] =	wrdreg $0xFFFFFFFF;
	(pc) =	sbr.abs _section_cstart, $3  }
0xc0: {  	[dreg:$0x1] =	wrdreg $0xFFFFFFFF  }
0xc1: {  	_ =	task.clear_ibuf [dreg:s7], $0x2FFFF;
	_ =	strace $0x9FFFFFFF  }
0xc2: {  	(tm) =	ssettm $0x7FFFFFFF  }
0xc3: {  	_ =	shalt  }
tec
execute0_lowered:
.L_overlay_start_1:
0x0: {  	(tag) =	ssettag $0x1  }
0x1: {  	s0 =	rddreg [dreg:$0x0]  }
0x2: {  	s1 =	rddreg [dreg:$0x1]  }
0x3: {  	s2 =	srdreg.scid;
	s3 =	stileid.u32;
	s18 =	simm.s32 $0x7  }
0x4: {  	s29 =	simm.s32 $0x12C00;
	s31 =	simm.s32 $0x16000;
	s5 =	sand.u32 $0x1, s2  }
0x5: {  	s28 =	simm.s32 $0x2;
	s3 =	sshll.u32 s3, $0x8;
	s4 =	sshll.u32 s5, $0x7  }
0x6: {  	s30 =	simm.s32 $0x5;
	s2 =	simm.s32 $0x0;
	s3 =	sor.u32 s4, s3  }
0x7: {  	[smem:$0x7FF] =	sst s2;
	s7 =	ssub.s32 $0x2, s5;
	s6 =	smul.u32 $0x19, s3  }
0x8: {  	s5 =	sadd.s32 $0xA00, s1;
	_ =	strace $0x80000047;
	s8 =	smul.u32 $0xC80, s3  }
0x9: {  	s4 =	sadd.s32 $0xF42E00, s1;
	s19 =	sshrl.u32 s7, $0x1;
	s9 =	smul.u32 $0x6400, s3  }
0xa: {  	s1 =	ssub.s32 s7, s19;
	s10 =	sor.u32 $0x1, s3;
	s11 =	sor.u32 $0x2, s3  }
0xb: {  	s19 =	simm.s32 $0x68;
	s17 =	smax.u32 s1, $0x1;
	s1 =	simm.s32 $0x4  }
0xc: {  	s0 =	sadd.s32 s0, s6;
	s7 =	sadd.s32 s5, s8;
	s22 =	sshrl.u32 s9, $0x3  }
0xd: {  	s6 =	simm.s32 $0x0;
	[dreg:$0x3] =	wrdreg s0;
	s20 =	sadd.s32 $0xC80, s7  }
0xe: {  	s21 =	sadd.s32 $0x1900, s7;
	s0 =	sadd.s32 s5, s22;
	[dreg:$0x4] =	wrdreg s20  }
0xf: {  	s22 =	simm.s32 $0x9800;
	[dreg:$0x5] =	wrdreg s21;
	s23 =	sadd.s32 $0x60180, s0  }
0x10: {  	s24 =	sadd.s32 $0x60E00, s0;
	s25 =	sadd.s32 $0x61A80, s0;
	[dreg:$0x6] =	wrdreg s23  }
0x11: {  	s26 =	sadd.s32 $0x62700, s0;
	s16 =	sadd.s32 $0x63380, s0;
	[dreg:$0x7] =	wrdreg s24  }
0x12: {  	s20 =	simm.s32 $0x6400;
	s21 =	simm.s32 $0x60;
	[dreg:$0x8] =	wrdreg s25  }
0x13: {  	s0 =	simm.s32 $0x1;
	[dreg:$0x9] =	wrdreg s26;
	s24 =	simm.s32 $0xC800  }
0x14: {  	s26 =	simm.s32 $0xFC00;
	s23 =	simm.s32 $0x3;
	s25 =	simm.s32 $0x6  }
.LBB2_1:
0x15: {  	s8 =	rddreg [dreg:$0x3]  }
0x16: {  	[tilespmem:s2], [sflag:$0x7] =	stream.linear.gather [hbm4b:s8+s2], $0x6400, $0x38;
	[tilespmem:$0x19000] =	vst v63  }
0x17: {  	_ =	swait.ge [sflag:s18], $0x6400  }
0x18: {  	[sflag:s18] =	ssyncset.done $0x0  }
0x19: {  	[sflag:s18] =	ssyncadd.s32 $0xFFFF9C00  }
0x1a: {  	[tilespmem:s20], [sflag:$0x1] =	stream.indirect.gather [hbm4b:s4+s19], $0x80, s2, s19, $0xb8;
	[tilespmem:$0x19000] =	vst v63  }
0x1b: {  	_ = 	snop  }
0x1c: {  	[tilespmem:s22], [sflag:$0x1] =	stream.indirect.gather [hbm4b:s4+s21], $0x80, s19, s21, $0xb8;
	[tilespmem:$0x19000] =	vst v63  }
0x1d: {  	s12 =	simm.s32 $0xC8  }
0x1e: {  	[tilespmem:s24], [sflag:$0x2] =	stream.indirect.gather [hbm4b:s4+s19], $0x80, s12, s19, $0xb8;
	[tilespmem:$0x19000] =	vst v63  }
0x1f: {  	s13 =	simm.s32 $0x130  }
0x20: {  	[tilespmem:s26], [sflag:$0x2] =	stream.indirect.gather [hbm4b:s4+s21], $0x80, s13, s21, $0xb8;
	[tilespmem:$0x19000] =	vst v63  }
0x21: {  	s14 =	simm.s32 $0x190  }
0x22: {  	[tilespmem:s29], [sflag:$0x3] =	stream.indirect.gather [hbm4b:s4+s19], $0x80, s14, s19, $0xb8;
	[tilespmem:$0x19000] =	vst v63  }
0x23: {  	s15 =	simm.s32 $0x1F8  }
0x24: {  	[tilespmem:s31], [sflag:$0x3] =	stream.indirect.gather [hbm4b:s4+s21], $0x80, s15, s21, $0xb8;
	[tilespmem:$0x19000] =	vst v63  }
0x25: {  	_ =	swait.ge [sflag:s0], $0x3400  }
0x26: {  	[sflag:s0] =	ssyncset.done $0x0  }
0x27: {  	[sflag:s0] =	ssyncadd.s32 $0xFFFFCC00  }
0x28: {  	_ =	swait.ge [sflag:s0], $0x3000  }
0x29: {  	[sflag:s0] =	ssyncset.done $0x0  }
0x2a: {  	s8 =	simm.s32 $0x0;
	[sflag:s0] =	ssyncadd.s32 $0xFFFFD000  }
0x2b: {  	v0 =	vld [tilespmem:s8+$0x6400]  }
0x2c: {  	v2 =	vld [tilespmem:s8+$0x6410]  }
0x2d: {  	s9 =	simm.s32 $0x200;
	v1 =	vld [tilespmem:s8+$0x6420]  }
.LBB2_2:
0x2e: {  	p0 =	sne.s32 s9, $0x18E00;
	v3 =	vld [tilespmem:s8+$0x6430];
	_ =	sdelay $0x1  }
0x2f: {  	v0 =	vmul.f32 $8.000000000e+00, v0  }
.Ltmp0:
0x30: {  	v2 =	vmul.f32 $8.000000000e+00, v2;
	(pc) =	sbr.rel @p0 .LBB2_2-.Ltmp0, $4  }
0x31: {  	s12 =	sshra.s32 s9, $0x2;
	[tilespmem:s8+$0x6400] =	vst v0;
	v1 =	vmul.f32 $8.000000000e+00, v1  }
0x32: {  	v0 =	vld [tilespmem:s12+$0x6400];
	[tilespmem:s8+$0x6410] =	vst v2;
	v3 =	vmul.f32 $8.000000000e+00, v3  }
0x33: {  	v2 =	vld [tilespmem:s12+$0x6410];
	[tilespmem:s8+$0x6420] =	vst v1  }
0x34: {  	s9 =	sadd.s32 $0x200, s9;
	v1 =	vld [tilespmem:s12+$0x6420];
	[tilespmem:s8+$0x6430] =	vst v3;
	s8 =	smov.u32 s12  }
0x35: {  	v3 =	vld [tilespmem:s8+$0x6430];
	_ =	sdelay $0x1  }
0x36: {  	v0 =	vmul.f32 $8.000000000e+00, v0  }
0x37: {  	v2 =	vmul.f32 $8.000000000e+00, v2  }
0x38: {  	[tilespmem:s8+$0x6400] =	vst v0;
	v0 =	vmul.f32 $8.000000000e+00, v1  }
0x39: {  	[tilespmem:s8+$0x6410] =	vst v2;
	v1 =	vmul.f32 $8.000000000e+00, v3  }
0x3a: {  	[tilespmem:s8+$0x6420] =	vst v0  }
0x3b: {  	[tilespmem:s8+$0x6430] =	vst v1  }
0x3c: {  	[hbm4b:s7+s2] =	stream.linear.scatter [tilespmem:s20], [sflag:$0x4], $0x6400, $0x38;
	[tilespmem:$0x19000] =	vst v63  }
0x3d: {  	_ =	swait.ge [sflag:s1], $0x6400  }
0x3e: {  	[sflag:s1] =	ssyncset.done $0x0  }
0x3f: {  	s14 =	simm.s32 $0x258;
	[sflag:s1] =	ssyncadd.s32 $0xFFFF9C00  }
0x40: {  	[tilespmem:s20], [sflag:$0x1] =	stream.indirect.gather [hbm4b:s4+s19], $0x80, s14, s19, $0xb8;
	[tilespmem:$0x19000] =	vst v63  }
0x41: {  	s15 =	simm.s32 $0x2C0  }
0x42: {  	[tilespmem:s22], [sflag:$0x1] =	stream.indirect.gather [hbm4b:s4+s21], $0x80, s15, s21, $0xb8;
	[tilespmem:$0x19000] =	vst v63  }
0x43: {  	_ =	swait.ge [sflag:s28], $0x3400  }
0x44: {  	[sflag:s28] =	ssyncset.done $0x0  }
0x45: {  	[sflag:s28] =	ssyncadd.s32 $0xFFFFCC00  }
0x46: {  	_ =	swait.ge [sflag:s28], $0x3000  }
0x47: {  	[sflag:s28] =	ssyncset.done $0x0  }
0x48: {  	s8 =	simm.s32 $0xFFFF9C00;
	[sflag:s28] =	ssyncadd.s32 $0xFFFFD000  }
0x49: {  	v0 =	vld [tilespmem:s8+$0x12C00]  }
0x4a: {  	v2 =	vld [tilespmem:s8+$0x12C10]  }
0x4b: {  	s9 =	simm.s32 $0xFFFE7200;
	v1 =	vld [tilespmem:s8+$0x12C20]  }
.LBB2_4:
0x4c: {  	p0 =	sne.s32 s9, $0xFFFFFE00;
	v3 =	vld [tilespmem:s8+$0x12C30];
	_ =	sdelay $0x1  }
0x4d: {  	v0 =	vmul.f32 $8.000000000e+00, v0  }
.Ltmp1:
0x4e: {  	v2 =	vmul.f32 $8.000000000e+00, v2;
	(pc) =	sbr.rel @p0 .LBB2_4-.Ltmp1, $4  }
0x4f: {  	s12 =	sshra.s32 s9, $0x2;
	[tilespmem:s8+$0x12C00] =	vst v0;
	v1 =	vmul.f32 $8.000000000e+00, v1  }
0x50: {  	v0 =	vld [tilespmem:s12+$0x12C00];
	[tilespmem:s8+$0x12C10] =	vst v2;
	v3 =	vmul.f32 $8.000000000e+00, v3  }
0x51: {  	v2 =	vld [tilespmem:s12+$0x12C10];
	[tilespmem:s8+$0x12C20] =	vst v1  }
0x52: {  	s9 =	sadd.s32 $0x200, s9;
	v1 =	vld [tilespmem:s12+$0x12C20];
	[tilespmem:s8+$0x12C30] =	vst v3;
	s8 =	smov.u32 s12  }
0x53: {  	v3 =	vld [tilespmem:s8+$0x12C30];
	_ =	sdelay $0x1  }
0x54: {  	v0 =	vmul.f32 $8.000000000e+00, v0  }
0x55: {  	v2 =	vmul.f32 $8.000000000e+00, v2  }
0x56: {  	[tilespmem:s8+$0x12C00] =	vst v0;
	v0 =	vmul.f32 $8.000000000e+00, v1  }
0x57: {  	[tilespmem:s8+$0x12C10] =	vst v2;
	v1 =	vmul.f32 $8.000000000e+00, v3  }
0x58: {  	[tilespmem:s8+$0x12C20] =	vst v0  }
0x59: {  	s13 =	rddreg [dreg:$0x4];
	[tilespmem:s8+$0x12C30] =	vst v1  }
0x5a: {  	[hbm4b:s13+s2] =	stream.linear.scatter [tilespmem:s24], [sflag:$0x5], $0x6400, $0x38;
	[tilespmem:$0x19000] =	vst v63  }
0x5b: {  	_ =	swait.ge [sflag:s30], $0x6400  }
0x5c: {  	[sflag:s30] =	ssyncset.done $0x0  }
0x5d: {  	s14 =	simm.s32 $0x320;
	[sflag:s30] =	ssyncadd.s32 $0xFFFF9C00  }
0x5e: {  	[tilespmem:s24], [sflag:$0x2] =	stream.indirect.gather [hbm4b:s4+s19], $0x80, s14, s19, $0xb8;
	[tilespmem:$0x19000] =	vst v63  }
0x5f: {  	s15 =	simm.s32 $0x388  }
0x60: {  	[tilespmem:s26], [sflag:$0x2] =	stream.indirect.gather [hbm4b:s4+s21], $0x80, s15, s21, $0xb8;
	[tilespmem:$0x19000] =	vst v63  }
0x61: {  	_ =	swait.ge [sflag:s23], $0x3400  }
0x62: {  	[sflag:s23] =	ssyncset.done $0x0  }
0x63: {  	[sflag:s23] =	ssyncadd.s32 $0xFFFFCC00  }
0x64: {  	_ =	swait.ge [sflag:s23], $0x3000  }
0x65: {  	[sflag:s23] =	ssyncset.done $0x0  }
0x66: {  	s8 =	simm.s32 $0xFFFF9C00;
	[sflag:s23] =	ssyncadd.s32 $0xFFFFD000  }
0x67: {  	v0 =	vld [tilespmem:s8+$0x19000]  }
0x68: {  	v2 =	vld [tilespmem:s8+$0x19010]  }
0x69: {  	s9 =	simm.s32 $0xFFFE7200;
	v1 =	vld [tilespmem:s8+$0x19020]  }
.LBB2_6:
0x6a: {  	p0 =	sne.s32 s9, $0xFFFFFE00;
	v3 =	vld [tilespmem:s8+$0x19030];
	_ =	sdelay $0x1  }
0x6b: {  	v0 =	vmul.f32 $8.000000000e+00, v0  }
.Ltmp2:
0x6c: {  	v2 =	vmul.f32 $8.000000000e+00, v2;
	(pc) =	sbr.rel @p0 .LBB2_6-.Ltmp2, $4  }
0x6d: {  	s12 =	sshra.s32 s9, $0x2;
	[tilespmem:s8+$0x19000] =	vst v0;
	v1 =	vmul.f32 $8.000000000e+00, v1  }
0x6e: {  	v0 =	vld [tilespmem:s12+$0x19000];
	[tilespmem:s8+$0x19010] =	vst v2;
	v3 =	vmul.f32 $8.000000000e+00, v3  }
0x6f: {  	v2 =	vld [tilespmem:s12+$0x19010];
	[tilespmem:s8+$0x19020] =	vst v1  }
0x70: {  	s9 =	sadd.s32 $0x200, s9;
	v1 =	vld [tilespmem:s12+$0x19020];
	[tilespmem:s8+$0x19030] =	vst v3;
	s8 =	smov.u32 s12  }
0x71: {  	v3 =	vld [tilespmem:s8+$0x19030];
	_ =	sdelay $0x1  }
0x72: {  	v0 =	vmul.f32 $8.000000000e+00, v0  }
0x73: {  	v2 =	vmul.f32 $8.000000000e+00, v2  }
0x74: {  	[tilespmem:s8+$0x19000] =	vst v0;
	v62 =	vmul.f32 $8.000000000e+00, v1  }
0x75: {  	[tilespmem:s8+$0x19010] =	vst v2;
	v63 =	vmul.f32 $8.000000000e+00, v3  }
0x76: {  	[tilespmem:s8+$0x19020] =	vst v62  }
0x77: {  	s13 =	rddreg [dreg:$0x5];
	[tilespmem:s8+$0x19030] =	vst v63  }
0x78: {  	[hbm4b:s13+s2] =	stream.linear.scatter [tilespmem:s29], [sflag:$0x6], $0x6400, $0x38;
	[tilespmem:$0x19000] =	vst v63  }
0x79: {  	_ =	swait.ge [sflag:s25], $0x6400  }
0x7a: {  	[sflag:s25] =	ssyncset.done $0x0  }
0x7b: {  	s14 =	simm.s32 $0x3E8;
	[sflag:s25] =	ssyncadd.s32 $0xFFFF9C00  }
0x7c: {  	[tilespmem:s29], [sflag:$0x3] =	stream.indirect.gather [hbm4b:s4+s19], $0x80, s14, s19, $0xb8;
	[tilespmem:$0x19000] =	vst v63  }
0x7d: {  	s15 =	simm.s32 $0x450;
	s8 =	simm.s32 $0x1  }
0x7e: {  	[tilespmem:s31], [sflag:$0x3] =	stream.indirect.gather [hbm4b:s4+s21], $0x80, s15, s21, $0xb8;
	[tilespmem:$0x19000] =	vst v63  }
.LBB2_8:
0x7f: {  	_ =	swait.ge [sflag:s0], $0x3400  }
0x80: {  	[sflag:s0] =	ssyncset.done $0x0  }
0x81: {  	[sflag:s0] =	ssyncadd.s32 $0xFFFFCC00  }
0x82: {  	_ =	swait.ge [sflag:s0], $0x3000  }
0x83: {  	[sflag:s0] =	ssyncset.done $0x0  }
0x84: {  	s12 =	simm.s32 $0x0;
	[sflag:s0] =	ssyncadd.s32 $0xFFFFD000  }
0x85: {  	v1 =	vld [tilespmem:s12+$0x6400]  }
0x86: {  	v2 =	vld [tilespmem:s12+$0x6410]  }
0x87: {  	s9 =	simm.s32 $0x200;
	v0 =	vld [tilespmem:s12+$0x6420]  }
.LBB2_9:
0x88: {  	p0 =	sne.s32 s9, $0x18E00;
	v3 =	vld [tilespmem:s12+$0x6430];
	_ =	sdelay $0x1  }
0x89: {  	v1 =	vmul.f32 $8.000000000e+00, v1  }
.Ltmp3:
0x8a: {  	v2 =	vmul.f32 $8.000000000e+00, v2;
	(pc) =	sbr.rel @p0 .LBB2_9-.Ltmp3, $4  }
0x8b: {  	s13 =	sshra.s32 s9, $0x2;
	[tilespmem:s12+$0x6400] =	vst v1;
	v0 =	vmul.f32 $8.000000000e+00, v0  }
0x8c: {  	v1 =	vld [tilespmem:s13+$0x6400];
	[tilespmem:s12+$0x6410] =	vst v2;
	v3 =	vmul.f32 $8.000000000e+00, v3  }
0x8d: {  	v2 =	vld [tilespmem:s13+$0x6410];
	[tilespmem:s12+$0x6420] =	vst v0  }
0x8e: {  	s9 =	sadd.s32 $0x200, s9;
	v0 =	vld [tilespmem:s13+$0x6420];
	[tilespmem:s12+$0x6430] =	vst v3;
	s12 =	smov.u32 s13  }
0x8f: {  	v3 =	vld [tilespmem:s12+$0x6430];
	_ =	sdelay $0x1  }
0x90: {  	s9 =	smul.u32 $0x3, s8;
	v1 =	vmul.f32 $8.000000000e+00, v1  }
0x91: {  	v2 =	vmul.f32 $8.000000000e+00, v2  }
0x92: {  	s13 =	sadd.s32 s3, s9;
	[tilespmem:s12+$0x6400] =	vst v1;
	v0 =	vmul.f32 $8.000000000e+00, v0  }
0x93: {  	s13 =	smul.u32 $0xC80, s13;
	[tilespmem:s12+$0x6410] =	vst v2;
	v1 =	vmul.f32 $8.000000000e+00, v3  }
0x94: {  	[tilespmem:s12+$0x6420] =	vst v0  }
0x95: {  	s15 =	sadd.s32 s5, s13;
	s13 =	smul.u32 $0x960, s8;
	[tilespmem:s12+$0x6430] =	vst v1  }
0x96: {  	[hbm4b:s15+s2] =	stream.linear.scatter [tilespmem:s20], [sflag:$0x4], $0x6400, $0x38;
	[tilespmem:$0x19000] =	vst v63  }
0x97: {  	_ =	swait.ge [sflag:s1], $0x6400  }
0x98: {  	s12 =	sshra.s32 s13, $0x2;
	[sflag:s1] =	ssyncset.done $0x0  }
0x99: {  	s14 =	sadd.s32 $0x258, s12;
	[sflag:s1] =	ssyncadd.s32 $0xFFFF9C00  }
0x9a: {  	[tilespmem:s20], [sflag:$0x1] =	stream.indirect.gather [hbm4b:s4+s19], $0x80, s14, s19, $0xb8;
	[tilespmem:$0x19000] =	vst v63  }
0x9b: {  	s15 =	sadd.s32 $0x2C0, s12  }
0x9c: {  	[tilespmem:s22], [sflag:$0x1] =	stream.indirect.gather [hbm4b:s4+s21], $0x80, s15, s21, $0xb8;
	[tilespmem:$0x19000] =	vst v63  }
0x9d: {  	_ =	swait.ge [sflag:s28], $0x3400  }
0x9e: {  	[sflag:s28] =	ssyncset.done $0x0  }
0x9f: {  	[sflag:s28] =	ssyncadd.s32 $0xFFFFCC00  }
0xa0: {  	_ =	swait.ge [sflag:s28], $0x3000  }
0xa1: {  	[sflag:s28] =	ssyncset.done $0x0  }
0xa2: {  	s13 =	simm.s32 $0xFFFF9C00;
	[sflag:s28] =	ssyncadd.s32 $0xFFFFD000  }
0xa3: {  	v0 =	vld [tilespmem:s13+$0x12C00]  }
0xa4: {  	v2 =	vld [tilespmem:s13+$0x12C10]  }
0xa5: {  	s14 =	simm.s32 $0xFFFE7200;
	v1 =	vld [tilespmem:s13+$0x12C20]  }
.LBB2_11:
0xa6: {  	p0 =	sne.s32 s14, $0xFFFFFE00;
	v3 =	vld [tilespmem:s13+$0x12C30];
	_ =	sdelay $0x1  }
0xa7: {  	v0 =	vmul.f32 $8.000000000e+00, v0  }
.Ltmp4:
0xa8: {  	v2 =	vmul.f32 $8.000000000e+00, v2;
	(pc) =	sbr.rel @p0 .LBB2_11-.Ltmp4, $4  }
0xa9: {  	s15 =	sshra.s32 s14, $0x2;
	[tilespmem:s13+$0x12C00] =	vst v0;
	v1 =	vmul.f32 $8.000000000e+00, v1  }
0xaa: {  	v0 =	vld [tilespmem:s15+$0x12C00];
	[tilespmem:s13+$0x12C10] =	vst v2;
	v3 =	vmul.f32 $8.000000000e+00, v3  }
0xab: {  	v2 =	vld [tilespmem:s15+$0x12C10];
	[tilespmem:s13+$0x12C20] =	vst v1  }
0xac: {  	s14 =	sadd.s32 $0x200, s14;
	v1 =	vld [tilespmem:s15+$0x12C20];
	[tilespmem:s13+$0x12C30] =	vst v3;
	s13 =	smov.u32 s15  }
0xad: {  	v3 =	vld [tilespmem:s13+$0x12C30];
	_ =	sdelay $0x1  }
0xae: {  	v0 =	vmul.f32 $8.000000000e+00, v0  }
0xaf: {  	v2 =	vmul.f32 $8.000000000e+00, v2  }
0xb0: {  	s14 =	sadd.s32 s9, s10;
	[tilespmem:s13+$0x12C00] =	vst v0;
	v0 =	vmul.f32 $8.000000000e+00, v1  }
0xb1: {  	s14 =	smul.u32 $0xC80, s14;
	[tilespmem:s13+$0x12C10] =	vst v2;
	v1 =	vmul.f32 $8.000000000e+00, v3  }
0xb2: {  	[tilespmem:s13+$0x12C20] =	vst v0  }
0xb3: {  	s15 =	sadd.s32 s5, s14;
	[tilespmem:s13+$0x12C30] =	vst v1  }
0xb4: {  	[hbm4b:s15+s2] =	stream.linear.scatter [tilespmem:s24], [sflag:$0x5], $0x6400, $0x38;
	[tilespmem:$0x19000] =	vst v63  }
0xb5: {  	_ =	swait.ge [sflag:s30], $0x6400  }
0xb6: {  	[sflag:s30] =	ssyncset.done $0x0  }
0xb7: {  	s14 =	sadd.s32 $0x320, s12;
	[sflag:s30] =	ssyncadd.s32 $0xFFFF9C00  }
0xb8: {  	[tilespmem:s24], [sflag:$0x2] =	stream.indirect.gather [hbm4b:s4+s19], $0x80, s14, s19, $0xb8;
	[tilespmem:$0x19000] =	vst v63  }
0xb9: {  	s15 =	sadd.s32 $0x388, s12  }
0xba: {  	[tilespmem:s26], [sflag:$0x2] =	stream.indirect.gather [hbm4b:s4+s21], $0x80, s15, s21, $0xb8;
	[tilespmem:$0x19000] =	vst v63  }
0xbb: {  	_ =	swait.ge [sflag:s23], $0x3400  }
0xbc: {  	[sflag:s23] =	ssyncset.done $0x0  }
0xbd: {  	[sflag:s23] =	ssyncadd.s32 $0xFFFFCC00  }
0xbe: {  	_ =	swait.ge [sflag:s23], $0x3000  }
0xbf: {  	[sflag:s23] =	ssyncset.done $0x0  }
0xc0: {  	s13 =	simm.s32 $0xFFFF9C00;
	[sflag:s23] =	ssyncadd.s32 $0xFFFFD000  }
0xc1: {  	v0 =	vld [tilespmem:s13+$0x19000]  }
0xc2: {  	v2 =	vld [tilespmem:s13+$0x19010]  }
0xc3: {  	s14 =	simm.s32 $0xFFFE7200;
	v1 =	vld [tilespmem:s13+$0x19020]  }
.LBB2_13:
0xc4: {  	p0 =	sne.s32 s14, $0xFFFFFE00;
	v3 =	vld [tilespmem:s13+$0x19030];
	_ =	sdelay $0x1  }
0xc5: {  	v0 =	vmul.f32 $8.000000000e+00, v0  }
.Ltmp5:
0xc6: {  	v2 =	vmul.f32 $8.000000000e+00, v2;
	(pc) =	sbr.rel @p0 .LBB2_13-.Ltmp5, $4  }
0xc7: {  	s15 =	sshra.s32 s14, $0x2;
	[tilespmem:s13+$0x19000] =	vst v0;
	v1 =	vmul.f32 $8.000000000e+00, v1  }
0xc8: {  	v0 =	vld [tilespmem:s15+$0x19000];
	[tilespmem:s13+$0x19010] =	vst v2;
	v3 =	vmul.f32 $8.000000000e+00, v3  }
0xc9: {  	v2 =	vld [tilespmem:s15+$0x19010];
	[tilespmem:s13+$0x19020] =	vst v1  }
0xca: {  	s14 =	sadd.s32 $0x200, s14;
	v1 =	vld [tilespmem:s15+$0x19020];
	[tilespmem:s13+$0x19030] =	vst v3;
	s13 =	smov.u32 s15  }
0xcb: {  	v3 =	vld [tilespmem:s13+$0x19030];
	_ =	sdelay $0x1  }
0xcc: {  	v0 =	vmul.f32 $8.000000000e+00, v0  }
0xcd: {  	v2 =	vmul.f32 $8.000000000e+00, v2  }
0xce: {  	s9 =	sadd.s32 s9, s11;
	[tilespmem:s13+$0x19000] =	vst v0;
	v62 =	vmul.f32 $8.000000000e+00, v1  }
0xcf: {  	s9 =	smul.u32 $0xC80, s9;
	[tilespmem:s13+$0x19010] =	vst v2;
	v63 =	vmul.f32 $8.000000000e+00, v3  }
0xd0: {  	[tilespmem:s13+$0x19020] =	vst v62  }
0xd1: {  	s8 =	sadd.s32 $0x1, s8;
	s9 =	sadd.s32 s5, s9;
	[tilespmem:s13+$0x19030] =	vst v63  }
0xd2: {  	[hbm4b:s9+s2] =	stream.linear.scatter [tilespmem:s29], [sflag:$0x6], $0x6400, $0x38;
	[tilespmem:$0x19000] =	vst v63  }
0xd3: {  	p0 =	sne.s32 s8, $0x29;
	_ =	swait.ge [sflag:s25], $0x6400  }
.Ltmp6:
0xd4: {  	[sflag:s25] =	ssyncset.done $0x0;
	(pc) =	sbr.rel @p0 .LBB2_8-.Ltmp6, $4  }
0xd5: {  	s14 =	sadd.s32 $0x3E8, s12;
	[sflag:s25] =	ssyncadd.s32 $0xFFFF9C00  }
0xd6: {  	[tilespmem:s29], [sflag:$0x3] =	stream.indirect.gather [hbm4b:s4+s19], $0x80, s14, s19, $0xb8;
	[tilespmem:$0x19000] =	vst v63  }
0xd7: {  	s15 =	sadd.s32 $0x450, s12  }
0xd8: {  	[tilespmem:s31], [sflag:$0x3] =	stream.indirect.gather [hbm4b:s4+s21], $0x80, s15, s21, $0xb8;
	[tilespmem:$0x19000] =	vst v63  }
0xd9: {  	_ =	swait.ge [sflag:s0], $0x3400  }
0xda: {  	[sflag:s0] =	ssyncset.done $0x0  }
0xdb: {  	[sflag:s0] =	ssyncadd.s32 $0xFFFFCC00  }
0xdc: {  	_ =	swait.ge [sflag:s0], $0x3000  }
0xdd: {  	[sflag:s0] =	ssyncset.done $0x0  }
0xde: {  	s8 =	simm.s32 $0x0;
	[sflag:s0] =	ssyncadd.s32 $0xFFFFD000  }
0xdf: {  	v0 =	vld [tilespmem:s8+$0x6400]  }
0xe0: {  	v2 =	vld [tilespmem:s8+$0x6410]  }
0xe1: {  	s9 =	simm.s32 $0x200;
	v1 =	vld [tilespmem:s8+$0x6420]  }
.LBB2_16:
0xe2: {  	p0 =	sne.s32 s9, $0x18E00;
	v3 =	vld [tilespmem:s8+$0x6430];
	_ =	sdelay $0x1  }
0xe3: {  	v0 =	vmul.f32 $8.000000000e+00, v0  }
.Ltmp7:
0xe4: {  	v2 =	vmul.f32 $8.000000000e+00, v2;
	(pc) =	sbr.rel @p0 .LBB2_16-.Ltmp7, $4  }
0xe5: {  	s12 =	sshra.s32 s9, $0x2;
	[tilespmem:s8+$0x6400] =	vst v0;
	v1 =	vmul.f32 $8.000000000e+00, v1  }
0xe6: {  	v0 =	vld [tilespmem:s12+$0x6400];
	[tilespmem:s8+$0x6410] =	vst v2;
	v3 =	vmul.f32 $8.000000000e+00, v3  }
0xe7: {  	v2 =	vld [tilespmem:s12+$0x6410];
	[tilespmem:s8+$0x6420] =	vst v1  }
0xe8: {  	s9 =	sadd.s32 $0x200, s9;
	v1 =	vld [tilespmem:s12+$0x6420];
	[tilespmem:s8+$0x6430] =	vst v3;
	s8 =	smov.u32 s12  }
0xe9: {  	v3 =	vld [tilespmem:s8+$0x6430];
	_ =	sdelay $0x1  }
0xea: {  	v0 =	vmul.f32 $8.000000000e+00, v0  }
0xeb: {  	v2 =	vmul.f32 $8.000000000e+00, v2  }
0xec: {  	[tilespmem:s8+$0x6400] =	vst v0;
	v0 =	vmul.f32 $8.000000000e+00, v1  }
0xed: {  	[tilespmem:s8+$0x6410] =	vst v2;
	v1 =	vmul.f32 $8.000000000e+00, v3  }
0xee: {  	[tilespmem:s8+$0x6420] =	vst v0  }
0xef: {  	s13 =	rddreg [dreg:$0x6];
	[tilespmem:s8+$0x6430] =	vst v1  }
0xf0: {  	[hbm4b:s13+s2] =	stream.linear.scatter [tilespmem:s20], [sflag:$0x4], $0x6400, $0x38;
	[tilespmem:$0x19000] =	vst v63  }
0xf1: {  	_ =	swait.ge [sflag:s1], $0x6400  }
0xf2: {  	[sflag:s1] =	ssyncset.done $0x0  }
0xf3: {  	s14 =	simm.s32 $0x6270;
	[sflag:s1] =	ssyncadd.s32 $0xFFFF9C00  }
0xf4: {  	[tilespmem:s20], [sflag:$0x1] =	stream.indirect.gather [hbm4b:s4+s19], $0x80, s14, s19, $0xb8;
	[tilespmem:$0x19000] =	vst v63  }
0xf5: {  	s15 =	simm.s32 $0x62D8  }
0xf6: {  	[tilespmem:s22], [sflag:$0x1] =	stream.indirect.gather [hbm4b:s4+s21], $0x80, s15, s21, $0xb8;
	[tilespmem:$0x19000] =	vst v63  }
0xf7: {  	_ =	swait.ge [sflag:s28], $0x3400  }
0xf8: {  	[sflag:s28] =	ssyncset.done $0x0  }
0xf9: {  	[sflag:s28] =	ssyncadd.s32 $0xFFFFCC00  }
0xfa: {  	_ =	swait.ge [sflag:s28], $0x3000  }
0xfb: {  	[sflag:s28] =	ssyncset.done $0x0  }
0xfc: {  	s8 =	simm.s32 $0xFFFF9C00;
	[sflag:s28] =	ssyncadd.s32 $0xFFFFD000  }
0xfd: {  	v0 =	vld [tilespmem:s8+$0x12C00]  }
0xfe: {  	v2 =	vld [tilespmem:s8+$0x12C10]  }
0xff: {  	s9 =	simm.s32 $0xFFFE7200;
	v1 =	vld [tilespmem:s8+$0x12C20]  }
.LBB2_18:
0x100: {  	p0 =	sne.s32 s9, $0xFFFFFE00;
	v3 =	vld [tilespmem:s8+$0x12C30];
	_ =	sdelay $0x1  }
0x101: {  	v0 =	vmul.f32 $8.000000000e+00, v0  }
.Ltmp8:
0x102: {  	v2 =	vmul.f32 $8.000000000e+00, v2;
	(pc) =	sbr.rel @p0 .LBB2_18-.Ltmp8, $4  }
0x103: {  	s12 =	sshra.s32 s9, $0x2;
	[tilespmem:s8+$0x12C00] =	vst v0;
	v1 =	vmul.f32 $8.000000000e+00, v1  }
0x104: {  	v0 =	vld [tilespmem:s12+$0x12C00];
	[tilespmem:s8+$0x12C10] =	vst v2;
	v3 =	vmul.f32 $8.000000000e+00, v3  }
0x105: {  	v2 =	vld [tilespmem:s12+$0x12C10];
	[tilespmem:s8+$0x12C20] =	vst v1  }
0x106: {  	s9 =	sadd.s32 $0x200, s9;
	v1 =	vld [tilespmem:s12+$0x12C20];
	[tilespmem:s8+$0x12C30] =	vst v3;
	s8 =	smov.u32 s12  }
0x107: {  	v3 =	vld [tilespmem:s8+$0x12C30];
	_ =	sdelay $0x1  }
0x108: {  	v0 =	vmul.f32 $8.000000000e+00, v0  }
0x109: {  	v2 =	vmul.f32 $8.000000000e+00, v2  }
0x10a: {  	[tilespmem:s8+$0x12C00] =	vst v0;
	v0 =	vmul.f32 $8.000000000e+00, v1  }
0x10b: {  	[tilespmem:s8+$0x12C10] =	vst v2;
	v1 =	vmul.f32 $8.000000000e+00, v3  }
0x10c: {  	[tilespmem:s8+$0x12C20] =	vst v0  }
0x10d: {  	s13 =	rddreg [dreg:$0x7];
	[tilespmem:s8+$0x12C30] =	vst v1  }
0x10e: {  	[hbm4b:s13+s2] =	stream.linear.scatter [tilespmem:s24], [sflag:$0x5], $0x6400, $0x38;
	[tilespmem:$0x19000] =	vst v63  }
0x10f: {  	_ =	swait.ge [sflag:s30], $0x6400  }
0x110: {  	[sflag:s30] =	ssyncset.done $0x0  }
0x111: {  	s14 =	simm.s32 $0x6338;
	[sflag:s30] =	ssyncadd.s32 $0xFFFF9C00  }
0x112: {  	[tilespmem:s24], [sflag:$0x2] =	stream.indirect.gather [hbm4b:s4+s19], $0x80, s14, s19, $0xb8;
	[tilespmem:$0x19000] =	vst v63  }
0x113: {  	s15 =	simm.s32 $0x63A0  }
0x114: {  	[tilespmem:s26], [sflag:$0x2] =	stream.indirect.gather [hbm4b:s4+s21], $0x80, s15, s21, $0xb8;
	[tilespmem:$0x19000] =	vst v63  }
0x115: {  	_ =	swait.ge [sflag:s23], $0x3400  }
0x116: {  	[sflag:s23] =	ssyncset.done $0x0  }
0x117: {  	[sflag:s23] =	ssyncadd.s32 $0xFFFFCC00  }
0x118: {  	_ =	swait.ge [sflag:s23], $0x3000  }
0x119: {  	[sflag:s23] =	ssyncset.done $0x0  }
0x11a: {  	s8 =	simm.s32 $0xFFFF9C00;
	[sflag:s23] =	ssyncadd.s32 $0xFFFFD000  }
0x11b: {  	v0 =	vld [tilespmem:s8+$0x19000]  }
0x11c: {  	v2 =	vld [tilespmem:s8+$0x19010]  }
0x11d: {  	s9 =	simm.s32 $0xFFFE7200;
	v1 =	vld [tilespmem:s8+$0x19020]  }
.LBB2_20:
0x11e: {  	p0 =	sne.s32 s9, $0xFFFFFE00;
	v3 =	vld [tilespmem:s8+$0x19030];
	_ =	sdelay $0x1  }
0x11f: {  	v0 =	vmul.f32 $8.000000000e+00, v0  }
.Ltmp9:
0x120: {  	v2 =	vmul.f32 $8.000000000e+00, v2;
	(pc) =	sbr.rel @p0 .LBB2_20-.Ltmp9, $4  }
0x121: {  	s12 =	sshra.s32 s9, $0x2;
	[tilespmem:s8+$0x19000] =	vst v0;
	v1 =	vmul.f32 $8.000000000e+00, v1  }
0x122: {  	v0 =	vld [tilespmem:s12+$0x19000];
	[tilespmem:s8+$0x19010] =	vst v2;
	v3 =	vmul.f32 $8.000000000e+00, v3  }
0x123: {  	v2 =	vld [tilespmem:s12+$0x19010];
	[tilespmem:s8+$0x19020] =	vst v1  }
0x124: {  	s9 =	sadd.s32 $0x200, s9;
	v1 =	vld [tilespmem:s12+$0x19020];
	[tilespmem:s8+$0x19030] =	vst v3;
	s8 =	smov.u32 s12  }
0x125: {  	v3 =	vld [tilespmem:s8+$0x19030];
	_ =	sdelay $0x1  }
0x126: {  	v0 =	vmul.f32 $8.000000000e+00, v0  }
0x127: {  	v2 =	vmul.f32 $8.000000000e+00, v2  }
0x128: {  	[tilespmem:s8+$0x19000] =	vst v0;
	v0 =	vmul.f32 $8.000000000e+00, v1  }
0x129: {  	[tilespmem:s8+$0x19010] =	vst v2;
	v1 =	vmul.f32 $8.000000000e+00, v3  }
0x12a: {  	[tilespmem:s8+$0x19020] =	vst v0  }
0x12b: {  	s15 =	simm.s32 $0x0;
	s9 =	rddreg [dreg:$0x8];
	[tilespmem:s8+$0x19030] =	vst v1  }
0x12c: {  	[hbm4b:s9+s15] =	stream.linear.scatter [tilespmem:s29], [sflag:$0x6], $0x6400, $0x38;
	[tilespmem:$0x19000] =	vst v63  }
0x12d: {  	_ =	swait.ge [sflag:s0], $0x3400  }
0x12e: {  	[sflag:s0] =	ssyncset.done $0x0  }
0x12f: {  	[sflag:s0] =	ssyncadd.s32 $0xFFFFCC00  }
0x130: {  	_ =	swait.ge [sflag:s0], $0x3000  }
0x131: {  	[sflag:s0] =	ssyncset.done $0x0  }
0x132: {  	s8 =	simm.s32 $0x0;
	[sflag:s0] =	ssyncadd.s32 $0xFFFFD000  }
0x133: {  	v0 =	vld [tilespmem:s8+$0x6400]  }
0x134: {  	v2 =	vld [tilespmem:s8+$0x6410]  }
0x135: {  	s9 =	simm.s32 $0x200;
	v1 =	vld [tilespmem:s8+$0x6420]  }
.LBB2_22:
0x136: {  	p0 =	sne.s32 s9, $0x18E00;
	v3 =	vld [tilespmem:s8+$0x6430];
	_ =	sdelay $0x1  }
0x137: {  	v0 =	vmul.f32 $8.000000000e+00, v0  }
.Ltmp10:
0x138: {  	v2 =	vmul.f32 $8.000000000e+00, v2;
	(pc) =	sbr.rel @p0 .LBB2_22-.Ltmp10, $4  }
0x139: {  	s12 =	sshra.s32 s9, $0x2;
	[tilespmem:s8+$0x6400] =	vst v0;
	v1 =	vmul.f32 $8.000000000e+00, v1  }
0x13a: {  	v0 =	vld [tilespmem:s12+$0x6400];
	[tilespmem:s8+$0x6410] =	vst v2;
	v3 =	vmul.f32 $8.000000000e+00, v3  }
0x13b: {  	v2 =	vld [tilespmem:s12+$0x6410];
	[tilespmem:s8+$0x6420] =	vst v1  }
0x13c: {  	s9 =	sadd.s32 $0x200, s9;
	v1 =	vld [tilespmem:s12+$0x6420];
	[tilespmem:s8+$0x6430] =	vst v3;
	s8 =	smov.u32 s12  }
0x13d: {  	v3 =	vld [tilespmem:s8+$0x6430];
	_ =	sdelay $0x1  }
0x13e: {  	v0 =	vmul.f32 $8.000000000e+00, v0  }
0x13f: {  	v2 =	vmul.f32 $8.000000000e+00, v2  }
0x140: {  	[tilespmem:s8+$0x6400] =	vst v0;
	v0 =	vmul.f32 $8.000000000e+00, v1  }
0x141: {  	[tilespmem:s8+$0x6410] =	vst v2;
	v1 =	vmul.f32 $8.000000000e+00, v3  }
0x142: {  	[tilespmem:s8+$0x6420] =	vst v0  }
0x143: {  	s15 =	rddreg [dreg:$0x9];
	[tilespmem:s8+$0x6430] =	vst v1  }
0x144: {  	[hbm4b:s15+s2] =	stream.linear.scatter [tilespmem:s20], [sflag:$0x4], $0x6400, $0x38;
	[tilespmem:$0x19000] =	vst v63  }
0x145: {  	_ =	swait.ge [sflag:s28], $0x3400  }
0x146: {  	[sflag:s28] =	ssyncset.done $0x0  }
0x147: {  	[sflag:s28] =	ssyncadd.s32 $0xFFFFCC00  }
0x148: {  	_ =	swait.ge [sflag:s28], $0x3000  }
0x149: {  	[sflag:s28] =	ssyncset.done $0x0  }
0x14a: {  	s8 =	simm.s32 $0xFFFF9C00;
	[sflag:s28] =	ssyncadd.s32 $0xFFFFD000  }
0x14b: {  	v0 =	vld [tilespmem:s8+$0x12C00]  }
0x14c: {  	v2 =	vld [tilespmem:s8+$0x12C10]  }
0x14d: {  	s9 =	simm.s32 $0xFFFE7200;
	v1 =	vld [tilespmem:s8+$0x12C20]  }
.LBB2_24:
0x14e: {  	p0 =	sne.s32 s9, $0xFFFFFE00;
	v3 =	vld [tilespmem:s8+$0x12C30];
	_ =	sdelay $0x1  }
0x14f: {  	v0 =	vmul.f32 $8.000000000e+00, v0  }
.Ltmp11:
0x150: {  	v2 =	vmul.f32 $8.000000000e+00, v2;
	(pc) =	sbr.rel @p0 .LBB2_24-.Ltmp11, $4  }
0x151: {  	s12 =	sshra.s32 s9, $0x2;
	[tilespmem:s8+$0x12C00] =	vst v0;
	v1 =	vmul.f32 $8.000000000e+00, v1  }
0x152: {  	v0 =	vld [tilespmem:s12+$0x12C00];
	[tilespmem:s8+$0x12C10] =	vst v2;
	v3 =	vmul.f32 $8.000000000e+00, v3  }
0x153: {  	v2 =	vld [tilespmem:s12+$0x12C10];
	[tilespmem:s8+$0x12C20] =	vst v1  }
0x154: {  	s9 =	sadd.s32 $0x200, s9;
	v1 =	vld [tilespmem:s12+$0x12C20];
	[tilespmem:s8+$0x12C30] =	vst v3;
	s8 =	smov.u32 s12  }
0x155: {  	v3 =	vld [tilespmem:s8+$0x12C30];
	_ =	sdelay $0x1  }
0x156: {  	v0 =	vmul.f32 $8.000000000e+00, v0  }
0x157: {  	v2 =	vmul.f32 $8.000000000e+00, v2  }
0x158: {  	[tilespmem:s8+$0x12C00] =	vst v0;
	v62 =	vmul.f32 $8.000000000e+00, v1  }
0x159: {  	[tilespmem:s8+$0x12C10] =	vst v2;
	v63 =	vmul.f32 $8.000000000e+00, v3  }
0x15a: {  	[tilespmem:s8+$0x12C20] =	vst v62  }
0x15b: {  	[tilespmem:s8+$0x12C30] =	vst v63  }
0x15c: {  	[hbm4b:s16+s2] =	stream.linear.scatter [tilespmem:s24], [sflag:$0x5], $0x6400, $0x38;
	[tilespmem:$0x19000] =	vst v63  }
0x15d: {  	_ =	swait.ge [sflag:s1], $0x6400  }
0x15e: {  	[sflag:s1] =	ssyncset.done $0x0  }
0x15f: {  	s6 =	sadd.s32 $0x1, s6;
	[sflag:s1] =	ssyncadd.s32 $0xFFFF9C00  }
0x160: {  	p0 =	sne.s32 s6, s17;
	_ =	swait.ge [sflag:s30], $0x6400  }
.Ltmp12:
0x161: {  	[sflag:s30] =	ssyncset.done $0x0;
	(pc) =	sbr.rel @p0 .LBB2_1-.Ltmp12, $4  }
0x162: {  	[sflag:s30] =	ssyncadd.s32 $0xFFFF9C00  }
0x163: {  	_ =	swait.ge [sflag:s25], $0x6400  }
0x164: {  	[sflag:s25] =	ssyncset.done $0x0  }
0x165: {  	[sflag:s25] =	ssyncadd.s32 $0xFFFF9C00  }
0x166: {  	_ =	sfence.sel $0x180000  }
0x167: {  	[bflag:$0x0] =	sbarrier.arrive $0xFFFF  }
0x168: {  	_ =	strace $0x90000047  }
0x169: {  	s0 =	stileid.u32;
	[bflag:$0x2] =	sbarrier.arrive $0xFFFF  }
0x16a: {  	p0 =	sne.s32 s0, $0x0;
	s0 =	rddreg [dreg:$0x2]  }
0x16b: {  	s0 =	sadd.s32 @!p0 $0x100000, s0  }
0x16c: {  	[sflag:s0] =	ssyncadd.tile.s32 @!p0 $0x1;
	_ =	shalt  }
.Lfunc_end2:
_tile_overlayer_lowered:
.L_overlay_start_2:
0x16d: {  	(tag) =	ssettag $0x2  }
0x16e: {  	s0 =	rddreg [dreg:$0x0];
	s2 =	stileid.u32  }
0x16f: {  	s1 =	rddreg [dreg:$0x1];
	p0 =	sne.s32 s2, $0x0  }
0x170: {  	s3 =	rddreg [dreg:$0x2];
	[bflag:$0x3] =	sbarrier.arrive $0xFFFF;
	s2 =	simm.s32 @!p0 $0x1C07  }
0x171: {  	[timem:s3], [sflag:s2] =	dma.local @!p0 [hbm:s0], s1  }
0x172: {  	s0 =	simm.s32 @!p0 $0x7  }
0x173: {  	_ =	swait.ge @!p0 [sflag:s0], s1  }
0x174: {  	s1 =	ssub.s32 @!p0 $0x0, s1;
	[sflag:s0] =	ssyncset.done @!p0 $0x0  }
0x175: {  	[sflag:s0] =	ssyncadd.s32 @!p0 s1  }
0x176: {  	[bflag:$0x3] =	sbarrier.arrive $0xFFFF  }
0x177: {  	_ =	shalt  }

// kernel: sparse-core-data-format-call.cloned.1.call-start
scs
called_computation_lowered:
.L_overlay_start_0:
0x0: {  	s2 =	sld [smem:$0x3FD9]  }
0x1: {  	s3 =	sld [smem:$0x3FFE];
	_ =	sdelay $0x1  }
0x2: {  	s1 =	srdreg.scid  }
0x3: {  	s0 =	sand.u32 $0x1, s1  }
0x4: {  	s18 =	sshll.u32 s0, $0xA;
	s2 =	sadd.s32 s3, s2  }
0x5: {  	s2 =	sadd.s32 s2, s18  }
0x6: {  	[smem:$0x3FC6] =	sst s2  }
0x7: {  	_ = 	snop  }
0x8: {  	s2 =	sld [smem:$0x3FD0];
	(tm) =	ssettm $0x1  }
0x9: {  	s19 =	sld [smem:$0x3FFB];
	_ =	sdelay $0x3  }
0xa: {  	_ =	strace s19  }
0xb: {  	s3 =	sld [smem:$0x3FFC];
	_ =	sdelay $0x3  }
0xc: {  	_ =	strace s3  }
0xd: {  	s3 =	sld [smem:$0x3FFD];
	_ =	sdelay $0x3  }
0xe: {  	_ =	strace s3  }
0xf: {  	_ =	strace $0x8FFFFFFF  }
0x10: {  	s20 =	sld [smem:$0x3FDB];
	_ =	sdelay $0x1  }
0x11: {  	s4 =	simm.s32 $_scs_section_size  }
0x12: {  	s5 =	simm.s32 $_size__tile_overlayer_lowered;
	s6 =	simm.s32 $_tile_overlayer_lowered  }
0x13: {  	s23 =	simm.s32 $0x1BFF;
	s22 =	sshll.u32 s6, $0x1;
	s3 =	sadd.s32 s4, s20  }
0x14: {  	s7 =	simm.s32 $0x0;
	s21 =	sshll.u32 s5, $0x1;
	s5 =	sadd.s32 s22, s3  }
0x15: {  	[timem:s7], [sflag:s23] =	dma.local [hbm:s5], s21  }
0x16: {  	_ =	swait.ge [sflag:s23], s21  }
0x17: {  	s4 =	ssub.s32 $0x0, s21;
	[sflag:s23] =	ssyncset.done $0x0  }
0x18: {  	[sflag:s23] =	ssyncadd.s32 s4;
	_ =	sdelay $0x1  }
0x19: {  	s24 =	simm.s32 $0x1B8B  }
0x1a: {  	_ =	swait.ge [sflag:s24], $0x1  }
0x1b: {  	[sflag:s24] =	ssyncset.done $0x0  }
0x1c: {  	s26 =	simm.s32 $0x1B8E;
	s25 =	sld [smem:$0x3FFE];
	[sflag:s24] =	ssyncadd.s32 $0xFFFFFFFF  }
0x1d: {  	s27 =	simm.s32 $execute0_lowered;
	[smem:$0x3FD2] =	sst s26  }
0x1e: {  	s5 =	sshll.u32 s27, $0x1;
	_ =	strace $0x80000049;
	[dreg:$0x1] =	wrdreg $0xFFFFFFFF  }
0x1f: {  	s28 =	simm.s32 $_size_execute0_lowered;
	s3 =	sadd.s32 s3, s5;
	[dreg:$0x0] =	wrdreg $0x0  }
0x20: {  	s5 =	sshll.u32 s28, $0x1;
	[dreg:$0x2] =	wrdreg s3  }
0x21: {  	[dreg:$0x3] =	wrdreg s5  }
0x22: {  	[dreg:$0x4] =	wrdreg $0xC0  }
0x23: {  	_ =	task [dreg:s7], $0x5FFFF  }
0x24: {  	[dreg:$0x1] =	wrdreg $0xFFFFFFFF  }
0x25: {  	[dreg:$0x0] =	wrdreg $0x60  }
0x26: {  	[dreg:$0x2] =	wrdreg s25  }
0x27: {  	[dreg:$0x3] =	wrdreg s2  }
0x28: {  	[dreg:$0x4] =	wrdreg $0x9  }
0x29: {  	_ =	task.clear_ibuf [dreg:s7], $0x5FFFF;
	_ =	strace $0x90000049  }
0x2a: {  	s29 =	simm.s32 $0x9;
	_ =	strace $0x8000004B  }
0x2b: {  	_ =	swait.ge [sflag:s29], $0x1  }
0x2c: {  	[sflag:s29] =	ssyncadd.s32 $0xFFFFFFFF  }
0x2d: {  	_ =	strace $0x9000004B  }
0x2e: {  	_ =	sfence  }
0x2f: {  	s30 =	sld [smem:$0x0];
	_ =	sdelay $0x2  }
0x30: {  	s31 =	sshll.u32 s1, $0xD;
	s1 =	sshrl.u32 s1, $0x2  }
0x31: {  	s3 =	sand.u32 $0x4000, s31;
	s1 =	sadd.s32 s1, s30  }
0x32: {  	s0 =	sor.u32 s3, s0;
	s1 =	sshll.u32 s1, $0x11  }
0x33: {  	s0 =	sor.u32 s1, s0  }
0x34: {  	s0 =	sadd.s32 $0x8F2B, s0  }
0x35: {  	[sflag:s0] =	ssyncadd.remote.s32 $0x1  }
0x36: {  	_ =	sfence.sel $0xFFFF  }
0x37: {  	[dreg:$0x0] =	wrdreg $0xFFFFFFFF;
	(pc) =	sbr.abs _section_cstart, $3  }
0x38: {  	[dreg:$0x1] =	wrdreg $0xFFFFFFFF  }
0x39: {  	_ =	task.clear_ibuf [dreg:s7], $0x2FFFF;
	_ =	strace $0x9FFFFFFF  }
0x3a: {  	(tm) =	ssettm $0x7FFFFFFF  }
0x3b: {  	_ =	shalt  }
tec
execute0_lowered:
.L_overlay_start_1:
0x0: {  	(tag) =	ssettag $0x1  }
0x1: {  	s0 =	srdreg.scid  }
0x2: {  	s1 =	sshll.u32 s0, $0x4  }
0x3: {  	s0 =	stileid.u32;
	s1 =	sand.u32 $0x10, s1  }
0x4: {  	s1 =	sor.u32 s0, s1  }
0x5: {  	s6 =	rddreg [dreg:$0x0];
	s4 =	simm.s32 $0x1;
	s2 =	sshll.u32 s1, $0x7  }
0x6: {  	s7 =	simm.s32 $0x2;
	s12 =	simm.s32 $0x0;
	s1 =	ssub.s32 $0x1000, s2  }
0x7: {  	s8 =	simm.s32 $0x8000;
	s13 =	simm.s32 $0x0;
	s3 =	sand.u32 $0xF80, s1  }
0x8: {  	s9 =	simm.s32 $0x0;
	s5 =	sshrl.u32 s1, $0xC;
	p0 =	sne.s32 s3, $0x0  }
.Ltmp0:
0x9: {  	s1 =	rddreg [dreg:$0x2];
	s4 =	simm.s32 @!p0 $0x0;
	(pc) =	sbr.rel .LBB1_1-.Ltmp0, $4  }
0xa: {  	s11 =	simm.s32 $0x0;
	s3 =	rddreg [dreg:$0x1];
	s5 =	sadd.s32 s4, s5  }
0xb: {  	_ =	strace $0x8000004A;
	s4 =	simm.s32 $0x1;
	s5 =	smul.u32 $0xC8, s5  }
0xc: {  	s6 =	sadd.s32 $0xA00, s6;
	s10 =	smov.u32 s2;
	[sflag:s4] =	ssyncpa.u1 $0x0  }
0xd: {  	p0 =	por $0x0, $0x0;
	[sflag:s7] =	ssyncpa.u1 $0x0;
	s7 =	sor.u32 $0x1, s5  }
.LBB1_4:
0xe: {  	s16 =	sshll.u32 s13, $0x3;
	s17 =	sand.u32 $0x78, s13  }
0xf: {  	s30 =	sand.u32 $0x7E00, s13;
	s12 =	sshll.u32 s12, $0xF;
	s16 =	sand.u32 $0xC00, s16  }
0x10: {  	[tilespmem:s15+$0x810 ss:$0x81] =	vst.msk $0xffff, v2;
	s31 =	sand.u32 $0x7, s13;
	s16 =	sor.u32 s17, s16;
	s17 =	sadd.s32 s3, s30  }
0x11: {  	[tilespmem:s15+$0x1020 ss:$0x81] =	vst.msk $0xffff, v0;
	s13 =	sshll.u32 s31, $0x12;
	s12 =	sadd.s32 s12, s17;
	s16 =	sshrl.u32 s16, $0x3  }
0x12: {  	[tilespmem:s15+$0x0 ss:$0x81] =	vst.msk $0xffff, v1;
	s13 =	sor.u32 $0x400, s13;
	s12 =	sadd.s32 s16, s12  }
0x13: {  	[hbm4b:s12+s13] =	stream.strided.scatter [tilespmem:s14], [sflag:$0x2], $0x2000, s8, s13, $0x20;
	[tilespmem:$0x8080] =	vst v63  }
.LBB1_5:
0x14: {  	s14 =	sadd.s32 $0x1, s9  }
0x15: {  	s12 =	sadd.s32 $0x1000, s10;
	s16 =	smov.u32 s10;
	p2 =	sgt.s32 s14, $0xC7  }
0x16: {  	s16 =	smov.u32 @p2 s12  }
0x17: {  	s14 =	simm.s32 @p2 $0x0;
	p2 =	sgt.s32 s16, $0xFFF  }
0x18: {  	s16 =	smov.u32 @p2 s2;
	p2 =	sne.s32 s11, s7  }
.Ltmp1:
0x19: {  	p1 =	slt.u32 s11, $0x2;
	(pc) =	sbr.rel @!p2 .LBB1_6-.Ltmp1, $4  }
0x1a: {  	s15 =	simm.s32 @!p1 $0x2  }
0x1b: {  	s13 =	smov.u32 s10;
	p0 =	por !p0, !p0;
	_ =	swait.ge @!p1 [sflag:s15], $0x2000  }
0x1c: {  	s12 =	smov.u32 s9;
	[sflag:s15] =	ssyncset.done @!p1 $0x0;
	s9 =	smov.u32 s14  }
0x1d: {  	s11 =	sadd.s32 $0x1, s11;
	[sflag:s15] =	ssyncadd.s32 @!p1 $0xFFFFE000;
	s10 =	smov.u32 s16  }
.LBB1_1:
0x1e: {  	p1 =	sge.u32 s11, s5  }
0x1f: {  	s14 =	sand.u32 @!p1 $0x1FFFFFF, s9  }
0x20: {  	s15 =	smulhi.u32 @!p1 $0x147AE15, s14;
	_ =	sdelay $0x1  }
0x21: {  	s15 =	smul.u32 @!p1 $0xC8, s15  }
0x22: {  	s16 =	sxor.u32 @!p1 $0xFFFFFFFF, s11;
	s17 =	smul.u32 @!p1 $0xC80, s10  }
0x23: {  	s31 =	sadd.s32 $0xFFFFFFFF, s11;
	s16 =	sshll.u32 @!p1 s16, $0xD;
	s14 =	ssub.s32 @!p1 s14, s15  }
0x24: {  	s15 =	sand.u32 @!p1 $0x2000, s16;
	s16 =	sadd.s32 @!p1 s6, s17;
	s14 =	sshll.u32 @!p1 s14, $0x4  }
0x25: {  	s17 =	simm.s32 @!p1 $0x6400;
	s14 =	sadd.s32 @!p1 s14, s16;
	s16 =	simm.s32 @!p1 $0x40  }
0x26: {  	[tilespmem:s15], [sflag:$0x1] =	stream.strided.gather @!p1 [hbm4b:s14+s16], $0x2000, s17, s16, $0x38;
	[tilespmem:$0x8080] =	vst v63  }
0x27: {  	p1 =	sge.u32 s31, s5  }
.Ltmp2:
0x28: {  	_ = 	snop;
	(pc) =	sbr.rel @p1 .LBB1_5-.Ltmp2, $1  }
0x29: {  	_ =	sdelay $0x3  }
0x2a: {  	s14 =	simm.s32 $0x1  }
0x2b: {  	_ =	swait.ge [sflag:s4], $0x2000;
	s14 =	simm.s32 @!p0 $0x0  }
0x2c: {  	[sflag:s4] =	ssyncset.done $0x0;
	s15 =	sshll.u32 s14, $0xD  }
0x2d: {  	[sflag:s4] =	ssyncadd.s32 $0xFFFFE000;
	s18 =	sor.u32 $0x20, s15  }
0x2e: {  	s14 =	smul.u32 $0x8100, s14;
	v3 =	vld [tilespmem:s18+$0x10]  }
0x2f: {  	s30 =	sand.u32 $0x1, s11;
	v2 =	vld [tilespmem:s18+$0xFFFFFFF0]  }
0x30: {  	s15 =	smul.u32 $0x8100, s30;
	s14 =	sshrl.u32 s14, $0x2;
	v0 =	vld [tilespmem:s18+$0x0]  }
0x31: {  	v1 =	vld [tilespmem:s18+$0xFFFFFFE0];
	s16 =	sor.u32 $0x4000, s14  }
0x32: {  	s31 =	sshrl.u32 s15, $0x2;
	s15 =	sadd.s32 $0x0, s16  }
0x33: {  	s17 =	simm.s32 $0x4;
	s18 =	sadd.s32 $0x40, s18;
	s14 =	sor.u32 $0x4000, s31;
	[tilespmem:s15+$0x1830 ss:$0x81] =	vst.msk $0xffff, v3  }
.LBB1_3:
0x34: {  	v3 =	vld [tilespmem:s18+$0x10];
	p1 =	sne.s32 s17, $0x1FC;
	[tilespmem:s15+$0x810 ss:$0x81] =	vst.msk $0xffff, v2;
	s19 =	smov.u32 s17;
	s17 =	sadd.s32 $0x4, s17  }
.Ltmp3:
0x35: {  	v2 =	vld [tilespmem:s18+$0xFFFFFFF0];
	[tilespmem:s15+$0x1020 ss:$0x81] =	vst.msk $0xffff, v0;
	(pc) =	sbr.rel @p1 .LBB1_3-.Ltmp3, $4  }
0x36: {  	v0 =	vld [tilespmem:s18+$0x0];
	[tilespmem:s15+$0x0 ss:$0x81] =	vst.msk $0xffff, v1  }
0x37: {  	s15 =	sshra.s32 s19, $0x2;
	v1 =	vld [tilespmem:s18+$0xFFFFFFE0]  }
0x38: {  	s15 =	sadd.s32 s15, s16  }
0x39: {  	s18 =	sadd.s32 $0x40, s18;
	[tilespmem:s15+$0x1830 ss:$0x81] =	vst.msk $0xffff, v3  }
.Ltmp4:
0x3a: {  	_ = 	snop;
	(pc) =	sbr.rel .LBB1_4-.Ltmp4, $1  }
0x3b: {  	_ =	sdelay $0x3  }
.LBB1_6:
0x3c: {  	_ =	sfence.sel $0x180000  }
0x3d: {  	s2 =	simm.s32 $0x1;
	[bflag:$0x0] =	sbarrier.arrive $0xFFFF  }
0x3e: {  	s31 =	simm.s32 $0x2;
	[sflag:s2] =	ssyncpa.u1 $0x1  }
0x3f: {  	[sflag:s31] =	ssyncpa.u1 $0x1  }
0x40: {  	p0 =	sne.s32 s0, $0x0;
	_ =	strace $0x9000004A  }
0x41: {  	s0 =	sadd.s32 @!p0 $0x100000, s1;
	[bflag:$0x2] =	sbarrier.arrive $0xFFFF  }
0x42: {  	[sflag:s0] =	ssyncadd.tile.s32 @!p0 $0x1;
	_ =	shalt  }
.Lfunc_end1:
_tile_overlayer_lowered:
.L_overlay_start_2:
0x43: {  	(tag) =	ssettag $0x2  }
0x44: {  	s0 =	rddreg [dreg:$0x0];
	s2 =	stileid.u32  }
0x45: {  	s1 =	rddreg [dreg:$0x1];
	p0 =	sne.s32 s2, $0x0  }
0x46: {  	s3 =	rddreg [dreg:$0x2];
	[bflag:$0x3] =	sbarrier.arrive $0xFFFF;
	s2 =	simm.s32 @!p0 $0x1C01  }
0x47: {  	[timem:s3], [sflag:s2] =	dma.local @!p0 [hbm:s0], s1  }
0x48: {  	s0 =	simm.s32 @!p0 $0x1  }
0x49: {  	_ =	swait.ge @!p0 [sflag:s0], s1  }
0x4a: {  	s1 =	ssub.s32 @!p0 $0x0, s1;
	[sflag:s0] =	ssyncset.done @!p0 $0x0  }
0x4b: {  	[sflag:s0] =	ssyncadd.s32 @!p0 s1  }
0x4c: {  	[bflag:$0x3] =	sbarrier.arrive $0xFFFF  }
0x4d: {  	_ =	shalt  }

</sc_bundles>
